<compile_context>
chip_gen: v7x
topology: tpu7x:2x2x1
jax: 0.10.2.dev20260603
libtpu: 0.0.44.dev20260713+nightly
codegen_flags: <defaults>
</compile_context>

<pallas_src>
import functools

import jax
import jax.numpy as jnp
from jax import lax
from jax.experimental import pallas as pl
from jax.experimental.pallas import tpu as pltpu
from jax.experimental.pallas import tpu_sc as plsc

N = 10000
NP = 10240
E = 320000
F_IN = 128
H = 64
C = 40
FP = 64

NC = 2
NS = 16
NW = NC * NS
EPT = E // NW
K = 400
NCHUNK = EPT // K
RPT = NP // NS

_mesh = plsc.VectorSubcoreMesh(core_axis_name="c", subcore_axis_name="s")



@functools.partial(
    pl.kernel,
    out_type=jax.ShapeDtypeStruct((NC, NP, 16), jnp.float32),
    mesh=_mesh,
    compiler_params=pltpu.CompilerParams(use_tc_tiling_on_sc=False),
    scratch_types=[
        pltpu.VMEM((EPT,), jnp.int32),
        pltpu.VMEM((K, 16), jnp.float32),
        pltpu.VMEM_SHARED((NP, 16), jnp.float32),
        pltpu.SemaphoreType.DMA,
    ],
)
def _sc_degree(ei_hbm, ones_hbm, z16_hbm, out_hbm, colv, onesv, acc, sem):
    c = lax.axis_index("c")
    s = lax.axis_index("s")
    wid = c * NS + s
    pltpu.async_copy(z16_hbm.at[pl.ds(s * RPT, RPT)],
                     acc.at[pl.ds(s * RPT, RPT)], sem)
    pltpu.sync_copy(ones_hbm, onesv)
    pltpu.sync_copy(ei_hbm.at[pl.ds(E + wid * EPT, EPT)], colv)
    pltpu.make_async_copy(z16_hbm.at[pl.ds(s * RPT, RPT)],
                          acc.at[pl.ds(s * RPT, RPT)], sem).wait()
    plsc.subcore_barrier()

    @pl.loop(0, NCHUNK, step=5)
    def _group(g):
        for b in range(5):
            for h in range(2):
                pltpu.async_copy(
                    onesv.at[pl.ds(0, K // 2)],
                    acc.at[colv.at[pl.ds((g + b) * K + h * (K // 2), K // 2)]],
                    sem, add=True)
        for b in range(5):
            for h in range(2):
                pltpu.make_async_copy(
                    onesv.at[pl.ds(0, K // 2)],
                    acc.at[colv.at[pl.ds((g + b) * K + h * (K // 2), K // 2)]],
                    sem).wait()

    plsc.subcore_barrier()
    pltpu.sync_copy(acc.at[pl.ds(s * RPT, RPT)], out_hbm.at[c, pl.ds(s * RPT, RPT)])


@functools.partial(
    pl.kernel,
    out_type=jax.ShapeDtypeStruct((NC, NP, FP), jnp.float32),
    mesh=_mesh,
    compiler_params=pltpu.CompilerParams(use_tc_tiling_on_sc=False),
    scratch_types=[
        pltpu.VMEM((EPT,), jnp.int32),
        pltpu.VMEM((EPT,), jnp.int32),
        pltpu.VMEM((K, FP), jnp.float32),
        pltpu.VMEM((K, FP), jnp.float32),
        pltpu.VMEM_SHARED((NP, FP), jnp.float32),
        pltpu.SemaphoreType.DMA,
        pltpu.SemaphoreType.DMA,
    ],
)
def _sc_msg(hp_hbm, ei_hbm, z64_hbm, out_hbm,
            rowv, colv, buf_a, buf_b, acc, sem_a, sem_b):
    c = lax.axis_index("c")
    s = lax.axis_index("s")
    wid = c * NS + s
    pltpu.async_copy(z64_hbm.at[pl.ds(s * RPT, RPT)],
                     acc.at[pl.ds(s * RPT, RPT)], sem_b)
    pltpu.async_copy(ei_hbm.at[pl.ds(wid * EPT, EPT)], rowv, sem_a)
    pltpu.make_async_copy(ei_hbm.at[pl.ds(wid * EPT, EPT)], rowv, sem_a).wait()

    def _gather(j, buf, sem):
        pltpu.async_copy(hp_hbm.at[rowv.at[pl.ds(j * K, K)]], buf, sem)

    def _gather_wait(j, buf, sem):
        pltpu.make_async_copy(hp_hbm.at[rowv.at[pl.ds(j * K, K)]], buf, sem).wait()

    KH = K // 2

    def _scatter_sync(j, buf):
        pltpu.sync_copy(buf.at[pl.ds(0, KH)],
                        acc.at[colv.at[pl.ds(j * K, KH)]], add=True)
        pltpu.sync_copy(buf.at[pl.ds(KH, KH)],
                        acc.at[colv.at[pl.ds(j * K + KH, KH)]], add=True)

    _gather(0, buf_a, sem_a)
    pltpu.sync_copy(ei_hbm.at[pl.ds(E + wid * EPT, EPT)], colv)
    pltpu.make_async_copy(z64_hbm.at[pl.ds(s * RPT, RPT)],
                          acc.at[pl.ds(s * RPT, RPT)], sem_b).wait()
    plsc.subcore_barrier()

    @pl.loop(0, NCHUNK - 1, step=2)
    def _pair(j):
        _gather(j + 1, buf_b, sem_b)
        _gather_wait(j, buf_a, sem_a)
        _scatter_sync(j, buf_a)

        @pl.when(j + 2 < NCHUNK)
        def _():
            _gather(j + 2, buf_a, sem_a)

        _gather_wait(j + 1, buf_b, sem_b)
        _scatter_sync(j + 1, buf_b)

    if NCHUNK % 2:
        _gather_wait(NCHUNK - 1, buf_a, sem_a)
        _scatter_sync(NCHUNK - 1, buf_a)

    plsc.subcore_barrier()
    pltpu.sync_copy(acc.at[pl.ds(s * RPT, RPT)], out_hbm.at[c, pl.ds(s * RPT, RPT)])



NP2 = NP // 2
_BLK = 2560
_GRID = NP2 // _BLK


def _prep_body(deg_ref, x2_ref, w1d_ref, rex_ref, dis_ref, hp_ref):
    d32 = 1.0 + deg_ref[0] + deg_ref[1]
    dis32 = lax.rsqrt(d32)
    dis = jnp.dot(dis32, rex_ref[...], preferred_element_type=jnp.float32)
    dis_ref[...] = dis
    h = jnp.dot(x2_ref[...], w1d_ref[...], preferred_element_type=jnp.float32,
                precision=lax.Precision.HIGHEST)
    hp_ref[...] = dis * h


def _combine_body(acc_ref, hp_ref, dis_ref, b_ref, wd_ref, hpn_ref):
    dis = dis_ref[...]
    h = dis * (acc_ref[0] + acc_ref[1] + hp_ref[...]) + b_ref[...]
    h = jnp.maximum(h, 0.0)
    hn = jnp.dot(h, wd_ref[...], preferred_element_type=jnp.float32,
                 precision=lax.Precision.HIGHEST)
    hpn_ref[...] = dis * hn


def _final_body(acc_ref, hp_ref, dis_ref, b_ref, out_ref):
    logits = dis_ref[...] * (acc_ref[0] + acc_ref[1] + hp_ref[...]) + b_ref[...]
    lanes = lax.broadcasted_iota(jnp.int32, logits.shape, 1)
    left = lanes < FP
    valid = (lanes % FP) < C
    neg = jnp.float32(-jnp.inf)
    lm = jnp.where(valid, logits, neg)
    m_l = jnp.max(jnp.where(left, lm, neg), axis=1, keepdims=True)
    m_r = jnp.max(jnp.where(left, neg, lm), axis=1, keepdims=True)
    m = jnp.where(left, m_l, m_r)
    ex = jnp.where(valid, jnp.exp(logits - m), 0.0)
    s_l = jnp.sum(jnp.where(left, ex, 0.0), axis=1, keepdims=True)
    s_r = jnp.sum(jnp.where(left, 0.0, ex), axis=1, keepdims=True)
    lse = jnp.log(jnp.where(left, s_l, s_r)) + m
    out_ref[...] = logits - lse


def _row_spec(f):
    return pl.BlockSpec((_BLK, f), lambda i: (i, 0))


def _full_spec(shape):
    return pl.BlockSpec(shape, lambda i: tuple(0 for _ in shape))


def _tc_prep(deg2, x2, w1d, rex):
    return pl.pallas_call(
        _prep_body,
        grid=(_GRID,),
        in_specs=[pl.BlockSpec((2, _BLK, 32), lambda i: (0, i, 0)),
                  _row_spec(2 * F_IN), _full_spec((2 * F_IN, 128)),
                  _full_spec((32, 128))],
        out_specs=[_row_spec(128), _row_spec(128)],
        out_shape=[jax.ShapeDtypeStruct((NP2, 128), jnp.float32),
                   jax.ShapeDtypeStruct((NP2, 128), jnp.float32)],
    )(deg2, x2, w1d, rex)


def _tc_combine(acc2, hp, dis, b, wd):
    return pl.pallas_call(
        _combine_body,
        grid=(_GRID,),
        in_specs=[pl.BlockSpec((2, _BLK, 128), lambda i: (0, i, 0)),
                  _row_spec(128), _row_spec(128), _full_spec((1, 128)),
                  _full_spec((128, 128))],
        out_specs=[_row_spec(128)],
        out_shape=[jax.ShapeDtypeStruct((NP2, 128), jnp.float32)],
    )(acc2, hp, dis, b, wd)[0]


def _tc_final(acc2, hp, dis, b):
    return pl.pallas_call(
        _final_body,
        grid=(_GRID,),
        in_specs=[pl.BlockSpec((2, _BLK, 128), lambda i: (0, i, 0)),
                  _row_spec(128), _row_spec(128), _full_spec((1, 128))],
        out_specs=[_row_spec(128)],
        out_shape=[jax.ShapeDtypeStruct((NP2, 128), jnp.float32)],
    )(acc2, hp, dis, b)[0]



def _blockdiag(w):
    fi, fo = w.shape
    z = jnp.zeros((fi, fo), jnp.float32)
    return jnp.concatenate([
        jnp.concatenate([w, z], axis=1),
        jnp.concatenate([z, w], axis=1),
    ], axis=0)


def kernel(x, edge_index, W1, b1, W2, b2, W3, b3):
    ones16 = jnp.ones((K, 16), jnp.float32)
    z16 = jnp.zeros((NP, 16), jnp.float32)
    z64 = jnp.zeros((NP, FP), jnp.float32)
    x2 = jnp.pad(x, ((0, NP - N), (0, 0))).reshape(NP2, 2 * F_IN)
    w3p = jnp.pad(W3, ((0, 0), (0, FP - C)))
    w1d = _blockdiag(W1)
    w2d = _blockdiag(W2)
    w3d = _blockdiag(w3p)
    rex = jnp.zeros((32, 128), jnp.float32)
    rex = rex.at[0, :64].set(1.0).at[16, 64:].set(1.0)
    b1p = jnp.concatenate([b1, b1]).reshape(1, 128)
    b2p = jnp.concatenate([b2, b2]).reshape(1, 128)
    b3f = jnp.pad(b3, (0, FP - C))
    b3p = jnp.concatenate([b3f, b3f]).reshape(1, 128)

    eif = edge_index.reshape(2 * E)
    deg = _sc_degree(eif, ones16, z16)
    deg2 = deg.reshape(NC, NP2, 32)
    dis, hp1 = _tc_prep(deg2, x2, w1d, rex)

    acc1 = _sc_msg(hp1.reshape(NP, FP), eif, z64)
    hp2 = _tc_combine(acc1.reshape(NC, NP2, 128), hp1, dis, b1p, w2d)

    acc2 = _sc_msg(hp2.reshape(NP, FP), eif, z64)
    hp3 = _tc_combine(acc2.reshape(NC, NP2, 128), hp2, dis, b2p, w3d)

    acc3 = _sc_msg(hp3.reshape(NP, FP), eif, z64)
    out = _tc_final(acc3.reshape(NC, NP2, 128), hp3, dis, b3p)
    return out.reshape(NP, FP)[:N, :C]

# --- scband reference (transcript-rebuilt; emitter-appended) ---
"""Pipeline reference for scband-net-56599079026982 (READ-ONLY COPY).

The authoritative reference and input builder live on the scoring server;
editing this copy changes nothing except your own understanding.
"""

import jax, jax.numpy as jnp
import numpy as np

N = 10000
E = 320000
F_IN = 128
H = 64
C = 40


def setup_inputs(seed: int = 0) -> dict:
    key = jax.random.key(seed)
    ks = jax.random.split(key, 9)
    x = jax.random.normal(ks[0], (N, F_IN), dtype=jnp.float32)
    edge_index = jax.random.randint(ks[1], (2, E), 0, N, dtype=jnp.int32)
    def glorot(k, fan_in, fan_out):
        s = jnp.sqrt(6.0 / (fan_in + fan_out))
        return jax.random.uniform(k, (fan_in, fan_out), dtype=jnp.float32, minval=-s, maxval=s)
    W1 = glorot(ks[2], F_IN, H)
    b1 = jnp.zeros((H,), dtype=jnp.float32)
    W2 = glorot(ks[3], H, H)
    b2 = jnp.zeros((H,), dtype=jnp.float32)
    W3 = glorot(ks[4], H, C)
    b3 = jnp.zeros((C,), dtype=jnp.float32)
    return {"x": x, "edge_index": edge_index, "W1": W1, "b1": b1, "W2": W2, "b2": b2, "W3": W3, "b3": b3}


def gcn_layer(x, edge_index, W, b):
    # GCNConv with normalize=True, add_self_loops=True, edge_weight=None
    row = edge_index[0]
    col = edge_index[1]
    loop = jnp.arange(N, dtype=row.dtype)
    row = jnp.concatenate([row, loop])
    col = jnp.concatenate([col, loop])
    ew = jnp.ones(row.shape[0], dtype=jnp.float32)
    deg = jnp.zeros((N,), dtype=jnp.float32).at[col].add(ew)
    deg_inv_sqrt = jnp.where(deg > 0, 1.0 / jnp.sqrt(jnp.maximum(deg, 1e-12)), 0.0)
    norm = deg_inv_sqrt[row] * ew * deg_inv_sqrt[col]
    h = x @ W
    msg = norm[:, None] * jnp.take(h, row, axis=0)
    out = jnp.zeros((N, W.shape[1]), dtype=jnp.float32).at[col].add(msg)
    return out + b


def reference(x, edge_index, W1, b1, W2, b2, W3, b3):
    # dropout is identity in eval mode (training=False)
    h = jax.nn.relu(gcn_layer(x, edge_index, W1, b1))
    h = jax.nn.relu(gcn_layer(h, edge_index, W2, b2))
    h = gcn_layer(h, edge_index, W3, b3)
    return jax.nn.log_softmax(h, axis=1)

if __name__ == "__main__":
    import jax
    _d = setup_inputs()
    print(jax.jit(kernel)(*tuple(_d.values())))

</pallas_src>

<mosaic_0001>
#map = affine_map<(d0, d1) -> (0, 0)>
#map1 = affine_map<(d0, d1) -> (0)>
#map2 = affine_map<(d0, d1) -> (0, 0, 0)>
module attributes {stable_mosaic.version = 14 : i64} {
  func.func @_sc_msg(%arg0: i32, %arg1: i32, %arg2: memref<10240x64xf32, #tpu.memory_space<hbm>>, %arg3: memref<640000xi32, #tpu.memory_space<hbm>>, %arg4: memref<10240x64xf32, #tpu.memory_space<hbm>>, %arg5: memref<2x10240x64xf32, #tpu.memory_space<hbm>>, %arg6: memref<10000xi32, #tpu.memory_space<vmem>>, %arg7: memref<10000xi32, #tpu.memory_space<vmem>>, %arg8: memref<400x64xf32, #tpu.memory_space<vmem>>, %arg9: memref<400x64xf32, #tpu.memory_space<vmem>>, %arg10: memref<10240x64xf32, #tpu.memory_space<vmem_shared>>, %arg11: memref<!tpu.dma_semaphore, #tpu.memory_space<semaphore_mem>>, %arg12: memref<!tpu.dma_semaphore, #tpu.memory_space<semaphore_mem>>) attributes {dimension_semantics = [#tpu.dimension_semantics<core_parallel>, #tpu.dimension_semantics<subcore_parallel>], iteration_bounds = array<i64: 2, 16>, scalar_prefetch = 0 : i64, scratch_operands = 7 : i64, tpu.core_type = #tpu.core_type<sc_vector_subcore>, window_params = [{transform_indices = #map}, {transform_indices = #map1}, {transform_indices = #map}, {transform_indices = #map2}]} {
    %mul3A = arith.constant 16 : i32
    %mul3A_0 = arith.muli %arg0, %mul3A : i32
    %add3A = arith.addi %mul3A_0, %arg1 : i32
    %mul3A_1 = arith.constant 640 : i32
    %mul3A_2 = arith.muli %arg1, %mul3A_1 : i32
    %mul3A_3 = arith.constant 640 : i32
    %mul3A_4 = arith.muli %arg1, %mul3A_3 : i32
    %dma_start3A = arith.constant 0 : i32
    %dma_start3A_5 = tpu.memref_slice %arg10[%mul3A_4, %dma_start3A] : memref<10240x64xf32, #tpu.memory_space<vmem_shared>> -> memref<640x64xf32, #tpu.memory_space<vmem_shared>>
    %dma_start3A_6 = arith.constant 0 : i32
    %dma_start3A_7 = tpu.memref_slice %arg4[%mul3A_2, %dma_start3A_6] : memref<10240x64xf32, #tpu.memory_space<hbm>> -> memref<640x64xf32, #tpu.memory_space<hbm>>
    tpu.enqueue_dma source(%dma_start3A_7 : memref<640x64xf32, #tpu.memory_space<hbm>>) target(%dma_start3A_5 : memref<640x64xf32, #tpu.memory_space<vmem_shared>>) target_semaphore(%arg12 : memref<!tpu.dma_semaphore, #tpu.memory_space<semaphore_mem>>)
    %mul3A_8 = arith.constant 10000 : i32
    %mul3A_9 = arith.muli %add3A, %mul3A_8 : i32
    %dma_start3A_10 = tpu.memref_slice %arg3[%mul3A_9] : memref<640000xi32, #tpu.memory_space<hbm>> -> memref<10000xi32, #tpu.memory_space<hbm>>
    %dma_start3A_11 = tpu.memref_slice %arg3[%mul3A_9] : memref<640000xi32, #tpu.memory_space<hbm>> -> memref<10000xi32, #tpu.memory_space<hbm>>
    tpu.enqueue_dma source(%dma_start3A_11 : memref<10000xi32, #tpu.memory_space<hbm>>) target(%arg6 : memref<10000xi32, #tpu.memory_space<vmem>>) target_semaphore(%arg11 : memref<!tpu.dma_semaphore, #tpu.memory_space<semaphore_mem>>)
    %mul3A_12 = arith.constant 10000 : i32
    %mul3A_13 = arith.muli %add3A, %mul3A_12 : i32
    %dma_wait3A = tpu.memref_slice %arg3[%mul3A_13] : memref<640000xi32, #tpu.memory_space<hbm>> -> memref<10000xi32, #tpu.memory_space<hbm>>
    %dma_wait3A_14 = tpu.memref_slice %arg3[%mul3A_13] : memref<640000xi32, #tpu.memory_space<hbm>> -> memref<10000xi32, #tpu.memory_space<hbm>>
    tpu.wait_dma2 semaphore(%arg11 : memref<!tpu.dma_semaphore, #tpu.memory_space<semaphore_mem>>) src(%dma_wait3A_14 : memref<10000xi32, #tpu.memory_space<hbm>>) dst(%arg6 : memref<10000xi32, #tpu.memory_space<vmem>>)
    %dma_start3A_15 = arith.constant 0 : i32
    %dma_start3A_16 = tpu.memref_slice %arg6[%dma_start3A_15] : memref<10000xi32, #tpu.memory_space<vmem>> -> memref<400xi32, #tpu.memory_space<vmem>>
    %dma_start3A_17 = arith.constant 0 : i32
    %dma_start3A_18 = arith.constant 0 : i32
    %dma_start3A_19 = tpu.memref_slice %arg2[%dma_start3A_17, %dma_start3A_18] : memref<10240x64xf32, #tpu.memory_space<hbm>> -> memref<10240x64xf32, #tpu.memory_space<hbm>>
    tpu.enqueue_indirect_dma source(%dma_start3A_19 : memref<10240x64xf32, #tpu.memory_space<hbm>>) target(%arg8 : memref<400x64xf32, #tpu.memory_space<vmem>>) offsets(%dma_start3A_16 : memref<400xi32, #tpu.memory_space<vmem>>) semaphore(%arg11 : memref<!tpu.dma_semaphore, #tpu.memory_space<semaphore_mem>>)
    %mul3A_20 = arith.constant 10000 : i32
    %mul3A_21 = arith.muli %add3A, %mul3A_20 : i32
    %add3A_22 = arith.constant 320000 : i32
    %add3A_23 = arith.addi %add3A_22, %mul3A_21 : i32
    "tpu.region"() ({
      %run_scoped3A = tpu.sem_alloc : memref<!tpu.dma_semaphore, #tpu.memory_space<semaphore_mem>>
      %dma_start3A_46 = tpu.memref_slice %arg3[%add3A_23] : memref<640000xi32, #tpu.memory_space<hbm>> -> memref<10000xi32, #tpu.memory_space<hbm>>
      %dma_start3A_47 = tpu.memref_slice %arg3[%add3A_23] : memref<640000xi32, #tpu.memory_space<hbm>> -> memref<10000xi32, #tpu.memory_space<hbm>>
      tpu.enqueue_dma source(%dma_start3A_47 : memref<10000xi32, #tpu.memory_space<hbm>>) target(%arg7 : memref<10000xi32, #tpu.memory_space<vmem>>) target_semaphore(%run_scoped3A : memref<!tpu.dma_semaphore, #tpu.memory_space<semaphore_mem>>)
      %dma_wait3A_48 = tpu.memref_slice %arg3[%add3A_23] : memref<640000xi32, #tpu.memory_space<hbm>> -> memref<10000xi32, #tpu.memory_space<hbm>>
      %dma_wait3A_49 = tpu.memref_slice %arg3[%add3A_23] : memref<640000xi32, #tpu.memory_space<hbm>> -> memref<10000xi32, #tpu.memory_space<hbm>>
      tpu.wait_dma2 semaphore(%run_scoped3A : memref<!tpu.dma_semaphore, #tpu.memory_space<semaphore_mem>>) src(%dma_wait3A_49 : memref<10000xi32, #tpu.memory_space<hbm>>) dst(%arg7 : memref<10000xi32, #tpu.memory_space<vmem>>)
      tpu.yield
    }) : () -> ()
    %mul3A_24 = arith.constant 640 : i32
    %mul3A_25 = arith.muli %arg1, %mul3A_24 : i32
    %mul3A_26 = arith.constant 640 : i32
    %mul3A_27 = arith.muli %arg1, %mul3A_26 : i32
    %dma_wait3A_28 = arith.constant 0 : i32
    %dma_wait3A_29 = tpu.memref_slice %arg10[%mul3A_27, %dma_wait3A_28] : memref<10240x64xf32, #tpu.memory_space<vmem_shared>> -> memref<640x64xf32, #tpu.memory_space<vmem_shared>>
    %dma_wait3A_30 = arith.constant 0 : i32
    %dma_wait3A_31 = tpu.memref_slice %arg4[%mul3A_25, %dma_wait3A_30] : memref<10240x64xf32, #tpu.memory_space<hbm>> -> memref<640x64xf32, #tpu.memory_space<hbm>>
    tpu.wait_dma2 semaphore(%arg12 : memref<!tpu.dma_semaphore, #tpu.memory_space<semaphore_mem>>) src(%dma_wait3A_31 : memref<640x64xf32, #tpu.memory_space<hbm>>) dst(%dma_wait3A_29 : memref<640x64xf32, #tpu.memory_space<vmem_shared>>)
    %barrier3A = arith.constant 0 : index
    tpu.barrier barrier_id(%barrier3A)
    %scan3A = arith.constant 0 : i32
    %scan3A_32 = arith.constant 12 : i32
    %scan3A_33 = arith.addi %scan3A, %scan3A_32 : i32
    %scan3A_34 = arith.constant 1 : i32
    scf.for %scan3A_46 = %scan3A to %scan3A_33 step %scan3A_34  : i32 {
      %mul3A_47 = arith.constant 2 : i32
      %mul3A_48 = arith.muli %scan3A_46, %mul3A_47 : i32
      %add3A_49 = arith.constant 0 : i32
      %add3A_50 = arith.addi %add3A_49, %mul3A_48 : i32
      %add3A_51 = arith.constant 1 : i32
      %add3A_52 = arith.addi %add3A_50, %add3A_51 : i32
      %mul3A_53 = arith.constant 400 : i32
      %mul3A_54 = arith.muli %add3A_52, %mul3A_53 : i32
      %dma_start3A_55 = tpu.memref_slice %arg6[%mul3A_54] : memref<10000xi32, #tpu.memory_space<vmem>> -> memref<400xi32, #tpu.memory_space<vmem>>
      %dma_start3A_56 = arith.constant 0 : i32
      %dma_start3A_57 = arith.constant 0 : i32
      %dma_start3A_58 = tpu.memref_slice %arg2[%dma_start3A_56, %dma_start3A_57] : memref<10240x64xf32, #tpu.memory_space<hbm>> -> memref<10240x64xf32, #tpu.memory_space<hbm>>
      tpu.enqueue_indirect_dma source(%dma_start3A_58 : memref<10240x64xf32, #tpu.memory_space<hbm>>) target(%arg9 : memref<400x64xf32, #tpu.memory_space<vmem>>) offsets(%dma_start3A_55 : memref<400xi32, #tpu.memory_space<vmem>>) semaphore(%arg12 : memref<!tpu.dma_semaphore, #tpu.memory_space<semaphore_mem>>)
      %mul3A_59 = arith.constant 400 : i32
      %mul3A_60 = arith.muli %add3A_50, %mul3A_59 : i32
      %dma_wait3A_61 = tpu.memref_slice %arg6[%mul3A_60] : memref<10000xi32, #tpu.memory_space<vmem>> -> memref<400xi32, #tpu.memory_space<vmem>>
      %dma_wait3A_62 = arith.constant 0 : i32
      %dma_wait3A_63 = arith.constant 0 : i32
      %dma_wait3A_64 = tpu.memref_slice %arg2[%dma_wait3A_62, %dma_wait3A_63] : memref<10240x64xf32, #tpu.memory_space<hbm>> -> memref<10240x64xf32, #tpu.memory_space<hbm>>
      tpu.wait_indirect_dma semaphore(%arg11 : memref<!tpu.dma_semaphore, #tpu.memory_space<semaphore_mem>>) src(%dma_wait3A_64 : memref<10240x64xf32, #tpu.memory_space<hbm>>) dst(%arg8 : memref<400x64xf32, #tpu.memory_space<vmem>>)
      %mul3A_65 = arith.constant 400 : i32
      %mul3A_66 = arith.muli %add3A_50, %mul3A_65 : i32
      "tpu.region"() ({
        %run_scoped3A = tpu.sem_alloc : memref<!tpu.dma_semaphore, #tpu.memory_space<semaphore_mem>>
        %dma_start3A_91 = arith.constant 0 : i32
        %dma_start3A_92 = arith.constant 0 : i32
        %dma_start3A_93 = tpu.memref_slice %arg8[%dma_start3A_91, %dma_start3A_92] : memref<400x64xf32, #tpu.memory_space<vmem>> -> memref<200x64xf32, #tpu.memory_space<vmem>>
        %dma_start3A_94 = tpu.memref_slice %arg7[%mul3A_66] : memref<10000xi32, #tpu.memory_space<vmem>> -> memref<200xi32, #tpu.memory_space<vmem>>
        %dma_start3A_95 = arith.constant 0 : i32
        %dma_start3A_96 = arith.constant 0 : i32
        %dma_start3A_97 = tpu.memref_slice %arg10[%dma_start3A_95, %dma_start3A_96] : memref<10240x64xf32, #tpu.memory_space<vmem_shared>> -> memref<10240x64xf32, #tpu.memory_space<vmem_shared>>
        tpu.enqueue_indirect_dma source(%dma_start3A_93 : memref<200x64xf32, #tpu.memory_space<vmem>>) target(%dma_start3A_97 : memref<10240x64xf32, #tpu.memory_space<vmem_shared>>) offsets(%dma_start3A_94 : memref<200xi32, #tpu.memory_space<vmem>>) semaphore(%run_scoped3A : memref<!tpu.dma_semaphore, #tpu.memory_space<semaphore_mem>>) {add = true}
        %dma_wait3A_98 = arith.constant 0 : i32
        %dma_wait3A_99 = arith.constant 0 : i32
        %dma_wait3A_100 = tpu.memref_slice %arg8[%dma_wait3A_98, %dma_wait3A_99] : memref<400x64xf32, #tpu.memory_space<vmem>> -> memref<200x64xf32, #tpu.memory_space<vmem>>
        %dma_wait3A_101 = tpu.memref_slice %arg7[%mul3A_66] : memref<10000xi32, #tpu.memory_space<vmem>> -> memref<200xi32, #tpu.memory_space<vmem>>
        %dma_wait3A_102 = arith.constant 0 : i32
        %dma_wait3A_103 = arith.constant 0 : i32
        %dma_wait3A_104 = tpu.memref_slice %arg10[%dma_wait3A_102, %dma_wait3A_103] : memref<10240x64xf32, #tpu.memory_space<vmem_shared>> -> memref<10240x64xf32, #tpu.memory_space<vmem_shared>>
        tpu.wait_indirect_dma semaphore(%run_scoped3A : memref<!tpu.dma_semaphore, #tpu.memory_space<semaphore_mem>>) src(%dma_wait3A_100 : memref<200x64xf32, #tpu.memory_space<vmem>>) dst(%dma_wait3A_104 : memref<10240x64xf32, #tpu.memory_space<vmem_shared>>)
        tpu.yield
      }) : () -> ()
      %mul3A_67 = arith.constant 400 : i32
      %mul3A_68 = arith.muli %add3A_50, %mul3A_67 : i32
      %add3A_69 = arith.constant 200 : i32
      %add3A_70 = arith.addi %mul3A_68, %add3A_69 : i32
      "tpu.region"() ({
        %run_scoped3A = tpu.sem_alloc : memref<!tpu.dma_semaphore, #tpu.memory_space<semaphore_mem>>
        %dma_start3A_91 = arith.constant 200 : i32
        %dma_start3A_92 = arith.constant 0 : i32
        %dma_start3A_93 = tpu.memref_slice %arg8[%dma_start3A_91, %dma_start3A_92] : memref<400x64xf32, #tpu.memory_space<vmem>> -> memref<200x64xf32, #tpu.memory_space<vmem>>
        %dma_start3A_94 = tpu.memref_slice %arg7[%add3A_70] : memref<10000xi32, #tpu.memory_space<vmem>> -> memref<200xi32, #tpu.memory_space<vmem>>
        %dma_start3A_95 = arith.constant 0 : i32
        %dma_start3A_96 = arith.constant 0 : i32
        %dma_start3A_97 = tpu.memref_slice %arg10[%dma_start3A_95, %dma_start3A_96] : memref<10240x64xf32, #tpu.memory_space<vmem_shared>> -> memref<10240x64xf32, #tpu.memory_space<vmem_shared>>
        tpu.enqueue_indirect_dma source(%dma_start3A_93 : memref<200x64xf32, #tpu.memory_space<vmem>>) target(%dma_start3A_97 : memref<10240x64xf32, #tpu.memory_space<vmem_shared>>) offsets(%dma_start3A_94 : memref<200xi32, #tpu.memory_space<vmem>>) semaphore(%run_scoped3A : memref<!tpu.dma_semaphore, #tpu.memory_space<semaphore_mem>>) {add = true}
        %dma_wait3A_98 = arith.constant 200 : i32
        %dma_wait3A_99 = arith.constant 0 : i32
        %dma_wait3A_100 = tpu.memref_slice %arg8[%dma_wait3A_98, %dma_wait3A_99] : memref<400x64xf32, #tpu.memory_space<vmem>> -> memref<200x64xf32, #tpu.memory_space<vmem>>
        %dma_wait3A_101 = tpu.memref_slice %arg7[%add3A_70] : memref<10000xi32, #tpu.memory_space<vmem>> -> memref<200xi32, #tpu.memory_space<vmem>>
        %dma_wait3A_102 = arith.constant 0 : i32
        %dma_wait3A_103 = arith.constant 0 : i32
        %dma_wait3A_104 = tpu.memref_slice %arg10[%dma_wait3A_102, %dma_wait3A_103] : memref<10240x64xf32, #tpu.memory_space<vmem_shared>> -> memref<10240x64xf32, #tpu.memory_space<vmem_shared>>
        tpu.wait_indirect_dma semaphore(%run_scoped3A : memref<!tpu.dma_semaphore, #tpu.memory_space<semaphore_mem>>) src(%dma_wait3A_100 : memref<200x64xf32, #tpu.memory_space<vmem>>) dst(%dma_wait3A_104 : memref<10240x64xf32, #tpu.memory_space<vmem_shared>>)
        tpu.yield
      }) : () -> ()
      %add3A_71 = arith.constant 2 : i32
      %add3A_72 = arith.addi %add3A_50, %add3A_71 : i32
      %lt3A = arith.constant 25 : i32
      %lt3A_73 = arith.cmpi slt, %add3A_72, %lt3A : i32
      %convert_element_type3A = arith.extui %lt3A_73 : i1 to i32
      %cond3A = arith.constant 0 : i32
      %cond3A_74 = arith.cmpi ne, %convert_element_type3A, %cond3A : i32
      scf.if %cond3A_74 {
        %add3A_91 = arith.constant 2 : i32
        %add3A_92 = arith.addi %add3A_50, %add3A_91 : i32
        %mul3A_93 = arith.constant 400 : i32
        %mul3A_94 = arith.muli %add3A_92, %mul3A_93 : i32
        %dma_start3A_95 = tpu.memref_slice %arg6[%mul3A_94] : memref<10000xi32, #tpu.memory_space<vmem>> -> memref<400xi32, #tpu.memory_space<vmem>>
        %dma_start3A_96 = arith.constant 0 : i32
        %dma_start3A_97 = arith.constant 0 : i32
        %dma_start3A_98 = tpu.memref_slice %arg2[%dma_start3A_96, %dma_start3A_97] : memref<10240x64xf32, #tpu.memory_space<hbm>> -> memref<10240x64xf32, #tpu.memory_space<hbm>>
        tpu.enqueue_indirect_dma source(%dma_start3A_98 : memref<10240x64xf32, #tpu.memory_space<hbm>>) target(%arg8 : memref<400x64xf32, #tpu.memory_space<vmem>>) offsets(%dma_start3A_95 : memref<400xi32, #tpu.memory_space<vmem>>) semaphore(%arg11 : memref<!tpu.dma_semaphore, #tpu.memory_space<semaphore_mem>>)
      } else {
      }
      %add3A_75 = arith.constant 1 : i32
      %add3A_76 = arith.addi %add3A_50, %add3A_75 : i32
      %mul3A_77 = arith.constant 400 : i32
      %mul3A_78 = arith.muli %add3A_76, %mul3A_77 : i32
      %dma_wait3A_79 = tpu.memref_slice %arg6[%mul3A_78] : memref<10000xi32, #tpu.memory_space<vmem>> -> memref<400xi32, #tpu.memory_space<vmem>>
      %dma_wait3A_80 = arith.constant 0 : i32
      %dma_wait3A_81 = arith.constant 0 : i32
      %dma_wait3A_82 = tpu.memref_slice %arg2[%dma_wait3A_80, %dma_wait3A_81] : memref<10240x64xf32, #tpu.memory_space<hbm>> -> memref<10240x64xf32, #tpu.memory_space<hbm>>
      tpu.wait_indirect_dma semaphore(%arg12 : memref<!tpu.dma_semaphore, #tpu.memory_space<semaphore_mem>>) src(%dma_wait3A_82 : memref<10240x64xf32, #tpu.memory_space<hbm>>) dst(%arg9 : memref<400x64xf32, #tpu.memory_space<vmem>>)
      %add3A_83 = arith.constant 1 : i32
      %add3A_84 = arith.addi %add3A_50, %add3A_83 : i32
      %mul3A_85 = arith.constant 400 : i32
      %mul3A_86 = arith.muli %add3A_84, %mul3A_85 : i32
      "tpu.region"() ({
        %run_scoped3A = tpu.sem_alloc : memref<!tpu.dma_semaphore, #tpu.memory_space<semaphore_mem>>
        %dma_start3A_91 = arith.constant 0 : i32
        %dma_start3A_92 = arith.constant 0 : i32
        %dma_start3A_93 = tpu.memref_slice %arg9[%dma_start3A_91, %dma_start3A_92] : memref<400x64xf32, #tpu.memory_space<vmem>> -> memref<200x64xf32, #tpu.memory_space<vmem>>
        %dma_start3A_94 = tpu.memref_slice %arg7[%mul3A_86] : memref<10000xi32, #tpu.memory_space<vmem>> -> memref<200xi32, #tpu.memory_space<vmem>>
        %dma_start3A_95 = arith.constant 0 : i32
        %dma_start3A_96 = arith.constant 0 : i32
        %dma_start3A_97 = tpu.memref_slice %arg10[%dma_start3A_95, %dma_start3A_96] : memref<10240x64xf32, #tpu.memory_space<vmem_shared>> -> memref<10240x64xf32, #tpu.memory_space<vmem_shared>>
        tpu.enqueue_indirect_dma source(%dma_start3A_93 : memref<200x64xf32, #tpu.memory_space<vmem>>) target(%dma_start3A_97 : memref<10240x64xf32, #tpu.memory_space<vmem_shared>>) offsets(%dma_start3A_94 : memref<200xi32, #tpu.memory_space<vmem>>) semaphore(%run_scoped3A : memref<!tpu.dma_semaphore, #tpu.memory_space<semaphore_mem>>) {add = true}
        %dma_wait3A_98 = arith.constant 0 : i32
        %dma_wait3A_99 = arith.constant 0 : i32
        %dma_wait3A_100 = tpu.memref_slice %arg9[%dma_wait3A_98, %dma_wait3A_99] : memref<400x64xf32, #tpu.memory_space<vmem>> -> memref<200x64xf32, #tpu.memory_space<vmem>>
        %dma_wait3A_101 = tpu.memref_slice %arg7[%mul3A_86] : memref<10000xi32, #tpu.memory_space<vmem>> -> memref<200xi32, #tpu.memory_space<vmem>>
        %dma_wait3A_102 = arith.constant 0 : i32
        %dma_wait3A_103 = arith.constant 0 : i32
        %dma_wait3A_104 = tpu.memref_slice %arg10[%dma_wait3A_102, %dma_wait3A_103] : memref<10240x64xf32, #tpu.memory_space<vmem_shared>> -> memref<10240x64xf32, #tpu.memory_space<vmem_shared>>
        tpu.wait_indirect_dma semaphore(%run_scoped3A : memref<!tpu.dma_semaphore, #tpu.memory_space<semaphore_mem>>) src(%dma_wait3A_100 : memref<200x64xf32, #tpu.memory_space<vmem>>) dst(%dma_wait3A_104 : memref<10240x64xf32, #tpu.memory_space<vmem_shared>>)
        tpu.yield
      }) : () -> ()
      %mul3A_87 = arith.constant 400 : i32
      %mul3A_88 = arith.muli %add3A_84, %mul3A_87 : i32
      %add3A_89 = arith.constant 200 : i32
      %add3A_90 = arith.addi %mul3A_88, %add3A_89 : i32
      "tpu.region"() ({
        %run_scoped3A = tpu.sem_alloc : memref<!tpu.dma_semaphore, #tpu.memory_space<semaphore_mem>>
        %dma_start3A_91 = arith.constant 200 : i32
        %dma_start3A_92 = arith.constant 0 : i32
        %dma_start3A_93 = tpu.memref_slice %arg9[%dma_start3A_91, %dma_start3A_92] : memref<400x64xf32, #tpu.memory_space<vmem>> -> memref<200x64xf32, #tpu.memory_space<vmem>>
        %dma_start3A_94 = tpu.memref_slice %arg7[%add3A_90] : memref<10000xi32, #tpu.memory_space<vmem>> -> memref<200xi32, #tpu.memory_space<vmem>>
        %dma_start3A_95 = arith.constant 0 : i32
        %dma_start3A_96 = arith.constant 0 : i32
        %dma_start3A_97 = tpu.memref_slice %arg10[%dma_start3A_95, %dma_start3A_96] : memref<10240x64xf32, #tpu.memory_space<vmem_shared>> -> memref<10240x64xf32, #tpu.memory_space<vmem_shared>>
        tpu.enqueue_indirect_dma source(%dma_start3A_93 : memref<200x64xf32, #tpu.memory_space<vmem>>) target(%dma_start3A_97 : memref<10240x64xf32, #tpu.memory_space<vmem_shared>>) offsets(%dma_start3A_94 : memref<200xi32, #tpu.memory_space<vmem>>) semaphore(%run_scoped3A : memref<!tpu.dma_semaphore, #tpu.memory_space<semaphore_mem>>) {add = true}
        %dma_wait3A_98 = arith.constant 200 : i32
        %dma_wait3A_99 = arith.constant 0 : i32
        %dma_wait3A_100 = tpu.memref_slice %arg9[%dma_wait3A_98, %dma_wait3A_99] : memref<400x64xf32, #tpu.memory_space<vmem>> -> memref<200x64xf32, #tpu.memory_space<vmem>>
        %dma_wait3A_101 = tpu.memref_slice %arg7[%add3A_90] : memref<10000xi32, #tpu.memory_space<vmem>> -> memref<200xi32, #tpu.memory_space<vmem>>
        %dma_wait3A_102 = arith.constant 0 : i32
        %dma_wait3A_103 = arith.constant 0 : i32
        %dma_wait3A_104 = tpu.memref_slice %arg10[%dma_wait3A_102, %dma_wait3A_103] : memref<10240x64xf32, #tpu.memory_space<vmem_shared>> -> memref<10240x64xf32, #tpu.memory_space<vmem_shared>>
        tpu.wait_indirect_dma semaphore(%run_scoped3A : memref<!tpu.dma_semaphore, #tpu.memory_space<semaphore_mem>>) src(%dma_wait3A_100 : memref<200x64xf32, #tpu.memory_space<vmem>>) dst(%dma_wait3A_104 : memref<10240x64xf32, #tpu.memory_space<vmem_shared>>)
        tpu.yield
      }) : () -> ()
    }
    %scan3A_35 = arith.constant 12 : i32
    %dma_wait3A_36 = arith.constant 9600 : i32
    %dma_wait3A_37 = tpu.memref_slice %arg6[%dma_wait3A_36] : memref<10000xi32, #tpu.memory_space<vmem>> -> memref<400xi32, #tpu.memory_space<vmem>>
    %dma_wait3A_38 = arith.constant 0 : i32
    %dma_wait3A_39 = arith.constant 0 : i32
    %dma_wait3A_40 = tpu.memref_slice %arg2[%dma_wait3A_38, %dma_wait3A_39] : memref<10240x64xf32, #tpu.memory_space<hbm>> -> memref<10240x64xf32, #tpu.memory_space<hbm>>
    tpu.wait_indirect_dma semaphore(%arg11 : memref<!tpu.dma_semaphore, #tpu.memory_space<semaphore_mem>>) src(%dma_wait3A_40 : memref<10240x64xf32, #tpu.memory_space<hbm>>) dst(%arg8 : memref<400x64xf32, #tpu.memory_space<vmem>>)
    "tpu.region"() ({
      %run_scoped3A = tpu.sem_alloc : memref<!tpu.dma_semaphore, #tpu.memory_space<semaphore_mem>>
      %dma_start3A_46 = arith.constant 0 : i32
      %dma_start3A_47 = arith.constant 0 : i32
      %dma_start3A_48 = tpu.memref_slice %arg8[%dma_start3A_46, %dma_start3A_47] : memref<400x64xf32, #tpu.memory_space<vmem>> -> memref<200x64xf32, #tpu.memory_space<vmem>>
      %dma_start3A_49 = arith.constant 9600 : i32
      %dma_start3A_50 = tpu.memref_slice %arg7[%dma_start3A_49] : memref<10000xi32, #tpu.memory_space<vmem>> -> memref<200xi32, #tpu.memory_space<vmem>>
      %dma_start3A_51 = arith.constant 0 : i32
      %dma_start3A_52 = arith.constant 0 : i32
      %dma_start3A_53 = tpu.memref_slice %arg10[%dma_start3A_51, %dma_start3A_52] : memref<10240x64xf32, #tpu.memory_space<vmem_shared>> -> memref<10240x64xf32, #tpu.memory_space<vmem_shared>>
      tpu.enqueue_indirect_dma source(%dma_start3A_48 : memref<200x64xf32, #tpu.memory_space<vmem>>) target(%dma_start3A_53 : memref<10240x64xf32, #tpu.memory_space<vmem_shared>>) offsets(%dma_start3A_50 : memref<200xi32, #tpu.memory_space<vmem>>) semaphore(%run_scoped3A : memref<!tpu.dma_semaphore, #tpu.memory_space<semaphore_mem>>) {add = true}
      %dma_wait3A_54 = arith.constant 0 : i32
      %dma_wait3A_55 = arith.constant 0 : i32
      %dma_wait3A_56 = tpu.memref_slice %arg8[%dma_wait3A_54, %dma_wait3A_55] : memref<400x64xf32, #tpu.memory_space<vmem>> -> memref<200x64xf32, #tpu.memory_space<vmem>>
      %dma_wait3A_57 = arith.constant 9600 : i32
      %dma_wait3A_58 = tpu.memref_slice %arg7[%dma_wait3A_57] : memref<10000xi32, #tpu.memory_space<vmem>> -> memref<200xi32, #tpu.memory_space<vmem>>
      %dma_wait3A_59 = arith.constant 0 : i32
      %dma_wait3A_60 = arith.constant 0 : i32
      %dma_wait3A_61 = tpu.memref_slice %arg10[%dma_wait3A_59, %dma_wait3A_60] : memref<10240x64xf32, #tpu.memory_space<vmem_shared>> -> memref<10240x64xf32, #tpu.memory_space<vmem_shared>>
      tpu.wait_indirect_dma semaphore(%run_scoped3A : memref<!tpu.dma_semaphore, #tpu.memory_space<semaphore_mem>>) src(%dma_wait3A_56 : memref<200x64xf32, #tpu.memory_space<vmem>>) dst(%dma_wait3A_61 : memref<10240x64xf32, #tpu.memory_space<vmem_shared>>)
      tpu.yield
    }) : () -> ()
    "tpu.region"() ({
      %run_scoped3A = tpu.sem_alloc : memref<!tpu.dma_semaphore, #tpu.memory_space<semaphore_mem>>
      %dma_start3A_46 = arith.constant 200 : i32
      %dma_start3A_47 = arith.constant 0 : i32
      %dma_start3A_48 = tpu.memref_slice %arg8[%dma_start3A_46, %dma_start3A_47] : memref<400x64xf32, #tpu.memory_space<vmem>> -> memref<200x64xf32, #tpu.memory_space<vmem>>
      %dma_start3A_49 = arith.constant 9800 : i32
      %dma_start3A_50 = tpu.memref_slice %arg7[%dma_start3A_49] : memref<10000xi32, #tpu.memory_space<vmem>> -> memref<200xi32, #tpu.memory_space<vmem>>
      %dma_start3A_51 = arith.constant 0 : i32
      %dma_start3A_52 = arith.constant 0 : i32
      %dma_start3A_53 = tpu.memref_slice %arg10[%dma_start3A_51, %dma_start3A_52] : memref<10240x64xf32, #tpu.memory_space<vmem_shared>> -> memref<10240x64xf32, #tpu.memory_space<vmem_shared>>
      tpu.enqueue_indirect_dma source(%dma_start3A_48 : memref<200x64xf32, #tpu.memory_space<vmem>>) target(%dma_start3A_53 : memref<10240x64xf32, #tpu.memory_space<vmem_shared>>) offsets(%dma_start3A_50 : memref<200xi32, #tpu.memory_space<vmem>>) semaphore(%run_scoped3A : memref<!tpu.dma_semaphore, #tpu.memory_space<semaphore_mem>>) {add = true}
      %dma_wait3A_54 = arith.constant 200 : i32
      %dma_wait3A_55 = arith.constant 0 : i32
      %dma_wait3A_56 = tpu.memref_slice %arg8[%dma_wait3A_54, %dma_wait3A_55] : memref<400x64xf32, #tpu.memory_space<vmem>> -> memref<200x64xf32, #tpu.memory_space<vmem>>
      %dma_wait3A_57 = arith.constant 9800 : i32
      %dma_wait3A_58 = tpu.memref_slice %arg7[%dma_wait3A_57] : memref<10000xi32, #tpu.memory_space<vmem>> -> memref<200xi32, #tpu.memory_space<vmem>>
      %dma_wait3A_59 = arith.constant 0 : i32
      %dma_wait3A_60 = arith.constant 0 : i32
      %dma_wait3A_61 = tpu.memref_slice %arg10[%dma_wait3A_59, %dma_wait3A_60] : memref<10240x64xf32, #tpu.memory_space<vmem_shared>> -> memref<10240x64xf32, #tpu.memory_space<vmem_shared>>
      tpu.wait_indirect_dma semaphore(%run_scoped3A : memref<!tpu.dma_semaphore, #tpu.memory_space<semaphore_mem>>) src(%dma_wait3A_56 : memref<200x64xf32, #tpu.memory_space<vmem>>) dst(%dma_wait3A_61 : memref<10240x64xf32, #tpu.memory_space<vmem_shared>>)
      tpu.yield
    }) : () -> ()
    %barrier3A_41 = arith.constant 0 : index
    tpu.barrier barrier_id(%barrier3A_41)
    %mul3A_42 = arith.constant 640 : i32
    %mul3A_43 = arith.muli %arg1, %mul3A_42 : i32
    %mul3A_44 = arith.constant 640 : i32
    %mul3A_45 = arith.muli %arg1, %mul3A_44 : i32
    "tpu.region"() ({
      %run_scoped3A = tpu.sem_alloc : memref<!tpu.dma_semaphore, #tpu.memory_space<semaphore_mem>>
      %dma_start3A_46 = arith.constant 0 : i32
      %dma_start3A_47 = tpu.memref_slice %arg5[%arg0, %mul3A_45, %dma_start3A_46] : memref<2x10240x64xf32, #tpu.memory_space<hbm>> -> memref<1x640x64xf32, #tpu.memory_space<hbm>>
      %dma_start3A_48 = tpu.memref_squeeze %dma_start3A_47 : memref<1x640x64xf32, #tpu.memory_space<hbm>> -> memref<640x64xf32, #tpu.memory_space<hbm>>
      %dma_start3A_49 = arith.constant 0 : i32
      %dma_start3A_50 = tpu.memref_slice %arg10[%mul3A_43, %dma_start3A_49] : memref<10240x64xf32, #tpu.memory_space<vmem_shared>> -> memref<640x64xf32, #tpu.memory_space<vmem_shared>>
      tpu.enqueue_dma source(%dma_start3A_50 : memref<640x64xf32, #tpu.memory_space<vmem_shared>>) target(%dma_start3A_48 : memref<640x64xf32, #tpu.memory_space<hbm>>) target_semaphore(%run_scoped3A : memref<!tpu.dma_semaphore, #tpu.memory_space<semaphore_mem>>)
      %dma_wait3A_51 = arith.constant 0 : i32
      %dma_wait3A_52 = tpu.memref_slice %arg5[%arg0, %mul3A_45, %dma_wait3A_51] : memref<2x10240x64xf32, #tpu.memory_space<hbm>> -> memref<1x640x64xf32, #tpu.memory_space<hbm>>
      %dma_wait3A_53 = tpu.memref_squeeze %dma_wait3A_52 : memref<1x640x64xf32, #tpu.memory_space<hbm>> -> memref<640x64xf32, #tpu.memory_space<hbm>>
      %dma_wait3A_54 = arith.constant 0 : i32
      %dma_wait3A_55 = tpu.memref_slice %arg10[%mul3A_43, %dma_wait3A_54] : memref<10240x64xf32, #tpu.memory_space<vmem_shared>> -> memref<640x64xf32, #tpu.memory_space<vmem_shared>>
      tpu.wait_dma2 semaphore(%run_scoped3A : memref<!tpu.dma_semaphore, #tpu.memory_space<semaphore_mem>>) src(%dma_wait3A_55 : memref<640x64xf32, #tpu.memory_space<vmem_shared>>) dst(%dma_wait3A_53 : memref<640x64xf32, #tpu.memory_space<hbm>>)
      tpu.yield
    }) : () -> ()
    return
  }
}

#map = affine_map<(d0, d1) -> (0, 0)>
#map1 = affine_map<(d0, d1) -> (0)>
#map2 = affine_map<(d0, d1) -> (0, 0, 0)>
module attributes {stable_mosaic.version = 14 : i64} {
  func.func @_sc_msg(%arg0: i32, %arg1: i32, %arg2: memref<10240x64xf32, #tpu.memory_space<hbm>>, %arg3: memref<640000xi32, #tpu.memory_space<hbm>>, %arg4: memref<10240x64xf32, #tpu.memory_space<hbm>>, %arg5: memref<2x10240x64xf32, #tpu.memory_space<hbm>>, %arg6: memref<10000xi32, #tpu.memory_space<vmem>>, %arg7: memref<10000xi32, #tpu.memory_space<vmem>>, %arg8: memref<400x64xf32, #tpu.memory_space<vmem>>, %arg9: memref<400x64xf32, #tpu.memory_space<vmem>>, %arg10: memref<10240x64xf32, #tpu.memory_space<vmem_shared>>, %arg11: memref<!tpu.dma_semaphore, #tpu.memory_space<semaphore_mem>>, %arg12: memref<!tpu.dma_semaphore, #tpu.memory_space<semaphore_mem>>) attributes {dimension_semantics = [#tpu.dimension_semantics<core_parallel>, #tpu.dimension_semantics<subcore_parallel>], iteration_bounds = array<i64: 2, 16>, scalar_prefetch = 0 : i64, scratch_operands = 7 : i64, tpu.core_type = #tpu.core_type<sc_vector_subcore>, window_params = [{transform_indices = #map}, {transform_indices = #map1}, {transform_indices = #map}, {transform_indices = #map2}]} {
    %mul3A = arith.constant 16 : i32
    %mul3A_0 = arith.muli %arg0, %mul3A : i32
    %add3A = arith.addi %mul3A_0, %arg1 : i32
    %mul3A_1 = arith.constant 640 : i32
    %mul3A_2 = arith.muli %arg1, %mul3A_1 : i32
    %mul3A_3 = arith.constant 640 : i32
    %mul3A_4 = arith.muli %arg1, %mul3A_3 : i32
    %dma_start3A = arith.constant 0 : i32
    %dma_start3A_5 = tpu.memref_slice %arg10[%mul3A_4, %dma_start3A] : memref<10240x64xf32, #tpu.memory_space<vmem_shared>> -> memref<640x64xf32, #tpu.memory_space<vmem_shared>>
    %dma_start3A_6 = arith.constant 0 : i32
    %dma_start3A_7 = tpu.memref_slice %arg4[%mul3A_2, %dma_start3A_6] : memref<10240x64xf32, #tpu.memory_space<hbm>> -> memref<640x64xf32, #tpu.memory_space<hbm>>
    tpu.enqueue_dma source(%dma_start3A_7 : memref<640x64xf32, #tpu.memory_space<hbm>>) target(%dma_start3A_5 : memref<640x64xf32, #tpu.memory_space<vmem_shared>>) target_semaphore(%arg12 : memref<!tpu.dma_semaphore, #tpu.memory_space<semaphore_mem>>)
    %mul3A_8 = arith.constant 10000 : i32
    %mul3A_9 = arith.muli %add3A, %mul3A_8 : i32
    %dma_start3A_10 = tpu.memref_slice %arg3[%mul3A_9] : memref<640000xi32, #tpu.memory_space<hbm>> -> memref<10000xi32, #tpu.memory_space<hbm>>
    %dma_start3A_11 = tpu.memref_slice %arg3[%mul3A_9] : memref<640000xi32, #tpu.memory_space<hbm>> -> memref<10000xi32, #tpu.memory_space<hbm>>
    tpu.enqueue_dma source(%dma_start3A_11 : memref<10000xi32, #tpu.memory_space<hbm>>) target(%arg6 : memref<10000xi32, #tpu.memory_space<vmem>>) target_semaphore(%arg11 : memref<!tpu.dma_semaphore, #tpu.memory_space<semaphore_mem>>)
    %mul3A_12 = arith.constant 10000 : i32
    %mul3A_13 = arith.muli %add3A, %mul3A_12 : i32
    %dma_wait3A = tpu.memref_slice %arg3[%mul3A_13] : memref<640000xi32, #tpu.memory_space<hbm>> -> memref<10000xi32, #tpu.memory_space<hbm>>
    %dma_wait3A_14 = tpu.memref_slice %arg3[%mul3A_13] : memref<640000xi32, #tpu.memory_space<hbm>> -> memref<10000xi32, #tpu.memory_space<hbm>>
    tpu.wait_dma2 semaphore(%arg11 : memref<!tpu.dma_semaphore, #tpu.memory_space<semaphore_mem>>) src(%dma_wait3A_14 : memref<10000xi32, #tpu.memory_space<hbm>>) dst(%arg6 : memref<10000xi32, #tpu.memory_space<vmem>>)
    %dma_start3A_15 = arith.constant 0 : i32
    %dma_start3A_16 = tpu.memref_slice %arg6[%dma_start3A_15] : memref<10000xi32, #tpu.memory_space<vmem>> -> memref<400xi32, #tpu.memory_space<vmem>>
    %dma_start3A_17 = arith.constant 0 : i32
    %dma_start3A_18 = arith.constant 0 : i32
    %dma_start3A_19 = tpu.memref_slice %arg2[%dma_start3A_17, %dma_start3A_18] : memref<10240x64xf32, #tpu.memory_space<hbm>> -> memref<10240x64xf32, #tpu.memory_space<hbm>>
    tpu.enqueue_indirect_dma source(%dma_start3A_19 : memref<10240x64xf32, #tpu.memory_space<hbm>>) target(%arg8 : memref<400x64xf32, #tpu.memory_space<vmem>>) offsets(%dma_start3A_16 : memref<400xi32, #tpu.memory_space<vmem>>) semaphore(%arg11 : memref<!tpu.dma_semaphore, #tpu.memory_space<semaphore_mem>>)
    %mul3A_20 = arith.constant 10000 : i32
    %mul3A_21 = arith.muli %add3A, %mul3A_20 : i32
    %add3A_22 = arith.constant 320000 : i32
    %add3A_23 = arith.addi %add3A_22, %mul3A_21 : i32
    "tpu.region"() ({
      %run_scoped3A = tpu.sem_alloc : memref<!tpu.dma_semaphore, #tpu.memory_space<semaphore_mem>>
      %dma_start3A_46 = tpu.memref_slice %arg3[%add3A_23] : memref<640000xi32, #tpu.memory_space<hbm>> -> memref<10000xi32, #tpu.memory_space<hbm>>
      %dma_start3A_47 = tpu.memref_slice %arg3[%add3A_23] : memref<640000xi32, #tpu.memory_space<hbm>> -> memref<10000xi32, #tpu.memory_space<hbm>>
      tpu.enqueue_dma source(%dma_start3A_47 : memref<10000xi32, #tpu.memory_space<hbm>>) target(%arg7 : memref<10000xi32, #tpu.memory_space<vmem>>) target_semaphore(%run_scoped3A : memref<!tpu.dma_semaphore, #tpu.memory_space<semaphore_mem>>)
      %dma_wait3A_48 = tpu.memref_slice %arg3[%add3A_23] : memref<640000xi32, #tpu.memory_space<hbm>> -> memref<10000xi32, #tpu.memory_space<hbm>>
      %dma_wait3A_49 = tpu.memref_slice %arg3[%add3A_23] : memref<640000xi32, #tpu.memory_space<hbm>> -> memref<10000xi32, #tpu.memory_space<hbm>>
      tpu.wait_dma2 semaphore(%run_scoped3A : memref<!tpu.dma_semaphore, #tpu.memory_space<semaphore_mem>>) src(%dma_wait3A_49 : memref<10000xi32, #tpu.memory_space<hbm>>) dst(%arg7 : memref<10000xi32, #tpu.memory_space<vmem>>)
      tpu.yield
    }) : () -> ()
    %mul3A_24 = arith.constant 640 : i32
    %mul3A_25 = arith.muli %arg1, %mul3A_24 : i32
    %mul3A_26 = arith.constant 640 : i32
    %mul3A_27 = arith.muli %arg1, %mul3A_26 : i32
    %dma_wait3A_28 = arith.constant 0 : i32
    %dma_wait3A_29 = tpu.memref_slice %arg10[%mul3A_27, %dma_wait3A_28] : memref<10240x64xf32, #tpu.memory_space<vmem_shared>> -> memref<640x64xf32, #tpu.memory_space<vmem_shared>>
    %dma_wait3A_30 = arith.constant 0 : i32
    %dma_wait3A_31 = tpu.memref_slice %arg4[%mul3A_25, %dma_wait3A_30] : memref<10240x64xf32, #tpu.memory_space<hbm>> -> memref<640x64xf32, #tpu.memory_space<hbm>>
    tpu.wait_dma2 semaphore(%arg12 : memref<!tpu.dma_semaphore, #tpu.memory_space<semaphore_mem>>) src(%dma_wait3A_31 : memref<640x64xf32, #tpu.memory_space<hbm>>) dst(%dma_wait3A_29 : memref<640x64xf32, #tpu.memory_space<vmem_shared>>)
    %barrier3A = arith.constant 0 : index
    tpu.barrier barrier_id(%barrier3A)
    %scan3A = arith.constant 0 : i32
    %scan3A_32 = arith.constant 12 : i32
    %scan3A_33 = arith.addi %scan3A, %scan3A_32 : i32
    %scan3A_34 = arith.constant 1 : i32
    scf.for %scan3A_46 = %scan3A to %scan3A_33 step %scan3A_34  : i32 {
      %mul3A_47 = arith.constant 2 : i32
      %mul3A_48 = arith.muli %scan3A_46, %mul3A_47 : i32
      %add3A_49 = arith.constant 0 : i32
      %add3A_50 = arith.addi %add3A_49, %mul3A_48 : i32
      %add3A_51 = arith.constant 1 : i32
      %add3A_52 = arith.addi %add3A_50, %add3A_51 : i32
      %mul3A_53 = arith.constant 400 : i32
      %mul3A_54 = arith.muli %add3A_52, %mul3A_53 : i32
      %dma_start3A_55 = tpu.memref_slice %arg6[%mul3A_54] : memref<10000xi32, #tpu.memory_space<vmem>> -> memref<400xi32, #tpu.memory_space<vmem>>
      %dma_start3A_56 = arith.constant 0 : i32
      %dma_start3A_57 = arith.constant 0 : i32
      %dma_start3A_58 = tpu.memref_slice %arg2[%dma_start3A_56, %dma_start3A_57] : memref<10240x64xf32, #tpu.memory_space<hbm>> -> memref<10240x64xf32, #tpu.memory_space<hbm>>
      tpu.enqueue_indirect_dma source(%dma_start3A_58 : memref<10240x64xf32, #tpu.memory_space<hbm>>) target(%arg9 : memref<400x64xf32, #tpu.memory_space<vmem>>) offsets(%dma_start3A_55 : memref<400xi32, #tpu.memory_space<vmem>>) semaphore(%arg12 : memref<!tpu.dma_semaphore, #tpu.memory_space<semaphore_mem>>)
      %mul3A_59 = arith.constant 400 : i32
      %mul3A_60 = arith.muli %add3A_50, %mul3A_59 : i32
      %dma_wait3A_61 = tpu.memref_slice %arg6[%mul3A_60] : memref<10000xi32, #tpu.memory_space<vmem>> -> memref<400xi32, #tpu.memory_space<vmem>>
      %dma_wait3A_62 = arith.constant 0 : i32
      %dma_wait3A_63 = arith.constant 0 : i32
      %dma_wait3A_64 = tpu.memref_slice %arg2[%dma_wait3A_62, %dma_wait3A_63] : memref<10240x64xf32, #tpu.memory_space<hbm>> -> memref<10240x64xf32, #tpu.memory_space<hbm>>
      tpu.wait_indirect_dma semaphore(%arg11 : memref<!tpu.dma_semaphore, #tpu.memory_space<semaphore_mem>>) src(%dma_wait3A_64 : memref<10240x64xf32, #tpu.memory_space<hbm>>) dst(%arg8 : memref<400x64xf32, #tpu.memory_space<vmem>>)
      %mul3A_65 = arith.constant 400 : i32
      %mul3A_66 = arith.muli %add3A_50, %mul3A_65 : i32
      "tpu.region"() ({
        %run_scoped3A = tpu.sem_alloc : memref<!tpu.dma_semaphore, #tpu.memory_space<semaphore_mem>>
        %dma_start3A_91 = arith.constant 0 : i32
        %dma_start3A_92 = arith.constant 0 : i32
        %dma_start3A_93 = tpu.memref_slice %arg8[%dma_start3A_91, %dma_start3A_92] : memref<400x64xf32, #tpu.memory_space<vmem>> -> memref<200x64xf32, #tpu.memory_space<vmem>>
        %dma_start3A_94 = tpu.memref_slice %arg7[%mul3A_66] : memref<10000xi32, #tpu.memory_space<vmem>> -> memref<200xi32, #tpu.memory_space<vmem>>
        %dma_start3A_95 = arith.constant 0 : i32
        %dma_start3A_96 = arith.constant 0 : i32
        %dma_start3A_97 = tpu.memref_slice %arg10[%dma_start3A_95, %dma_start3A_96] : memref<10240x64xf32, #tpu.memory_space<vmem_shared>> -> memref<10240x64xf32, #tpu.memory_space<vmem_shared>>
        tpu.enqueue_indirect_dma source(%dma_start3A_93 : memref<200x64xf32, #tpu.memory_space<vmem>>) target(%dma_start3A_97 : memref<10240x64xf32, #tpu.memory_space<vmem_shared>>) offsets(%dma_start3A_94 : memref<200xi32, #tpu.memory_space<vmem>>) semaphore(%run_scoped3A : memref<!tpu.dma_semaphore, #tpu.memory_space<semaphore_mem>>) {add = true}
        %dma_wait3A_98 = arith.constant 0 : i32
        %dma_wait3A_99 = arith.constant 0 : i32
        %dma_wait3A_100 = tpu.memref_slice %arg8[%dma_wait3A_98, %dma_wait3A_99] : memref<400x64xf32, #tpu.memory_space<vmem>> -> memref<200x64xf32, #tpu.memory_space<vmem>>
        %dma_wait3A_101 = tpu.memref_slice %arg7[%mul3A_66] : memref<10000xi32, #tpu.memory_space<vmem>> -> memref<200xi32, #tpu.memory_space<vmem>>
        %dma_wait3A_102 = arith.constant 0 : i32
        %dma_wait3A_103 = arith.constant 0 : i32
        %dma_wait3A_104 = tpu.memref_slice %arg10[%dma_wait3A_102, %dma_wait3A_103] : memref<10240x64xf32, #tpu.memory_space<vmem_shared>> -> memref<10240x64xf32, #tpu.memory_space<vmem_shared>>
        tpu.wait_indirect_dma semaphore(%run_scoped3A : memref<!tpu.dma_semaphore, #tpu.memory_space<semaphore_mem>>) src(%dma_wait3A_100 : memref<200x64xf32, #tpu.memory_space<vmem>>) dst(%dma_wait3A_104 : memref<10240x64xf32, #tpu.memory_space<vmem_shared>>)
        tpu.yield
      }) : () -> ()
      %mul3A_67 = arith.constant 400 : i32
      %mul3A_68 = arith.muli %add3A_50, %mul3A_67 : i32
      %add3A_69 = arith.constant 200 : i32
      %add3A_70 = arith.addi %mul3A_68, %add3A_69 : i32
      "tpu.region"() ({
        %run_scoped3A = tpu.sem_alloc : memref<!tpu.dma_semaphore, #tpu.memory_space<semaphore_mem>>
        %dma_start3A_91 = arith.constant 200 : i32
        %dma_start3A_92 = arith.constant 0 : i32
        %dma_start3A_93 = tpu.memref_slice %arg8[%dma_start3A_91, %dma_start3A_92] : memref<400x64xf32, #tpu.memory_space<vmem>> -> memref<200x64xf32, #tpu.memory_space<vmem>>
        %dma_start3A_94 = tpu.memref_slice %arg7[%add3A_70] : memref<10000xi32, #tpu.memory_space<vmem>> -> memref<200xi32, #tpu.memory_space<vmem>>
        %dma_start3A_95 = arith.constant 0 : i32
        %dma_start3A_96 = arith.constant 0 : i32
        %dma_start3A_97 = tpu.memref_slice %arg10[%dma_start3A_95, %dma_start3A_96] : memref<10240x64xf32, #tpu.memory_space<vmem_shared>> -> memref<10240x64xf32, #tpu.memory_space<vmem_shared>>
        tpu.enqueue_indirect_dma source(%dma_start3A_93 : memref<200x64xf32, #tpu.memory_space<vmem>>) target(%dma_start3A_97 : memref<10240x64xf32, #tpu.memory_space<vmem_shared>>) offsets(%dma_start3A_94 : memref<200xi32, #tpu.memory_space<vmem>>) semaphore(%run_scoped3A : memref<!tpu.dma_semaphore, #tpu.memory_space<semaphore_mem>>) {add = true}
        %dma_wait3A_98 = arith.constant 200 : i32
        %dma_wait3A_99 = arith.constant 0 : i32
        %dma_wait3A_100 = tpu.memref_slice %arg8[%dma_wait3A_98, %dma_wait3A_99] : memref<400x64xf32, #tpu.memory_space<vmem>> -> memref<200x64xf32, #tpu.memory_space<vmem>>
        %dma_wait3A_101 = tpu.memref_slice %arg7[%add3A_70] : memref<10000xi32, #tpu.memory_space<vmem>> -> memref<200xi32, #tpu.memory_space<vmem>>
        %dma_wait3A_102 = arith.constant 0 : i32
        %dma_wait3A_103 = arith.constant 0 : i32
        %dma_wait3A_104 = tpu.memref_slice %arg10[%dma_wait3A_102, %dma_wait3A_103] : memref<10240x64xf32, #tpu.memory_space<vmem_shared>> -> memref<10240x64xf32, #tpu.memory_space<vmem_shared>>
        tpu.wait_indirect_dma semaphore(%run_scoped3A : memref<!tpu.dma_semaphore, #tpu.memory_space<semaphore_mem>>) src(%dma_wait3A_100 : memref<200x64xf32, #tpu.memory_space<vmem>>) dst(%dma_wait3A_104 : memref<10240x64xf32, #tpu.memory_space<vmem_shared>>)
        tpu.yield
      }) : () -> ()
      %add3A_71 = arith.constant 2 : i32
      %add3A_72 = arith.addi %add3A_50, %add3A_71 : i32
      %lt3A = arith.constant 25 : i32
      %lt3A_73 = arith.cmpi slt, %add3A_72, %lt3A : i32
      %convert_element_type3A = arith.extui %lt3A_73 : i1 to i32
      %cond3A = arith.constant 0 : i32
      %cond3A_74 = arith.cmpi ne, %convert_element_type3A, %cond3A : i32
      scf.if %cond3A_74 {
        %add3A_91 = arith.constant 2 : i32
        %add3A_92 = arith.addi %add3A_50, %add3A_91 : i32
        %mul3A_93 = arith.constant 400 : i32
        %mul3A_94 = arith.muli %add3A_92, %mul3A_93 : i32
        %dma_start3A_95 = tpu.memref_slice %arg6[%mul3A_94] : memref<10000xi32, #tpu.memory_space<vmem>> -> memref<400xi32, #tpu.memory_space<vmem>>
        %dma_start3A_96 = arith.constant 0 : i32
        %dma_start3A_97 = arith.constant 0 : i32
        %dma_start3A_98 = tpu.memref_slice %arg2[%dma_start3A_96, %dma_start3A_97] : memref<10240x64xf32, #tpu.memory_space<hbm>> -> memref<10240x64xf32, #tpu.memory_space<hbm>>
        tpu.enqueue_indirect_dma source(%dma_start3A_98 : memref<10240x64xf32, #tpu.memory_space<hbm>>) target(%arg8 : memref<400x64xf32, #tpu.memory_space<vmem>>) offsets(%dma_start3A_95 : memref<400xi32, #tpu.memory_space<vmem>>) semaphore(%arg11 : memref<!tpu.dma_semaphore, #tpu.memory_space<semaphore_mem>>)
      } else {
      }
      %add3A_75 = arith.constant 1 : i32
      %add3A_76 = arith.addi %add3A_50, %add3A_75 : i32
      %mul3A_77 = arith.constant 400 : i32
      %mul3A_78 = arith.muli %add3A_76, %mul3A_77 : i32
      %dma_wait3A_79 = tpu.memref_slice %arg6[%mul3A_78] : memref<10000xi32, #tpu.memory_space<vmem>> -> memref<400xi32, #tpu.memory_space<vmem>>
      %dma_wait3A_80 = arith.constant 0 : i32
      %dma_wait3A_81 = arith.constant 0 : i32
      %dma_wait3A_82 = tpu.memref_slice %arg2[%dma_wait3A_80, %dma_wait3A_81] : memref<10240x64xf32, #tpu.memory_space<hbm>> -> memref<10240x64xf32, #tpu.memory_space<hbm>>
      tpu.wait_indirect_dma semaphore(%arg12 : memref<!tpu.dma_semaphore, #tpu.memory_space<semaphore_mem>>) src(%dma_wait3A_82 : memref<10240x64xf32, #tpu.memory_space<hbm>>) dst(%arg9 : memref<400x64xf32, #tpu.memory_space<vmem>>)
      %add3A_83 = arith.constant 1 : i32
      %add3A_84 = arith.addi %add3A_50, %add3A_83 : i32
      %mul3A_85 = arith.constant 400 : i32
      %mul3A_86 = arith.muli %add3A_84, %mul3A_85 : i32
      "tpu.region"() ({
        %run_scoped3A = tpu.sem_alloc : memref<!tpu.dma_semaphore, #tpu.memory_space<semaphore_mem>>
        %dma_start3A_91 = arith.constant 0 : i32
        %dma_start3A_92 = arith.constant 0 : i32
        %dma_start3A_93 = tpu.memref_slice %arg9[%dma_start3A_91, %dma_start3A_92] : memref<400x64xf32, #tpu.memory_space<vmem>> -> memref<200x64xf32, #tpu.memory_space<vmem>>
        %dma_start3A_94 = tpu.memref_slice %arg7[%mul3A_86] : memref<10000xi32, #tpu.memory_space<vmem>> -> memref<200xi32, #tpu.memory_space<vmem>>
        %dma_start3A_95 = arith.constant 0 : i32
        %dma_start3A_96 = arith.constant 0 : i32
        %dma_start3A_97 = tpu.memref_slice %arg10[%dma_start3A_95, %dma_start3A_96] : memref<10240x64xf32, #tpu.memory_space<vmem_shared>> -> memref<10240x64xf32, #tpu.memory_space<vmem_shared>>
        tpu.enqueue_indirect_dma source(%dma_start3A_93 : memref<200x64xf32, #tpu.memory_space<vmem>>) target(%dma_start3A_97 : memref<10240x64xf32, #tpu.memory_space<vmem_shared>>) offsets(%dma_start3A_94 : memref<200xi32, #tpu.memory_space<vmem>>) semaphore(%run_scoped3A : memref<!tpu.dma_semaphore, #tpu.memory_space<semaphore_mem>>) {add = true}
        %dma_wait3A_98 = arith.constant 0 : i32
        %dma_wait3A_99 = arith.constant 0 : i32
        %dma_wait3A_100 = tpu.memref_slice %arg9[%dma_wait3A_98, %dma_wait3A_99] : memref<400x64xf32, #tpu.memory_space<vmem>> -> memref<200x64xf32, #tpu.memory_space<vmem>>
        %dma_wait3A_101 = tpu.memref_slice %arg7[%mul3A_86] : memref<10000xi32, #tpu.memory_space<vmem>> -> memref<200xi32, #tpu.memory_space<vmem>>
        %dma_wait3A_102 = arith.constant 0 : i32
        %dma_wait3A_103 = arith.constant 0 : i32
        %dma_wait3A_104 = tpu.memref_slice %arg10[%dma_wait3A_102, %dma_wait3A_103] : memref<10240x64xf32, #tpu.memory_space<vmem_shared>> -> memref<10240x64xf32, #tpu.memory_space<vmem_shared>>
        tpu.wait_indirect_dma semaphore(%run_scoped3A : memref<!tpu.dma_semaphore, #tpu.memory_space<semaphore_mem>>) src(%dma_wait3A_100 : memref<200x64xf32, #tpu.memory_space<vmem>>) dst(%dma_wait3A_104 : memref<10240x64xf32, #tpu.memory_space<vmem_shared>>)
        tpu.yield
      }) : () -> ()
      %mul3A_87 = arith.constant 400 : i32
      %mul3A_88 = arith.muli %add3A_84, %mul3A_87 : i32
      %add3A_89 = arith.constant 200 : i32
      %add3A_90 = arith.addi %mul3A_88, %add3A_89 : i32
      "tpu.region"() ({
        %run_scoped3A = tpu.sem_alloc : memref<!tpu.dma_semaphore, #tpu.memory_space<semaphore_mem>>
        %dma_start3A_91 = arith.constant 200 : i32
        %dma_start3A_92 = arith.constant 0 : i32
        %dma_start3A_93 = tpu.memref_slice %arg9[%dma_start3A_91, %dma_start3A_92] : memref<400x64xf32, #tpu.memory_space<vmem>> -> memref<200x64xf32, #tpu.memory_space<vmem>>
        %dma_start3A_94 = tpu.memref_slice %arg7[%add3A_90] : memref<10000xi32, #tpu.memory_space<vmem>> -> memref<200xi32, #tpu.memory_space<vmem>>
        %dma_start3A_95 = arith.constant 0 : i32
        %dma_start3A_96 = arith.constant 0 : i32
        %dma_start3A_97 = tpu.memref_slice %arg10[%dma_start3A_95, %dma_start3A_96] : memref<10240x64xf32, #tpu.memory_space<vmem_shared>> -> memref<10240x64xf32, #tpu.memory_space<vmem_shared>>
        tpu.enqueue_indirect_dma source(%dma_start3A_93 : memref<200x64xf32, #tpu.memory_space<vmem>>) target(%dma_start3A_97 : memref<10240x64xf32, #tpu.memory_space<vmem_shared>>) offsets(%dma_start3A_94 : memref<200xi32, #tpu.memory_space<vmem>>) semaphore(%run_scoped3A : memref<!tpu.dma_semaphore, #tpu.memory_space<semaphore_mem>>) {add = true}
        %dma_wait3A_98 = arith.constant 200 : i32
        %dma_wait3A_99 = arith.constant 0 : i32
        %dma_wait3A_100 = tpu.memref_slice %arg9[%dma_wait3A_98, %dma_wait3A_99] : memref<400x64xf32, #tpu.memory_space<vmem>> -> memref<200x64xf32, #tpu.memory_space<vmem>>
        %dma_wait3A_101 = tpu.memref_slice %arg7[%add3A_90] : memref<10000xi32, #tpu.memory_space<vmem>> -> memref<200xi32, #tpu.memory_space<vmem>>
        %dma_wait3A_102 = arith.constant 0 : i32
        %dma_wait3A_103 = arith.constant 0 : i32
        %dma_wait3A_104 = tpu.memref_slice %arg10[%dma_wait3A_102, %dma_wait3A_103] : memref<10240x64xf32, #tpu.memory_space<vmem_shared>> -> memref<10240x64xf32, #tpu.memory_space<vmem_shared>>
        tpu.wait_indirect_dma semaphore(%run_scoped3A : memref<!tpu.dma_semaphore, #tpu.memory_space<semaphore_mem>>) src(%dma_wait3A_100 : memref<200x64xf32, #tpu.memory_space<vmem>>) dst(%dma_wait3A_104 : memref<10240x64xf32, #tpu.memory_space<vmem_shared>>)
        tpu.yield
      }) : () -> ()
    }
    %scan3A_35 = arith.constant 12 : i32
    %dma_wait3A_36 = arith.constant 9600 : i32
    %dma_wait3A_37 = tpu.memref_slice %arg6[%dma_wait3A_36] : memref<10000xi32, #tpu.memory_space<vmem>> -> memref<400xi32, #tpu.memory_space<vmem>>
    %dma_wait3A_38 = arith.constant 0 : i32
    %dma_wait3A_39 = arith.constant 0 : i32
    %dma_wait3A_40 = tpu.memref_slice %arg2[%dma_wait3A_38, %dma_wait3A_39] : memref<10240x64xf32, #tpu.memory_space<hbm>> -> memref<10240x64xf32, #tpu.memory_space<hbm>>
    tpu.wait_indirect_dma semaphore(%arg11 : memref<!tpu.dma_semaphore, #tpu.memory_space<semaphore_mem>>) src(%dma_wait3A_40 : memref<10240x64xf32, #tpu.memory_space<hbm>>) dst(%arg8 : memref<400x64xf32, #tpu.memory_space<vmem>>)
    "tpu.region"() ({
      %run_scoped3A = tpu.sem_alloc : memref<!tpu.dma_semaphore, #tpu.memory_space<semaphore_mem>>
      %dma_start3A_46 = arith.constant 0 : i32
      %dma_start3A_47 = arith.constant 0 : i32
      %dma_start3A_48 = tpu.memref_slice %arg8[%dma_start3A_46, %dma_start3A_47] : memref<400x64xf32, #tpu.memory_space<vmem>> -> memref<200x64xf32, #tpu.memory_space<vmem>>
      %dma_start3A_49 = arith.constant 9600 : i32
      %dma_start3A_50 = tpu.memref_slice %arg7[%dma_start3A_49] : memref<10000xi32, #tpu.memory_space<vmem>> -> memref<200xi32, #tpu.memory_space<vmem>>
      %dma_start3A_51 = arith.constant 0 : i32
      %dma_start3A_52 = arith.constant 0 : i32
      %dma_start3A_53 = tpu.memref_slice %arg10[%dma_start3A_51, %dma_start3A_52] : memref<10240x64xf32, #tpu.memory_space<vmem_shared>> -> memref<10240x64xf32, #tpu.memory_space<vmem_shared>>
      tpu.enqueue_indirect_dma source(%dma_start3A_48 : memref<200x64xf32, #tpu.memory_space<vmem>>) target(%dma_start3A_53 : memref<10240x64xf32, #tpu.memory_space<vmem_shared>>) offsets(%dma_start3A_50 : memref<200xi32, #tpu.memory_space<vmem>>) semaphore(%run_scoped3A : memref<!tpu.dma_semaphore, #tpu.memory_space<semaphore_mem>>) {add = true}
      %dma_wait3A_54 = arith.constant 0 : i32
      %dma_wait3A_55 = arith.constant 0 : i32
      %dma_wait3A_56 = tpu.memref_slice %arg8[%dma_wait3A_54, %dma_wait3A_55] : memref<400x64xf32, #tpu.memory_space<vmem>> -> memref<200x64xf32, #tpu.memory_space<vmem>>
      %dma_wait3A_57 = arith.constant 9600 : i32
      %dma_wait3A_58 = tpu.memref_slice %arg7[%dma_wait3A_57] : memref<10000xi32, #tpu.memory_space<vmem>> -> memref<200xi32, #tpu.memory_space<vmem>>
      %dma_wait3A_59 = arith.constant 0 : i32
      %dma_wait3A_60 = arith.constant 0 : i32
      %dma_wait3A_61 = tpu.memref_slice %arg10[%dma_wait3A_59, %dma_wait3A_60] : memref<10240x64xf32, #tpu.memory_space<vmem_shared>> -> memref<10240x64xf32, #tpu.memory_space<vmem_shared>>
      tpu.wait_indirect_dma semaphore(%run_scoped3A : memref<!tpu.dma_semaphore, #tpu.memory_space<semaphore_mem>>) src(%dma_wait3A_56 : memref<200x64xf32, #tpu.memory_space<vmem>>) dst(%dma_wait3A_61 : memref<10240x64xf32, #tpu.memory_space<vmem_shared>>)
      tpu.yield
    }) : () -> ()
    "tpu.region"() ({
      %run_scoped3A = tpu.sem_alloc : memref<!tpu.dma_semaphore, #tpu.memory_space<semaphore_mem>>
      %dma_start3A_46 = arith.constant 200 : i32
      %dma_start3A_47 = arith.constant 0 : i32
      %dma_start3A_48 = tpu.memref_slice %arg8[%dma_start3A_46, %dma_start3A_47] : memref<400x64xf32, #tpu.memory_space<vmem>> -> memref<200x64xf32, #tpu.memory_space<vmem>>
      %dma_start3A_49 = arith.constant 9800 : i32
      %dma_start3A_50 = tpu.memref_slice %arg7[%dma_start3A_49] : memref<10000xi32, #tpu.memory_space<vmem>> -> memref<200xi32, #tpu.memory_space<vmem>>
      %dma_start3A_51 = arith.constant 0 : i32
      %dma_start3A_52 = arith.constant 0 : i32
      %dma_start3A_53 = tpu.memref_slice %arg10[%dma_start3A_51, %dma_start3A_52] : memref<10240x64xf32, #tpu.memory_space<vmem_shared>> -> memref<10240x64xf32, #tpu.memory_space<vmem_shared>>
      tpu.enqueue_indirect_dma source(%dma_start3A_48 : memref<200x64xf32, #tpu.memory_space<vmem>>) target(%dma_start3A_53 : memref<10240x64xf32, #tpu.memory_space<vmem_shared>>) offsets(%dma_start3A_50 : memref<200xi32, #tpu.memory_space<vmem>>) semaphore(%run_scoped3A : memref<!tpu.dma_semaphore, #tpu.memory_space<semaphore_mem>>) {add = true}
      %dma_wait3A_54 = arith.constant 200 : i32
      %dma_wait3A_55 = arith.constant 0 : i32
      %dma_wait3A_56 = tpu.memref_slice %arg8[%dma_wait3A_54, %dma_wait3A_55] : memref<400x64xf32, #tpu.memory_space<vmem>> -> memref<200x64xf32, #tpu.memory_space<vmem>>
      %dma_wait3A_57 = arith.constant 9800 : i32
      %dma_wait3A_58 = tpu.memref_slice %arg7[%dma_wait3A_57] : memref<10000xi32, #tpu.memory_space<vmem>> -> memref<200xi32, #tpu.memory_space<vmem>>
      %dma_wait3A_59 = arith.constant 0 : i32
      %dma_wait3A_60 = arith.constant 0 : i32
      %dma_wait3A_61 = tpu.memref_slice %arg10[%dma_wait3A_59, %dma_wait3A_60] : memref<10240x64xf32, #tpu.memory_space<vmem_shared>> -> memref<10240x64xf32, #tpu.memory_space<vmem_shared>>
      tpu.wait_indirect_dma semaphore(%run_scoped3A : memref<!tpu.dma_semaphore, #tpu.memory_space<semaphore_mem>>) src(%dma_wait3A_56 : memref<200x64xf32, #tpu.memory_space<vmem>>) dst(%dma_wait3A_61 : memref<10240x64xf32, #tpu.memory_space<vmem_shared>>)
      tpu.yield
    }) : () -> ()
    %barrier3A_41 = arith.constant 0 : index
    tpu.barrier barrier_id(%barrier3A_41)
    %mul3A_42 = arith.constant 640 : i32
    %mul3A_43 = arith.muli %arg1, %mul3A_42 : i32
    %mul3A_44 = arith.constant 640 : i32
    %mul3A_45 = arith.muli %arg1, %mul3A_44 : i32
    "tpu.region"() ({
      %run_scoped3A = tpu.sem_alloc : memref<!tpu.dma_semaphore, #tpu.memory_space<semaphore_mem>>
      %dma_start3A_46 = arith.constant 0 : i32
      %dma_start3A_47 = tpu.memref_slice %arg5[%arg0, %mul3A_45, %dma_start3A_46] : memref<2x10240x64xf32, #tpu.memory_space<hbm>> -> memref<1x640x64xf32, #tpu.memory_space<hbm>>
      %dma_start3A_48 = tpu.memref_squeeze %dma_start3A_47 : memref<1x640x64xf32, #tpu.memory_space<hbm>> -> memref<640x64xf32, #tpu.memory_space<hbm>>
      %dma_start3A_49 = arith.constant 0 : i32
      %dma_start3A_50 = tpu.memref_slice %arg10[%mul3A_43, %dma_start3A_49] : memref<10240x64xf32, #tpu.memory_space<vmem_shared>> -> memref<640x64xf32, #tpu.memory_space<vmem_shared>>
      tpu.enqueue_dma source(%dma_start3A_50 : memref<640x64xf32, #tpu.memory_space<vmem_shared>>) target(%dma_start3A_48 : memref<640x64xf32, #tpu.memory_space<hbm>>) target_semaphore(%run_scoped3A : memref<!tpu.dma_semaphore, #tpu.memory_space<semaphore_mem>>)
      %dma_wait3A_51 = arith.constant 0 : i32
      %dma_wait3A_52 = tpu.memref_slice %arg5[%arg0, %mul3A_45, %dma_wait3A_51] : memref<2x10240x64xf32, #tpu.memory_space<hbm>> -> memref<1x640x64xf32, #tpu.memory_space<hbm>>
      %dma_wait3A_53 = tpu.memref_squeeze %dma_wait3A_52 : memref<1x640x64xf32, #tpu.memory_space<hbm>> -> memref<640x64xf32, #tpu.memory_space<hbm>>
      %dma_wait3A_54 = arith.constant 0 : i32
      %dma_wait3A_55 = tpu.memref_slice %arg10[%mul3A_43, %dma_wait3A_54] : memref<10240x64xf32, #tpu.memory_space<vmem_shared>> -> memref<640x64xf32, #tpu.memory_space<vmem_shared>>
      tpu.wait_dma2 semaphore(%run_scoped3A : memref<!tpu.dma_semaphore, #tpu.memory_space<semaphore_mem>>) src(%dma_wait3A_55 : memref<640x64xf32, #tpu.memory_space<vmem_shared>>) dst(%dma_wait3A_53 : memref<640x64xf32, #tpu.memory_space<hbm>>)
      tpu.yield
    }) : () -> ()
    return
  }
}

#map = affine_map<(d0, d1) -> (0)>
#map1 = affine_map<(d0, d1) -> (0, 0)>
#map2 = affine_map<(d0, d1) -> (0, 0, 0)>
module attributes {stable_mosaic.version = 14 : i64} {
  func.func @_sc_degree(%arg0: i32, %arg1: i32, %arg2: memref<640000xi32, #tpu.memory_space<hbm>>, %arg3: memref<400x16xf32, #tpu.memory_space<hbm>>, %arg4: memref<10240x16xf32, #tpu.memory_space<hbm>>, %arg5: memref<2x10240x16xf32, #tpu.memory_space<hbm>>, %arg6: memref<10000xi32, #tpu.memory_space<vmem>>, %arg7: memref<400x16xf32, #tpu.memory_space<vmem>>, %arg8: memref<10240x16xf32, #tpu.memory_space<vmem_shared>>, %arg9: memref<!tpu.dma_semaphore, #tpu.memory_space<semaphore_mem>>) attributes {dimension_semantics = [#tpu.dimension_semantics<core_parallel>, #tpu.dimension_semantics<subcore_parallel>], iteration_bounds = array<i64: 2, 16>, scalar_prefetch = 0 : i64, scratch_operands = 4 : i64, tpu.core_type = #tpu.core_type<sc_vector_subcore>, window_params = [{transform_indices = #map}, {transform_indices = #map1}, {transform_indices = #map1}, {transform_indices = #map2}]} {
    %mul3A = arith.constant 16 : i32
    %mul3A_0 = arith.muli %arg0, %mul3A : i32
    %add3A = arith.addi %mul3A_0, %arg1 : i32
    %mul3A_1 = arith.constant 640 : i32
    %mul3A_2 = arith.muli %arg1, %mul3A_1 : i32
    %mul3A_3 = arith.constant 640 : i32
    %mul3A_4 = arith.muli %arg1, %mul3A_3 : i32
    %dma_start3A = arith.constant 0 : i32
    %dma_start3A_5 = tpu.memref_slice %arg8[%mul3A_4, %dma_start3A] : memref<10240x16xf32, #tpu.memory_space<vmem_shared>> -> memref<640x16xf32, #tpu.memory_space<vmem_shared>>
    %dma_start3A_6 = arith.constant 0 : i32
    %dma_start3A_7 = tpu.memref_slice %arg4[%mul3A_2, %dma_start3A_6] : memref<10240x16xf32, #tpu.memory_space<hbm>> -> memref<640x16xf32, #tpu.memory_space<hbm>>
    tpu.enqueue_dma source(%dma_start3A_7 : memref<640x16xf32, #tpu.memory_space<hbm>>) target(%dma_start3A_5 : memref<640x16xf32, #tpu.memory_space<vmem_shared>>) target_semaphore(%arg9 : memref<!tpu.dma_semaphore, #tpu.memory_space<semaphore_mem>>)
    "tpu.region"() ({
      %run_scoped3A = tpu.sem_alloc : memref<!tpu.dma_semaphore, #tpu.memory_space<semaphore_mem>>
      tpu.enqueue_dma source(%arg3 : memref<400x16xf32, #tpu.memory_space<hbm>>) target(%arg7 : memref<400x16xf32, #tpu.memory_space<vmem>>) target_semaphore(%run_scoped3A : memref<!tpu.dma_semaphore, #tpu.memory_space<semaphore_mem>>)
      tpu.wait_dma2 semaphore(%run_scoped3A : memref<!tpu.dma_semaphore, #tpu.memory_space<semaphore_mem>>) src(%arg3 : memref<400x16xf32, #tpu.memory_space<hbm>>) dst(%arg7 : memref<400x16xf32, #tpu.memory_space<vmem>>)
      tpu.yield
    }) : () -> ()
    %mul3A_8 = arith.constant 10000 : i32
    %mul3A_9 = arith.muli %add3A, %mul3A_8 : i32
    %add3A_10 = arith.constant 320000 : i32
    %add3A_11 = arith.addi %add3A_10, %mul3A_9 : i32
    "tpu.region"() ({
      %run_scoped3A = tpu.sem_alloc : memref<!tpu.dma_semaphore, #tpu.memory_space<semaphore_mem>>
      %dma_start3A_28 = tpu.memref_slice %arg2[%add3A_11] : memref<640000xi32, #tpu.memory_space<hbm>> -> memref<10000xi32, #tpu.memory_space<hbm>>
      %dma_start3A_29 = tpu.memref_slice %arg2[%add3A_11] : memref<640000xi32, #tpu.memory_space<hbm>> -> memref<10000xi32, #tpu.memory_space<hbm>>
      tpu.enqueue_dma source(%dma_start3A_29 : memref<10000xi32, #tpu.memory_space<hbm>>) target(%arg6 : memref<10000xi32, #tpu.memory_space<vmem>>) target_semaphore(%run_scoped3A : memref<!tpu.dma_semaphore, #tpu.memory_space<semaphore_mem>>)
      %dma_wait3A_30 = tpu.memref_slice %arg2[%add3A_11] : memref<640000xi32, #tpu.memory_space<hbm>> -> memref<10000xi32, #tpu.memory_space<hbm>>
      %dma_wait3A_31 = tpu.memref_slice %arg2[%add3A_11] : memref<640000xi32, #tpu.memory_space<hbm>> -> memref<10000xi32, #tpu.memory_space<hbm>>
      tpu.wait_dma2 semaphore(%run_scoped3A : memref<!tpu.dma_semaphore, #tpu.memory_space<semaphore_mem>>) src(%dma_wait3A_31 : memref<10000xi32, #tpu.memory_space<hbm>>) dst(%arg6 : memref<10000xi32, #tpu.memory_space<vmem>>)
      tpu.yield
    }) : () -> ()
    %mul3A_12 = arith.constant 640 : i32
    %mul3A_13 = arith.muli %arg1, %mul3A_12 : i32
    %mul3A_14 = arith.constant 640 : i32
    %mul3A_15 = arith.muli %arg1, %mul3A_14 : i32
    %dma_wait3A = arith.constant 0 : i32
    %dma_wait3A_16 = tpu.memref_slice %arg8[%mul3A_15, %dma_wait3A] : memref<10240x16xf32, #tpu.memory_space<vmem_shared>> -> memref<640x16xf32, #tpu.memory_space<vmem_shared>>
    %dma_wait3A_17 = arith.constant 0 : i32
    %dma_wait3A_18 = tpu.memref_slice %arg4[%mul3A_13, %dma_wait3A_17] : memref<10240x16xf32, #tpu.memory_space<hbm>> -> memref<640x16xf32, #tpu.memory_space<hbm>>
    tpu.wait_dma2 semaphore(%arg9 : memref<!tpu.dma_semaphore, #tpu.memory_space<semaphore_mem>>) src(%dma_wait3A_18 : memref<640x16xf32, #tpu.memory_space<hbm>>) dst(%dma_wait3A_16 : memref<640x16xf32, #tpu.memory_space<vmem_shared>>)
    %barrier3A = arith.constant 0 : index
    tpu.barrier barrier_id(%barrier3A)
    %scan3A = arith.constant 0 : i32
    %scan3A_19 = arith.constant 5 : i32
    %scan3A_20 = arith.addi %scan3A, %scan3A_19 : i32
    %scan3A_21 = arith.constant 1 : i32
    scf.for %scan3A_28 = %scan3A to %scan3A_20 step %scan3A_21  : i32 {
      %mul3A_29 = arith.constant 5 : i32
      %mul3A_30 = arith.muli %scan3A_28, %mul3A_29 : i32
      %add3A_31 = arith.constant 0 : i32
      %add3A_32 = arith.addi %add3A_31, %mul3A_30 : i32
      %add3A_33 = arith.constant 0 : i32
      %add3A_34 = arith.addi %add3A_32, %add3A_33 : i32
      %mul3A_35 = arith.constant 400 : i32
      %mul3A_36 = arith.muli %add3A_34, %mul3A_35 : i32
      %add3A_37 = arith.constant 0 : i32
      %add3A_38 = arith.addi %mul3A_36, %add3A_37 : i32
      %dma_start3A_39 = arith.constant 0 : i32
      %dma_start3A_40 = arith.constant 0 : i32
      %dma_start3A_41 = tpu.memref_slice %arg7[%dma_start3A_39, %dma_start3A_40] : memref<400x16xf32, #tpu.memory_space<vmem>> -> memref<200x16xf32, #tpu.memory_space<vmem>>
      %dma_start3A_42 = tpu.memref_slice %arg6[%add3A_38] : memref<10000xi32, #tpu.memory_space<vmem>> -> memref<200xi32, #tpu.memory_space<vmem>>
      %dma_start3A_43 = arith.constant 0 : i32
      %dma_start3A_44 = arith.constant 0 : i32
      %dma_start3A_45 = tpu.memref_slice %arg8[%dma_start3A_43, %dma_start3A_44] : memref<10240x16xf32, #tpu.memory_space<vmem_shared>> -> memref<10240x16xf32, #tpu.memory_space<vmem_shared>>
      tpu.enqueue_indirect_dma source(%dma_start3A_41 : memref<200x16xf32, #tpu.memory_space<vmem>>) target(%dma_start3A_45 : memref<10240x16xf32, #tpu.memory_space<vmem_shared>>) offsets(%dma_start3A_42 : memref<200xi32, #tpu.memory_space<vmem>>) semaphore(%arg9 : memref<!tpu.dma_semaphore, #tpu.memory_space<semaphore_mem>>) {add = true}
      %add3A_46 = arith.constant 0 : i32
      %add3A_47 = arith.addi %add3A_32, %add3A_46 : i32
      %mul3A_48 = arith.constant 400 : i32
      %mul3A_49 = arith.muli %add3A_47, %mul3A_48 : i32
      %add3A_50 = arith.constant 200 : i32
      %add3A_51 = arith.addi %mul3A_49, %add3A_50 : i32
      %dma_start3A_52 = arith.constant 0 : i32
      %dma_start3A_53 = arith.constant 0 : i32
      %dma_start3A_54 = tpu.memref_slice %arg7[%dma_start3A_52, %dma_start3A_53] : memref<400x16xf32, #tpu.memory_space<vmem>> -> memref<200x16xf32, #tpu.memory_space<vmem>>
      %dma_start3A_55 = tpu.memref_slice %arg6[%add3A_51] : memref<10000xi32, #tpu.memory_space<vmem>> -> memref<200xi32, #tpu.memory_space<vmem>>
      %dma_start3A_56 = arith.constant 0 : i32
      %dma_start3A_57 = arith.constant 0 : i32
      %dma_start3A_58 = tpu.memref_slice %arg8[%dma_start3A_56, %dma_start3A_57] : memref<10240x16xf32, #tpu.memory_space<vmem_shared>> -> memref<10240x16xf32, #tpu.memory_space<vmem_shared>>
      tpu.enqueue_indirect_dma source(%dma_start3A_54 : memref<200x16xf32, #tpu.memory_space<vmem>>) target(%dma_start3A_58 : memref<10240x16xf32, #tpu.memory_space<vmem_shared>>) offsets(%dma_start3A_55 : memref<200xi32, #tpu.memory_space<vmem>>) semaphore(%arg9 : memref<!tpu.dma_semaphore, #tpu.memory_space<semaphore_mem>>) {add = true}
      %add3A_59 = arith.constant 1 : i32
      %add3A_60 = arith.addi %add3A_32, %add3A_59 : i32
      %mul3A_61 = arith.constant 400 : i32
      %mul3A_62 = arith.muli %add3A_60, %mul3A_61 : i32
      %add3A_63 = arith.constant 0 : i32
      %add3A_64 = arith.addi %mul3A_62, %add3A_63 : i32
      %dma_start3A_65 = arith.constant 0 : i32
      %dma_start3A_66 = arith.constant 0 : i32
      %dma_start3A_67 = tpu.memref_slice %arg7[%dma_start3A_65, %dma_start3A_66] : memref<400x16xf32, #tpu.memory_space<vmem>> -> memref<200x16xf32, #tpu.memory_space<vmem>>
      %dma_start3A_68 = tpu.memref_slice %arg6[%add3A_64] : memref<10000xi32, #tpu.memory_space<vmem>> -> memref<200xi32, #tpu.memory_space<vmem>>
      %dma_start3A_69 = arith.constant 0 : i32
      %dma_start3A_70 = arith.constant 0 : i32
      %dma_start3A_71 = tpu.memref_slice %arg8[%dma_start3A_69, %dma_start3A_70] : memref<10240x16xf32, #tpu.memory_space<vmem_shared>> -> memref<10240x16xf32, #tpu.memory_space<vmem_shared>>
      tpu.enqueue_indirect_dma source(%dma_start3A_67 : memref<200x16xf32, #tpu.memory_space<vmem>>) target(%dma_start3A_71 : memref<10240x16xf32, #tpu.memory_space<vmem_shared>>) offsets(%dma_start3A_68 : memref<200xi32, #tpu.memory_space<vmem>>) semaphore(%arg9 : memref<!tpu.dma_semaphore, #tpu.memory_space<semaphore_mem>>) {add = true}
      %add3A_72 = arith.constant 1 : i32
      %add3A_73 = arith.addi %add3A_32, %add3A_72 : i32
      %mul3A_74 = arith.constant 400 : i32
      %mul3A_75 = arith.muli %add3A_73, %mul3A_74 : i32
      %add3A_76 = arith.constant 200 : i32
      %add3A_77 = arith.addi %mul3A_75, %add3A_76 : i32
      %dma_start3A_78 = arith.constant 0 : i32
      %dma_start3A_79 = arith.constant 0 : i32
      %dma_start3A_80 = tpu.memref_slice %arg7[%dma_start3A_78, %dma_start3A_79] : memref<400x16xf32, #tpu.memory_space<vmem>> -> memref<200x16xf32, #tpu.memory_space<vmem>>
      %dma_start3A_81 = tpu.memref_slice %arg6[%add3A_77] : memref<10000xi32, #tpu.memory_space<vmem>> -> memref<200xi32, #tpu.memory_space<vmem>>
      %dma_start3A_82 = arith.constant 0 : i32
      %dma_start3A_83 = arith.constant 0 : i32
      %dma_start3A_84 = tpu.memref_slice %arg8[%dma_start3A_82, %dma_start3A_83] : memref<10240x16xf32, #tpu.memory_space<vmem_shared>> -> memref<10240x16xf32, #tpu.memory_space<vmem_shared>>
      tpu.enqueue_indirect_dma source(%dma_start3A_80 : memref<200x16xf32, #tpu.memory_space<vmem>>) target(%dma_start3A_84 : memref<10240x16xf32, #tpu.memory_space<vmem_shared>>) offsets(%dma_start3A_81 : memref<200xi32, #tpu.memory_space<vmem>>) semaphore(%arg9 : memref<!tpu.dma_semaphore, #tpu.memory_space<semaphore_mem>>) {add = true}
      %add3A_85 = arith.constant 2 : i32
      %add3A_86 = arith.addi %add3A_32, %add3A_85 : i32
      %mul3A_87 = arith.constant 400 : i32
      %mul3A_88 = arith.muli %add3A_86, %mul3A_87 : i32
      %add3A_89 = arith.constant 0 : i32
      %add3A_90 = arith.addi %mul3A_88, %add3A_89 : i32
      %dma_start3A_91 = arith.constant 0 : i32
      %dma_start3A_92 = arith.constant 0 : i32
      %dma_start3A_93 = tpu.memref_slice %arg7[%dma_start3A_91, %dma_start3A_92] : memref<400x16xf32, #tpu.memory_space<vmem>> -> memref<200x16xf32, #tpu.memory_space<vmem>>
      %dma_start3A_94 = tpu.memref_slice %arg6[%add3A_90] : memref<10000xi32, #tpu.memory_space<vmem>> -> memref<200xi32, #tpu.memory_space<vmem>>
      %dma_start3A_95 = arith.constant 0 : i32
      %dma_start3A_96 = arith.constant 0 : i32
      %dma_start3A_97 = tpu.memref_slice %arg8[%dma_start3A_95, %dma_start3A_96] : memref<10240x16xf32, #tpu.memory_space<vmem_shared>> -> memref<10240x16xf32, #tpu.memory_space<vmem_shared>>
      tpu.enqueue_indirect_dma source(%dma_start3A_93 : memref<200x16xf32, #tpu.memory_space<vmem>>) target(%dma_start3A_97 : memref<10240x16xf32, #tpu.memory_space<vmem_shared>>) offsets(%dma_start3A_94 : memref<200xi32, #tpu.memory_space<vmem>>) semaphore(%arg9 : memref<!tpu.dma_semaphore, #tpu.memory_space<semaphore_mem>>) {add = true}
      %add3A_98 = arith.constant 2 : i32
      %add3A_99 = arith.addi %add3A_32, %add3A_98 : i32
      %mul3A_100 = arith.constant 400 : i32
      %mul3A_101 = arith.muli %add3A_99, %mul3A_100 : i32
      %add3A_102 = arith.constant 200 : i32
      %add3A_103 = arith.addi %mul3A_101, %add3A_102 : i32
      %dma_start3A_104 = arith.constant 0 : i32
      %dma_start3A_105 = arith.constant 0 : i32
      %dma_start3A_106 = tpu.memref_slice %arg7[%dma_start3A_104, %dma_start3A_105] : memref<400x16xf32, #tpu.memory_space<vmem>> -> memref<200x16xf32, #tpu.memory_space<vmem>>
      %dma_start3A_107 = tpu.memref_slice %arg6[%add3A_103] : memref<10000xi32, #tpu.memory_space<vmem>> -> memref<200xi32, #tpu.memory_space<vmem>>
      %dma_start3A_108 = arith.constant 0 : i32
      %dma_start3A_109 = arith.constant 0 : i32
      %dma_start3A_110 = tpu.memref_slice %arg8[%dma_start3A_108, %dma_start3A_109] : memref<10240x16xf32, #tpu.memory_space<vmem_shared>> -> memref<10240x16xf32, #tpu.memory_space<vmem_shared>>
      tpu.enqueue_indirect_dma source(%dma_start3A_106 : memref<200x16xf32, #tpu.memory_space<vmem>>) target(%dma_start3A_110 : memref<10240x16xf32, #tpu.memory_space<vmem_shared>>) offsets(%dma_start3A_107 : memref<200xi32, #tpu.memory_space<vmem>>) semaphore(%arg9 : memref<!tpu.dma_semaphore, #tpu.memory_space<semaphore_mem>>) {add = true}
      %add3A_111 = arith.constant 3 : i32
      %add3A_112 = arith.addi %add3A_32, %add3A_111 : i32
      %mul3A_113 = arith.constant 400 : i32
      %mul3A_114 = arith.muli %add3A_112, %mul3A_113 : i32
      %add3A_115 = arith.constant 0 : i32
      %add3A_116 = arith.addi %mul3A_114, %add3A_115 : i32
      %dma_start3A_117 = arith.constant 0 : i32
      %dma_start3A_118 = arith.constant 0 : i32
      %dma_start3A_119 = tpu.memref_slice %arg7[%dma_start3A_117, %dma_start3A_118] : memref<400x16xf32, #tpu.memory_space<vmem>> -> memref<200x16xf32, #tpu.memory_space<vmem>>
      %dma_start3A_120 = tpu.memref_slice %arg6[%add3A_116] : memref<10000xi32, #tpu.memory_space<vmem>> -> memref<200xi32, #tpu.memory_space<vmem>>
      %dma_start3A_121 = arith.constant 0 : i32
      %dma_start3A_122 = arith.constant 0 : i32
      %dma_start3A_123 = tpu.memref_slice %arg8[%dma_start3A_121, %dma_start3A_122] : memref<10240x16xf32, #tpu.memory_space<vmem_shared>> -> memref<10240x16xf32, #tpu.memory_space<vmem_shared>>
      tpu.enqueue_indirect_dma source(%dma_start3A_119 : memref<200x16xf32, #tpu.memory_space<vmem>>) target(%dma_start3A_123 : memref<10240x16xf32, #tpu.memory_space<vmem_shared>>) offsets(%dma_start3A_120 : memref<200xi32, #tpu.memory_space<vmem>>) semaphore(%arg9 : memref<!tpu.dma_semaphore, #tpu.memory_space<semaphore_mem>>) {add = true}
      %add3A_124 = arith.constant 3 : i32
      %add3A_125 = arith.addi %add3A_32, %add3A_124 : i32
      %mul3A_126 = arith.constant 400 : i32
      %mul3A_127 = arith.muli %add3A_125, %mul3A_126 : i32
      %add3A_128 = arith.constant 200 : i32
      %add3A_129 = arith.addi %mul3A_127, %add3A_128 : i32
      %dma_start3A_130 = arith.constant 0 : i32
      %dma_start3A_131 = arith.constant 0 : i32
      %dma_start3A_132 = tpu.memref_slice %arg7[%dma_start3A_130, %dma_start3A_131] : memref<400x16xf32, #tpu.memory_space<vmem>> -> memref<200x16xf32, #tpu.memory_space<vmem>>
      %dma_start3A_133 = tpu.memref_slice %arg6[%add3A_129] : memref<10000xi32, #tpu.memory_space<vmem>> -> memref<200xi32, #tpu.memory_space<vmem>>
      %dma_start3A_134 = arith.constant 0 : i32
      %dma_start3A_135 = arith.constant 0 : i32
      %dma_start3A_136 = tpu.memref_slice %arg8[%dma_start3A_134, %dma_start3A_135] : memref<10240x16xf32, #tpu.memory_space<vmem_shared>> -> memref<10240x16xf32, #tpu.memory_space<vmem_shared>>
      tpu.enqueue_indirect_dma source(%dma_start3A_132 : memref<200x16xf32, #tpu.memory_space<vmem>>) target(%dma_start3A_136 : memref<10240x16xf32, #tpu.memory_space<vmem_shared>>) offsets(%dma_start3A_133 : memref<200xi32, #tpu.memory_space<vmem>>) semaphore(%arg9 : memref<!tpu.dma_semaphore, #tpu.memory_space<semaphore_mem>>) {add = true}
      %add3A_137 = arith.constant 4 : i32
      %add3A_138 = arith.addi %add3A_32, %add3A_137 : i32
      %mul3A_139 = arith.constant 400 : i32
      %mul3A_140 = arith.muli %add3A_138, %mul3A_139 : i32
      %add3A_141 = arith.constant 0 : i32
      %add3A_142 = arith.addi %mul3A_140, %add3A_141 : i32
      %dma_start3A_143 = arith.constant 0 : i32
      %dma_start3A_144 = arith.constant 0 : i32
      %dma_start3A_145 = tpu.memref_slice %arg7[%dma_start3A_143, %dma_start3A_144] : memref<400x16xf32, #tpu.memory_space<vmem>> -> memref<200x16xf32, #tpu.memory_space<vmem>>
      %dma_start3A_146 = tpu.memref_slice %arg6[%add3A_142] : memref<10000xi32, #tpu.memory_space<vmem>> -> memref<200xi32, #tpu.memory_space<vmem>>
      %dma_start3A_147 = arith.constant 0 : i32
      %dma_start3A_148 = arith.constant 0 : i32
      %dma_start3A_149 = tpu.memref_slice %arg8[%dma_start3A_147, %dma_start3A_148] : memref<10240x16xf32, #tpu.memory_space<vmem_shared>> -> memref<10240x16xf32, #tpu.memory_space<vmem_shared>>
      tpu.enqueue_indirect_dma source(%dma_start3A_145 : memref<200x16xf32, #tpu.memory_space<vmem>>) target(%dma_start3A_149 : memref<10240x16xf32, #tpu.memory_space<vmem_shared>>) offsets(%dma_start3A_146 : memref<200xi32, #tpu.memory_space<vmem>>) semaphore(%arg9 : memref<!tpu.dma_semaphore, #tpu.memory_space<semaphore_mem>>) {add = true}
      %add3A_150 = arith.constant 4 : i32
      %add3A_151 = arith.addi %add3A_32, %add3A_150 : i32
      %mul3A_152 = arith.constant 400 : i32
      %mul3A_153 = arith.muli %add3A_151, %mul3A_152 : i32
      %add3A_154 = arith.constant 200 : i32
      %add3A_155 = arith.addi %mul3A_153, %add3A_154 : i32
      %dma_start3A_156 = arith.constant 0 : i32
      %dma_start3A_157 = arith.constant 0 : i32
      %dma_start3A_158 = tpu.memref_slice %arg7[%dma_start3A_156, %dma_start3A_157] : memref<400x16xf32, #tpu.memory_space<vmem>> -> memref<200x16xf32, #tpu.memory_space<vmem>>
      %dma_start3A_159 = tpu.memref_slice %arg6[%add3A_155] : memref<10000xi32, #tpu.memory_space<vmem>> -> memref<200xi32, #tpu.memory_space<vmem>>
      %dma_start3A_160 = arith.constant 0 : i32
      %dma_start3A_161 = arith.constant 0 : i32
      %dma_start3A_162 = tpu.memref_slice %arg8[%dma_start3A_160, %dma_start3A_161] : memref<10240x16xf32, #tpu.memory_space<vmem_shared>> -> memref<10240x16xf32, #tpu.memory_space<vmem_shared>>
      tpu.enqueue_indirect_dma source(%dma_start3A_158 : memref<200x16xf32, #tpu.memory_space<vmem>>) target(%dma_start3A_162 : memref<10240x16xf32, #tpu.memory_space<vmem_shared>>) offsets(%dma_start3A_159 : memref<200xi32, #tpu.memory_space<vmem>>) semaphore(%arg9 : memref<!tpu.dma_semaphore, #tpu.memory_space<semaphore_mem>>) {add = true}
      %add3A_163 = arith.constant 0 : i32
      %add3A_164 = arith.addi %add3A_32, %add3A_163 : i32
      %mul3A_165 = arith.constant 400 : i32
      %mul3A_166 = arith.muli %add3A_164, %mul3A_165 : i32
      %add3A_167 = arith.constant 0 : i32
      %add3A_168 = arith.addi %mul3A_166, %add3A_167 : i32
      %dma_wait3A_169 = arith.constant 0 : i32
      %dma_wait3A_170 = arith.constant 0 : i32
      %dma_wait3A_171 = tpu.memref_slice %arg7[%dma_wait3A_169, %dma_wait3A_170] : memref<400x16xf32, #tpu.memory_space<vmem>> -> memref<200x16xf32, #tpu.memory_space<vmem>>
      %dma_wait3A_172 = tpu.memref_slice %arg6[%add3A_168] : memref<10000xi32, #tpu.memory_space<vmem>> -> memref<200xi32, #tpu.memory_space<vmem>>
      %dma_wait3A_173 = arith.constant 0 : i32
      %dma_wait3A_174 = arith.constant 0 : i32
      %dma_wait3A_175 = tpu.memref_slice %arg8[%dma_wait3A_173, %dma_wait3A_174] : memref<10240x16xf32, #tpu.memory_space<vmem_shared>> -> memref<10240x16xf32, #tpu.memory_space<vmem_shared>>
      tpu.wait_indirect_dma semaphore(%arg9 : memref<!tpu.dma_semaphore, #tpu.memory_space<semaphore_mem>>) src(%dma_wait3A_171 : memref<200x16xf32, #tpu.memory_space<vmem>>) dst(%dma_wait3A_175 : memref<10240x16xf32, #tpu.memory_space<vmem_shared>>)
      %add3A_176 = arith.constant 0 : i32
      %add3A_177 = arith.addi %add3A_32, %add3A_176 : i32
      %mul3A_178 = arith.constant 400 : i32
      %mul3A_179 = arith.muli %add3A_177, %mul3A_178 : i32
      %add3A_180 = arith.constant 200 : i32
      %add3A_181 = arith.addi %mul3A_179, %add3A_180 : i32
      %dma_wait3A_182 = arith.constant 0 : i32
      %dma_wait3A_183 = arith.constant 0 : i32
      %dma_wait3A_184 = tpu.memref_slice %arg7[%dma_wait3A_182, %dma_wait3A_183] : memref<400x16xf32, #tpu.memory_space<vmem>> -> memref<200x16xf32, #tpu.memory_space<vmem>>
      %dma_wait3A_185 = tpu.memref_slice %arg6[%add3A_181] : memref<10000xi32, #tpu.memory_space<vmem>> -> memref<200xi32, #tpu.memory_space<vmem>>
      %dma_wait3A_186 = arith.constant 0 : i32
      %dma_wait3A_187 = arith.constant 0 : i32
      %dma_wait3A_188 = tpu.memref_slice %arg8[%dma_wait3A_186, %dma_wait3A_187] : memref<10240x16xf32, #tpu.memory_space<vmem_shared>> -> memref<10240x16xf32, #tpu.memory_space<vmem_shared>>
      tpu.wait_indirect_dma semaphore(%arg9 : memref<!tpu.dma_semaphore, #tpu.memory_space<semaphore_mem>>) src(%dma_wait3A_184 : memref<200x16xf32, #tpu.memory_space<vmem>>) dst(%dma_wait3A_188 : memref<10240x16xf32, #tpu.memory_space<vmem_shared>>)
      %add3A_189 = arith.constant 1 : i32
      %add3A_190 = arith.addi %add3A_32, %add3A_189 : i32
      %mul3A_191 = arith.constant 400 : i32
      %mul3A_192 = arith.muli %add3A_190, %mul3A_191 : i32
      %add3A_193 = arith.constant 0 : i32
      %add3A_194 = arith.addi %mul3A_192, %add3A_193 : i32
      %dma_wait3A_195 = arith.constant 0 : i32
      %dma_wait3A_196 = arith.constant 0 : i32
      %dma_wait3A_197 = tpu.memref_slice %arg7[%dma_wait3A_195, %dma_wait3A_196] : memref<400x16xf32, #tpu.memory_space<vmem>> -> memref<200x16xf32, #tpu.memory_space<vmem>>
      %dma_wait3A_198 = tpu.memref_slice %arg6[%add3A_194] : memref<10000xi32, #tpu.memory_space<vmem>> -> memref<200xi32, #tpu.memory_space<vmem>>
      %dma_wait3A_199 = arith.constant 0 : i32
      %dma_wait3A_200 = arith.constant 0 : i32
      %dma_wait3A_201 = tpu.memref_slice %arg8[%dma_wait3A_199, %dma_wait3A_200] : memref<10240x16xf32, #tpu.memory_space<vmem_shared>> -> memref<10240x16xf32, #tpu.memory_space<vmem_shared>>
      tpu.wait_indirect_dma semaphore(%arg9 : memref<!tpu.dma_semaphore, #tpu.memory_space<semaphore_mem>>) src(%dma_wait3A_197 : memref<200x16xf32, #tpu.memory_space<vmem>>) dst(%dma_wait3A_201 : memref<10240x16xf32, #tpu.memory_space<vmem_shared>>)
      %add3A_202 = arith.constant 1 : i32
      %add3A_203 = arith.addi %add3A_32, %add3A_202 : i32
      %mul3A_204 = arith.constant 400 : i32
      %mul3A_205 = arith.muli %add3A_203, %mul3A_204 : i32
      %add3A_206 = arith.constant 200 : i32
      %add3A_207 = arith.addi %mul3A_205, %add3A_206 : i32
      %dma_wait3A_208 = arith.constant 0 : i32
      %dma_wait3A_209 = arith.constant 0 : i32
      %dma_wait3A_210 = tpu.memref_slice %arg7[%dma_wait3A_208, %dma_wait3A_209] : memref<400x16xf32, #tpu.memory_space<vmem>> -> memref<200x16xf32, #tpu.memory_space<vmem>>
      %dma_wait3A_211 = tpu.memref_slice %arg6[%add3A_207] : memref<10000xi32, #tpu.memory_space<vmem>> -> memref<200xi32, #tpu.memory_space<vmem>>
      %dma_wait3A_212 = arith.constant 0 : i32
      %dma_wait3A_213 = arith.constant 0 : i32
      %dma_wait3A_214 = tpu.memref_slice %arg8[%dma_wait3A_212, %dma_wait3A_213] : memref<10240x16xf32, #tpu.memory_space<vmem_shared>> -> memref<10240x16xf32, #tpu.memory_space<vmem_shared>>
      tpu.wait_indirect_dma semaphore(%arg9 : memref<!tpu.dma_semaphore, #tpu.memory_space<semaphore_mem>>) src(%dma_wait3A_210 : memref<200x16xf32, #tpu.memory_space<vmem>>) dst(%dma_wait3A_214 : memref<10240x16xf32, #tpu.memory_space<vmem_shared>>)
      %add3A_215 = arith.constant 2 : i32
      %add3A_216 = arith.addi %add3A_32, %add3A_215 : i32
      %mul3A_217 = arith.constant 400 : i32
      %mul3A_218 = arith.muli %add3A_216, %mul3A_217 : i32
      %add3A_219 = arith.constant 0 : i32
      %add3A_220 = arith.addi %mul3A_218, %add3A_219 : i32
      %dma_wait3A_221 = arith.constant 0 : i32
      %dma_wait3A_222 = arith.constant 0 : i32
      %dma_wait3A_223 = tpu.memref_slice %arg7[%dma_wait3A_221, %dma_wait3A_222] : memref<400x16xf32, #tpu.memory_space<vmem>> -> memref<200x16xf32, #tpu.memory_space<vmem>>
      %dma_wait3A_224 = tpu.memref_slice %arg6[%add3A_220] : memref<10000xi32, #tpu.memory_space<vmem>> -> memref<200xi32, #tpu.memory_space<vmem>>
      %dma_wait3A_225 = arith.constant 0 : i32
      %dma_wait3A_226 = arith.constant 0 : i32
      %dma_wait3A_227 = tpu.memref_slice %arg8[%dma_wait3A_225, %dma_wait3A_226] : memref<10240x16xf32, #tpu.memory_space<vmem_shared>> -> memref<10240x16xf32, #tpu.memory_space<vmem_shared>>
      tpu.wait_indirect_dma semaphore(%arg9 : memref<!tpu.dma_semaphore, #tpu.memory_space<semaphore_mem>>) src(%dma_wait3A_223 : memref<200x16xf32, #tpu.memory_space<vmem>>) dst(%dma_wait3A_227 : memref<10240x16xf32, #tpu.memory_space<vmem_shared>>)
      %add3A_228 = arith.constant 2 : i32
      %add3A_229 = arith.addi %add3A_32, %add3A_228 : i32
      %mul3A_230 = arith.constant 400 : i32
      %mul3A_231 = arith.muli %add3A_229, %mul3A_230 : i32
      %add3A_232 = arith.constant 200 : i32
      %add3A_233 = arith.addi %mul3A_231, %add3A_232 : i32
      %dma_wait3A_234 = arith.constant 0 : i32
      %dma_wait3A_235 = arith.constant 0 : i32
      %dma_wait3A_236 = tpu.memref_slice %arg7[%dma_wait3A_234, %dma_wait3A_235] : memref<400x16xf32, #tpu.memory_space<vmem>> -> memref<200x16xf32, #tpu.memory_space<vmem>>
      %dma_wait3A_237 = tpu.memref_slice %arg6[%add3A_233] : memref<10000xi32, #tpu.memory_space<vmem>> -> memref<200xi32, #tpu.memory_space<vmem>>
      %dma_wait3A_238 = arith.constant 0 : i32
      %dma_wait3A_239 = arith.constant 0 : i32
      %dma_wait3A_240 = tpu.memref_slice %arg8[%dma_wait3A_238, %dma_wait3A_239] : memref<10240x16xf32, #tpu.memory_space<vmem_shared>> -> memref<10240x16xf32, #tpu.memory_space<vmem_shared>>
      tpu.wait_indirect_dma semaphore(%arg9 : memref<!tpu.dma_semaphore, #tpu.memory_space<semaphore_mem>>) src(%dma_wait3A_236 : memref<200x16xf32, #tpu.memory_space<vmem>>) dst(%dma_wait3A_240 : memref<10240x16xf32, #tpu.memory_space<vmem_shared>>)
      %add3A_241 = arith.constant 3 : i32
      %add3A_242 = arith.addi %add3A_32, %add3A_241 : i32
      %mul3A_243 = arith.constant 400 : i32
      %mul3A_244 = arith.muli %add3A_242, %mul3A_243 : i32
      %add3A_245 = arith.constant 0 : i32
      %add3A_246 = arith.addi %mul3A_244, %add3A_245 : i32
      %dma_wait3A_247 = arith.constant 0 : i32
      %dma_wait3A_248 = arith.constant 0 : i32
      %dma_wait3A_249 = tpu.memref_slice %arg7[%dma_wait3A_247, %dma_wait3A_248] : memref<400x16xf32, #tpu.memory_space<vmem>> -> memref<200x16xf32, #tpu.memory_space<vmem>>
      %dma_wait3A_250 = tpu.memref_slice %arg6[%add3A_246] : memref<10000xi32, #tpu.memory_space<vmem>> -> memref<200xi32, #tpu.memory_space<vmem>>
      %dma_wait3A_251 = arith.constant 0 : i32
      %dma_wait3A_252 = arith.constant 0 : i32
      %dma_wait3A_253 = tpu.memref_slice %arg8[%dma_wait3A_251, %dma_wait3A_252] : memref<10240x16xf32, #tpu.memory_space<vmem_shared>> -> memref<10240x16xf32, #tpu.memory_space<vmem_shared>>
      tpu.wait_indirect_dma semaphore(%arg9 : memref<!tpu.dma_semaphore, #tpu.memory_space<semaphore_mem>>) src(%dma_wait3A_249 : memref<200x16xf32, #tpu.memory_space<vmem>>) dst(%dma_wait3A_253 : memref<10240x16xf32, #tpu.memory_space<vmem_shared>>)
      %add3A_254 = arith.constant 3 : i32
      %add3A_255 = arith.addi %add3A_32, %add3A_254 : i32
      %mul3A_256 = arith.constant 400 : i32
      %mul3A_257 = arith.muli %add3A_255, %mul3A_256 : i32
      %add3A_258 = arith.constant 200 : i32
      %add3A_259 = arith.addi %mul3A_257, %add3A_258 : i32
      %dma_wait3A_260 = arith.constant 0 : i32
      %dma_wait3A_261 = arith.constant 0 : i32
      %dma_wait3A_262 = tpu.memref_slice %arg7[%dma_wait3A_260, %dma_wait3A_261] : memref<400x16xf32, #tpu.memory_space<vmem>> -> memref<200x16xf32, #tpu.memory_space<vmem>>
      %dma_wait3A_263 = tpu.memref_slice %arg6[%add3A_259] : memref<10000xi32, #tpu.memory_space<vmem>> -> memref<200xi32, #tpu.memory_space<vmem>>
      %dma_wait3A_264 = arith.constant 0 : i32
      %dma_wait3A_265 = arith.constant 0 : i32
      %dma_wait3A_266 = tpu.memref_slice %arg8[%dma_wait3A_264, %dma_wait3A_265] : memref<10240x16xf32, #tpu.memory_space<vmem_shared>> -> memref<10240x16xf32, #tpu.memory_space<vmem_shared>>
      tpu.wait_indirect_dma semaphore(%arg9 : memref<!tpu.dma_semaphore, #tpu.memory_space<semaphore_mem>>) src(%dma_wait3A_262 : memref<200x16xf32, #tpu.memory_space<vmem>>) dst(%dma_wait3A_266 : memref<10240x16xf32, #tpu.memory_space<vmem_shared>>)
      %add3A_267 = arith.constant 4 : i32
      %add3A_268 = arith.addi %add3A_32, %add3A_267 : i32
      %mul3A_269 = arith.constant 400 : i32
      %mul3A_270 = arith.muli %add3A_268, %mul3A_269 : i32
      %add3A_271 = arith.constant 0 : i32
      %add3A_272 = arith.addi %mul3A_270, %add3A_271 : i32
      %dma_wait3A_273 = arith.constant 0 : i32
      %dma_wait3A_274 = arith.constant 0 : i32
      %dma_wait3A_275 = tpu.memref_slice %arg7[%dma_wait3A_273, %dma_wait3A_274] : memref<400x16xf32, #tpu.memory_space<vmem>> -> memref<200x16xf32, #tpu.memory_space<vmem>>
      %dma_wait3A_276 = tpu.memref_slice %arg6[%add3A_272] : memref<10000xi32, #tpu.memory_space<vmem>> -> memref<200xi32, #tpu.memory_space<vmem>>
      %dma_wait3A_277 = arith.constant 0 : i32
      %dma_wait3A_278 = arith.constant 0 : i32
      %dma_wait3A_279 = tpu.memref_slice %arg8[%dma_wait3A_277, %dma_wait3A_278] : memref<10240x16xf32, #tpu.memory_space<vmem_shared>> -> memref<10240x16xf32, #tpu.memory_space<vmem_shared>>
      tpu.wait_indirect_dma semaphore(%arg9 : memref<!tpu.dma_semaphore, #tpu.memory_space<semaphore_mem>>) src(%dma_wait3A_275 : memref<200x16xf32, #tpu.memory_space<vmem>>) dst(%dma_wait3A_279 : memref<10240x16xf32, #tpu.memory_space<vmem_shared>>)
      %add3A_280 = arith.constant 4 : i32
      %add3A_281 = arith.addi %add3A_32, %add3A_280 : i32
      %mul3A_282 = arith.constant 400 : i32
      %mul3A_283 = arith.muli %add3A_281, %mul3A_282 : i32
      %add3A_284 = arith.constant 200 : i32
      %add3A_285 = arith.addi %mul3A_283, %add3A_284 : i32
      %dma_wait3A_286 = arith.constant 0 : i32
      %dma_wait3A_287 = arith.constant 0 : i32
      %dma_wait3A_288 = tpu.memref_slice %arg7[%dma_wait3A_286, %dma_wait3A_287] : memref<400x16xf32, #tpu.memory_space<vmem>> -> memref<200x16xf32, #tpu.memory_space<vmem>>
      %dma_wait3A_289 = tpu.memref_slice %arg6[%add3A_285] : memref<10000xi32, #tpu.memory_space<vmem>> -> memref<200xi32, #tpu.memory_space<vmem>>
      %dma_wait3A_290 = arith.constant 0 : i32
      %dma_wait3A_291 = arith.constant 0 : i32
      %dma_wait3A_292 = tpu.memref_slice %arg8[%dma_wait3A_290, %dma_wait3A_291] : memref<10240x16xf32, #tpu.memory_space<vmem_shared>> -> memref<10240x16xf32, #tpu.memory_space<vmem_shared>>
      tpu.wait_indirect_dma semaphore(%arg9 : memref<!tpu.dma_semaphore, #tpu.memory_space<semaphore_mem>>) src(%dma_wait3A_288 : memref<200x16xf32, #tpu.memory_space<vmem>>) dst(%dma_wait3A_292 : memref<10240x16xf32, #tpu.memory_space<vmem_shared>>)
    }
    %scan3A_22 = arith.constant 5 : i32
    %barrier3A_23 = arith.constant 0 : index
    tpu.barrier barrier_id(%barrier3A_23)
    %mul3A_24 = arith.constant 640 : i32
    %mul3A_25 = arith.muli %arg1, %mul3A_24 : i32
    %mul3A_26 = arith.constant 640 : i32
    %mul3A_27 = arith.muli %arg1, %mul3A_26 : i32
    "tpu.region"() ({
      %run_scoped3A = tpu.sem_alloc : memref<!tpu.dma_semaphore, #tpu.memory_space<semaphore_mem>>
      %dma_start3A_28 = arith.constant 0 : i32
      %dma_start3A_29 = tpu.memref_slice %arg5[%arg0, %mul3A_27, %dma_start3A_28] : memref<2x10240x16xf32, #tpu.memory_space<hbm>> -> memref<1x640x16xf32, #tpu.memory_space<hbm>>
      %dma_start3A_30 = tpu.memref_squeeze %dma_start3A_29 : memref<1x640x16xf32, #tpu.memory_space<hbm>> -> memref<640x16xf32, #tpu.memory_space<hbm>>
      %dma_start3A_31 = arith.constant 0 : i32
      %dma_start3A_32 = tpu.memref_slice %arg8[%mul3A_25, %dma_start3A_31] : memref<10240x16xf32, #tpu.memory_space<vmem_shared>> -> memref<640x16xf32, #tpu.memory_space<vmem_shared>>
      tpu.enqueue_dma source(%dma_start3A_32 : memref<640x16xf32, #tpu.memory_space<vmem_shared>>) target(%dma_start3A_30 : memref<640x16xf32, #tpu.memory_space<hbm>>) target_semaphore(%run_scoped3A : memref<!tpu.dma_semaphore, #tpu.memory_space<semaphore_mem>>)
      %dma_wait3A_33 = arith.constant 0 : i32
      %dma_wait3A_34 = tpu.memref_slice %arg5[%arg0, %mul3A_27, %dma_wait3A_33] : memref<2x10240x16xf32, #tpu.memory_space<hbm>> -> memref<1x640x16xf32, #tpu.memory_space<hbm>>
      %dma_wait3A_35 = tpu.memref_squeeze %dma_wait3A_34 : memref<1x640x16xf32, #tpu.memory_space<hbm>> -> memref<640x16xf32, #tpu.memory_space<hbm>>
      %dma_wait3A_36 = arith.constant 0 : i32
      %dma_wait3A_37 = tpu.memref_slice %arg8[%mul3A_25, %dma_wait3A_36] : memref<10240x16xf32, #tpu.memory_space<vmem_shared>> -> memref<640x16xf32, #tpu.memory_space<vmem_shared>>
      tpu.wait_dma2 semaphore(%run_scoped3A : memref<!tpu.dma_semaphore, #tpu.memory_space<semaphore_mem>>) src(%dma_wait3A_37 : memref<640x16xf32, #tpu.memory_space<vmem_shared>>) dst(%dma_wait3A_35 : memref<640x16xf32, #tpu.memory_space<hbm>>)
      tpu.yield
    }) : () -> ()
    return
  }
}

#map = affine_map<(d0, d1) -> (0, 0)>
#map1 = affine_map<(d0, d1) -> (0)>
#map2 = affine_map<(d0, d1) -> (0, 0, 0)>
module attributes {stable_mosaic.version = 14 : i64} {
  func.func @_sc_msg(%arg0: i32, %arg1: i32, %arg2: memref<10240x64xf32, #tpu.memory_space<hbm>>, %arg3: memref<640000xi32, #tpu.memory_space<hbm>>, %arg4: memref<10240x64xf32, #tpu.memory_space<hbm>>, %arg5: memref<2x10240x64xf32, #tpu.memory_space<hbm>>, %arg6: memref<10000xi32, #tpu.memory_space<vmem>>, %arg7: memref<10000xi32, #tpu.memory_space<vmem>>, %arg8: memref<400x64xf32, #tpu.memory_space<vmem>>, %arg9: memref<400x64xf32, #tpu.memory_space<vmem>>, %arg10: memref<10240x64xf32, #tpu.memory_space<vmem_shared>>, %arg11: memref<!tpu.dma_semaphore, #tpu.memory_space<semaphore_mem>>, %arg12: memref<!tpu.dma_semaphore, #tpu.memory_space<semaphore_mem>>) attributes {dimension_semantics = [#tpu.dimension_semantics<core_parallel>, #tpu.dimension_semantics<subcore_parallel>], iteration_bounds = array<i64: 2, 16>, scalar_prefetch = 0 : i64, scratch_operands = 7 : i64, tpu.core_type = #tpu.core_type<sc_vector_subcore>, window_params = [{transform_indices = #map}, {transform_indices = #map1}, {transform_indices = #map}, {transform_indices = #map2}]} {
    %mul3A = arith.constant 16 : i32
    %mul3A_0 = arith.muli %arg0, %mul3A : i32
    %add3A = arith.addi %mul3A_0, %arg1 : i32
    %mul3A_1 = arith.constant 640 : i32
    %mul3A_2 = arith.muli %arg1, %mul3A_1 : i32
    %mul3A_3 = arith.constant 640 : i32
    %mul3A_4 = arith.muli %arg1, %mul3A_3 : i32
    %dma_start3A = arith.constant 0 : i32
    %dma_start3A_5 = tpu.memref_slice %arg10[%mul3A_4, %dma_start3A] : memref<10240x64xf32, #tpu.memory_space<vmem_shared>> -> memref<640x64xf32, #tpu.memory_space<vmem_shared>>
    %dma_start3A_6 = arith.constant 0 : i32
    %dma_start3A_7 = tpu.memref_slice %arg4[%mul3A_2, %dma_start3A_6] : memref<10240x64xf32, #tpu.memory_space<hbm>> -> memref<640x64xf32, #tpu.memory_space<hbm>>
    tpu.enqueue_dma source(%dma_start3A_7 : memref<640x64xf32, #tpu.memory_space<hbm>>) target(%dma_start3A_5 : memref<640x64xf32, #tpu.memory_space<vmem_shared>>) target_semaphore(%arg12 : memref<!tpu.dma_semaphore, #tpu.memory_space<semaphore_mem>>)
    %mul3A_8 = arith.constant 10000 : i32
    %mul3A_9 = arith.muli %add3A, %mul3A_8 : i32
    %dma_start3A_10 = tpu.memref_slice %arg3[%mul3A_9] : memref<640000xi32, #tpu.memory_space<hbm>> -> memref<10000xi32, #tpu.memory_space<hbm>>
    %dma_start3A_11 = tpu.memref_slice %arg3[%mul3A_9] : memref<640000xi32, #tpu.memory_space<hbm>> -> memref<10000xi32, #tpu.memory_space<hbm>>
    tpu.enqueue_dma source(%dma_start3A_11 : memref<10000xi32, #tpu.memory_space<hbm>>) target(%arg6 : memref<10000xi32, #tpu.memory_space<vmem>>) target_semaphore(%arg11 : memref<!tpu.dma_semaphore, #tpu.memory_space<semaphore_mem>>)
    %mul3A_12 = arith.constant 10000 : i32
    %mul3A_13 = arith.muli %add3A, %mul3A_12 : i32
    %dma_wait3A = tpu.memref_slice %arg3[%mul3A_13] : memref<640000xi32, #tpu.memory_space<hbm>> -> memref<10000xi32, #tpu.memory_space<hbm>>
    %dma_wait3A_14 = tpu.memref_slice %arg3[%mul3A_13] : memref<640000xi32, #tpu.memory_space<hbm>> -> memref<10000xi32, #tpu.memory_space<hbm>>
    tpu.wait_dma2 semaphore(%arg11 : memref<!tpu.dma_semaphore, #tpu.memory_space<semaphore_mem>>) src(%dma_wait3A_14 : memref<10000xi32, #tpu.memory_space<hbm>>) dst(%arg6 : memref<10000xi32, #tpu.memory_space<vmem>>)
    %dma_start3A_15 = arith.constant 0 : i32
    %dma_start3A_16 = tpu.memref_slice %arg6[%dma_start3A_15] : memref<10000xi32, #tpu.memory_space<vmem>> -> memref<400xi32, #tpu.memory_space<vmem>>
    %dma_start3A_17 = arith.constant 0 : i32
    %dma_start3A_18 = arith.constant 0 : i32
    %dma_start3A_19 = tpu.memref_slice %arg2[%dma_start3A_17, %dma_start3A_18] : memref<10240x64xf32, #tpu.memory_space<hbm>> -> memref<10240x64xf32, #tpu.memory_space<hbm>>
    tpu.enqueue_indirect_dma source(%dma_start3A_19 : memref<10240x64xf32, #tpu.memory_space<hbm>>) target(%arg8 : memref<400x64xf32, #tpu.memory_space<vmem>>) offsets(%dma_start3A_16 : memref<400xi32, #tpu.memory_space<vmem>>) semaphore(%arg11 : memref<!tpu.dma_semaphore, #tpu.memory_space<semaphore_mem>>)
    %mul3A_20 = arith.constant 10000 : i32
    %mul3A_21 = arith.muli %add3A, %mul3A_20 : i32
    %add3A_22 = arith.constant 320000 : i32
    %add3A_23 = arith.addi %add3A_22, %mul3A_21 : i32
    "tpu.region"() ({
      %run_scoped3A = tpu.sem_alloc : memref<!tpu.dma_semaphore, #tpu.memory_space<semaphore_mem>>
      %dma_start3A_46 = tpu.memref_slice %arg3[%add3A_23] : memref<640000xi32, #tpu.memory_space<hbm>> -> memref<10000xi32, #tpu.memory_space<hbm>>
      %dma_start3A_47 = tpu.memref_slice %arg3[%add3A_23] : memref<640000xi32, #tpu.memory_space<hbm>> -> memref<10000xi32, #tpu.memory_space<hbm>>
      tpu.enqueue_dma source(%dma_start3A_47 : memref<10000xi32, #tpu.memory_space<hbm>>) target(%arg7 : memref<10000xi32, #tpu.memory_space<vmem>>) target_semaphore(%run_scoped3A : memref<!tpu.dma_semaphore, #tpu.memory_space<semaphore_mem>>)
      %dma_wait3A_48 = tpu.memref_slice %arg3[%add3A_23] : memref<640000xi32, #tpu.memory_space<hbm>> -> memref<10000xi32, #tpu.memory_space<hbm>>
      %dma_wait3A_49 = tpu.memref_slice %arg3[%add3A_23] : memref<640000xi32, #tpu.memory_space<hbm>> -> memref<10000xi32, #tpu.memory_space<hbm>>
      tpu.wait_dma2 semaphore(%run_scoped3A : memref<!tpu.dma_semaphore, #tpu.memory_space<semaphore_mem>>) src(%dma_wait3A_49 : memref<10000xi32, #tpu.memory_space<hbm>>) dst(%arg7 : memref<10000xi32, #tpu.memory_space<vmem>>)
      tpu.yield
    }) : () -> ()
    %mul3A_24 = arith.constant 640 : i32
    %mul3A_25 = arith.muli %arg1, %mul3A_24 : i32
    %mul3A_26 = arith.constant 640 : i32
    %mul3A_27 = arith.muli %arg1, %mul3A_26 : i32
    %dma_wait3A_28 = arith.constant 0 : i32
    %dma_wait3A_29 = tpu.memref_slice %arg10[%mul3A_27, %dma_wait3A_28] : memref<10240x64xf32, #tpu.memory_space<vmem_shared>> -> memref<640x64xf32, #tpu.memory_space<vmem_shared>>
    %dma_wait3A_30 = arith.constant 0 : i32
    %dma_wait3A_31 = tpu.memref_slice %arg4[%mul3A_25, %dma_wait3A_30] : memref<10240x64xf32, #tpu.memory_space<hbm>> -> memref<640x64xf32, #tpu.memory_space<hbm>>
    tpu.wait_dma2 semaphore(%arg12 : memref<!tpu.dma_semaphore, #tpu.memory_space<semaphore_mem>>) src(%dma_wait3A_31 : memref<640x64xf32, #tpu.memory_space<hbm>>) dst(%dma_wait3A_29 : memref<640x64xf32, #tpu.memory_space<vmem_shared>>)
    %barrier3A = arith.constant 0 : index
    tpu.barrier barrier_id(%barrier3A)
    %scan3A = arith.constant 0 : i32
    %scan3A_32 = arith.constant 12 : i32
    %scan3A_33 = arith.addi %scan3A, %scan3A_32 : i32
    %scan3A_34 = arith.constant 1 : i32
    scf.for %scan3A_46 = %scan3A to %scan3A_33 step %scan3A_34  : i32 {
      %mul3A_47 = arith.constant 2 : i32
      %mul3A_48 = arith.muli %scan3A_46, %mul3A_47 : i32
      %add3A_49 = arith.constant 0 : i32
      %add3A_50 = arith.addi %add3A_49, %mul3A_48 : i32
      %add3A_51 = arith.constant 1 : i32
      %add3A_52 = arith.addi %add3A_50, %add3A_51 : i32
      %mul3A_53 = arith.constant 400 : i32
      %mul3A_54 = arith.muli %add3A_52, %mul3A_53 : i32
      %dma_start3A_55 = tpu.memref_slice %arg6[%mul3A_54] : memref<10000xi32, #tpu.memory_space<vmem>> -> memref<400xi32, #tpu.memory_space<vmem>>
      %dma_start3A_56 = arith.constant 0 : i32
      %dma_start3A_57 = arith.constant 0 : i32
      %dma_start3A_58 = tpu.memref_slice %arg2[%dma_start3A_56, %dma_start3A_57] : memref<10240x64xf32, #tpu.memory_space<hbm>> -> memref<10240x64xf32, #tpu.memory_space<hbm>>
      tpu.enqueue_indirect_dma source(%dma_start3A_58 : memref<10240x64xf32, #tpu.memory_space<hbm>>) target(%arg9 : memref<400x64xf32, #tpu.memory_space<vmem>>) offsets(%dma_start3A_55 : memref<400xi32, #tpu.memory_space<vmem>>) semaphore(%arg12 : memref<!tpu.dma_semaphore, #tpu.memory_space<semaphore_mem>>)
      %mul3A_59 = arith.constant 400 : i32
      %mul3A_60 = arith.muli %add3A_50, %mul3A_59 : i32
      %dma_wait3A_61 = tpu.memref_slice %arg6[%mul3A_60] : memref<10000xi32, #tpu.memory_space<vmem>> -> memref<400xi32, #tpu.memory_space<vmem>>
      %dma_wait3A_62 = arith.constant 0 : i32
      %dma_wait3A_63 = arith.constant 0 : i32
      %dma_wait3A_64 = tpu.memref_slice %arg2[%dma_wait3A_62, %dma_wait3A_63] : memref<10240x64xf32, #tpu.memory_space<hbm>> -> memref<10240x64xf32, #tpu.memory_space<hbm>>
      tpu.wait_indirect_dma semaphore(%arg11 : memref<!tpu.dma_semaphore, #tpu.memory_space<semaphore_mem>>) src(%dma_wait3A_64 : memref<10240x64xf32, #tpu.memory_space<hbm>>) dst(%arg8 : memref<400x64xf32, #tpu.memory_space<vmem>>)
      %mul3A_65 = arith.constant 400 : i32
      %mul3A_66 = arith.muli %add3A_50, %mul3A_65 : i32
      "tpu.region"() ({
        %run_scoped3A = tpu.sem_alloc : memref<!tpu.dma_semaphore, #tpu.memory_space<semaphore_mem>>
        %dma_start3A_91 = arith.constant 0 : i32
        %dma_start3A_92 = arith.constant 0 : i32
        %dma_start3A_93 = tpu.memref_slice %arg8[%dma_start3A_91, %dma_start3A_92] : memref<400x64xf32, #tpu.memory_space<vmem>> -> memref<200x64xf32, #tpu.memory_space<vmem>>
        %dma_start3A_94 = tpu.memref_slice %arg7[%mul3A_66] : memref<10000xi32, #tpu.memory_space<vmem>> -> memref<200xi32, #tpu.memory_space<vmem>>
        %dma_start3A_95 = arith.constant 0 : i32
        %dma_start3A_96 = arith.constant 0 : i32
        %dma_start3A_97 = tpu.memref_slice %arg10[%dma_start3A_95, %dma_start3A_96] : memref<10240x64xf32, #tpu.memory_space<vmem_shared>> -> memref<10240x64xf32, #tpu.memory_space<vmem_shared>>
        tpu.enqueue_indirect_dma source(%dma_start3A_93 : memref<200x64xf32, #tpu.memory_space<vmem>>) target(%dma_start3A_97 : memref<10240x64xf32, #tpu.memory_space<vmem_shared>>) offsets(%dma_start3A_94 : memref<200xi32, #tpu.memory_space<vmem>>) semaphore(%run_scoped3A : memref<!tpu.dma_semaphore, #tpu.memory_space<semaphore_mem>>) {add = true}
        %dma_wait3A_98 = arith.constant 0 : i32
        %dma_wait3A_99 = arith.constant 0 : i32
        %dma_wait3A_100 = tpu.memref_slice %arg8[%dma_wait3A_98, %dma_wait3A_99] : memref<400x64xf32, #tpu.memory_space<vmem>> -> memref<200x64xf32, #tpu.memory_space<vmem>>
        %dma_wait3A_101 = tpu.memref_slice %arg7[%mul3A_66] : memref<10000xi32, #tpu.memory_space<vmem>> -> memref<200xi32, #tpu.memory_space<vmem>>
        %dma_wait3A_102 = arith.constant 0 : i32
        %dma_wait3A_103 = arith.constant 0 : i32
        %dma_wait3A_104 = tpu.memref_slice %arg10[%dma_wait3A_102, %dma_wait3A_103] : memref<10240x64xf32, #tpu.memory_space<vmem_shared>> -> memref<10240x64xf32, #tpu.memory_space<vmem_shared>>
        tpu.wait_indirect_dma semaphore(%run_scoped3A : memref<!tpu.dma_semaphore, #tpu.memory_space<semaphore_mem>>) src(%dma_wait3A_100 : memref<200x64xf32, #tpu.memory_space<vmem>>) dst(%dma_wait3A_104 : memref<10240x64xf32, #tpu.memory_space<vmem_shared>>)
        tpu.yield
      }) : () -> ()
      %mul3A_67 = arith.constant 400 : i32
      %mul3A_68 = arith.muli %add3A_50, %mul3A_67 : i32
      %add3A_69 = arith.constant 200 : i32
      %add3A_70 = arith.addi %mul3A_68, %add3A_69 : i32
      "tpu.region"() ({
        %run_scoped3A = tpu.sem_alloc : memref<!tpu.dma_semaphore, #tpu.memory_space<semaphore_mem>>
        %dma_start3A_91 = arith.constant 200 : i32
        %dma_start3A_92 = arith.constant 0 : i32
        %dma_start3A_93 = tpu.memref_slice %arg8[%dma_start3A_91, %dma_start3A_92] : memref<400x64xf32, #tpu.memory_space<vmem>> -> memref<200x64xf32, #tpu.memory_space<vmem>>
        %dma_start3A_94 = tpu.memref_slice %arg7[%add3A_70] : memref<10000xi32, #tpu.memory_space<vmem>> -> memref<200xi32, #tpu.memory_space<vmem>>
        %dma_start3A_95 = arith.constant 0 : i32
        %dma_start3A_96 = arith.constant 0 : i32
        %dma_start3A_97 = tpu.memref_slice %arg10[%dma_start3A_95, %dma_start3A_96] : memref<10240x64xf32, #tpu.memory_space<vmem_shared>> -> memref<10240x64xf32, #tpu.memory_space<vmem_shared>>
        tpu.enqueue_indirect_dma source(%dma_start3A_93 : memref<200x64xf32, #tpu.memory_space<vmem>>) target(%dma_start3A_97 : memref<10240x64xf32, #tpu.memory_space<vmem_shared>>) offsets(%dma_start3A_94 : memref<200xi32, #tpu.memory_space<vmem>>) semaphore(%run_scoped3A : memref<!tpu.dma_semaphore, #tpu.memory_space<semaphore_mem>>) {add = true}
        %dma_wait3A_98 = arith.constant 200 : i32
        %dma_wait3A_99 = arith.constant 0 : i32
        %dma_wait3A_100 = tpu.memref_slice %arg8[%dma_wait3A_98, %dma_wait3A_99] : memref<400x64xf32, #tpu.memory_space<vmem>> -> memref<200x64xf32, #tpu.memory_space<vmem>>
        %dma_wait3A_101 = tpu.memref_slice %arg7[%add3A_70] : memref<10000xi32, #tpu.memory_space<vmem>> -> memref<200xi32, #tpu.memory_space<vmem>>
        %dma_wait3A_102 = arith.constant 0 : i32
        %dma_wait3A_103 = arith.constant 0 : i32
        %dma_wait3A_104 = tpu.memref_slice %arg10[%dma_wait3A_102, %dma_wait3A_103] : memref<10240x64xf32, #tpu.memory_space<vmem_shared>> -> memref<10240x64xf32, #tpu.memory_space<vmem_shared>>
        tpu.wait_indirect_dma semaphore(%run_scoped3A : memref<!tpu.dma_semaphore, #tpu.memory_space<semaphore_mem>>) src(%dma_wait3A_100 : memref<200x64xf32, #tpu.memory_space<vmem>>) dst(%dma_wait3A_104 : memref<10240x64xf32, #tpu.memory_space<vmem_shared>>)
        tpu.yield
      }) : () -> ()
      %add3A_71 = arith.constant 2 : i32
      %add3A_72 = arith.addi %add3A_50, %add3A_71 : i32
      %lt3A = arith.constant 25 : i32
      %lt3A_73 = arith.cmpi slt, %add3A_72, %lt3A : i32
      %convert_element_type3A = arith.extui %lt3A_73 : i1 to i32
      %cond3A = arith.constant 0 : i32
      %cond3A_74 = arith.cmpi ne, %convert_element_type3A, %cond3A : i32
      scf.if %cond3A_74 {
        %add3A_91 = arith.constant 2 : i32
        %add3A_92 = arith.addi %add3A_50, %add3A_91 : i32
        %mul3A_93 = arith.constant 400 : i32
        %mul3A_94 = arith.muli %add3A_92, %mul3A_93 : i32
        %dma_start3A_95 = tpu.memref_slice %arg6[%mul3A_94] : memref<10000xi32, #tpu.memory_space<vmem>> -> memref<400xi32, #tpu.memory_space<vmem>>
        %dma_start3A_96 = arith.constant 0 : i32
        %dma_start3A_97 = arith.constant 0 : i32
        %dma_start3A_98 = tpu.memref_slice %arg2[%dma_start3A_96, %dma_start3A_97] : memref<10240x64xf32, #tpu.memory_space<hbm>> -> memref<10240x64xf32, #tpu.memory_space<hbm>>
        tpu.enqueue_indirect_dma source(%dma_start3A_98 : memref<10240x64xf32, #tpu.memory_space<hbm>>) target(%arg8 : memref<400x64xf32, #tpu.memory_space<vmem>>) offsets(%dma_start3A_95 : memref<400xi32, #tpu.memory_space<vmem>>) semaphore(%arg11 : memref<!tpu.dma_semaphore, #tpu.memory_space<semaphore_mem>>)
      } else {
      }
      %add3A_75 = arith.constant 1 : i32
      %add3A_76 = arith.addi %add3A_50, %add3A_75 : i32
      %mul3A_77 = arith.constant 400 : i32
      %mul3A_78 = arith.muli %add3A_76, %mul3A_77 : i32
      %dma_wait3A_79 = tpu.memref_slice %arg6[%mul3A_78] : memref<10000xi32, #tpu.memory_space<vmem>> -> memref<400xi32, #tpu.memory_space<vmem>>
      %dma_wait3A_80 = arith.constant 0 : i32
      %dma_wait3A_81 = arith.constant 0 : i32
      %dma_wait3A_82 = tpu.memref_slice %arg2[%dma_wait3A_80, %dma_wait3A_81] : memref<10240x64xf32, #tpu.memory_space<hbm>> -> memref<10240x64xf32, #tpu.memory_space<hbm>>
      tpu.wait_indirect_dma semaphore(%arg12 : memref<!tpu.dma_semaphore, #tpu.memory_space<semaphore_mem>>) src(%dma_wait3A_82 : memref<10240x64xf32, #tpu.memory_space<hbm>>) dst(%arg9 : memref<400x64xf32, #tpu.memory_space<vmem>>)
      %add3A_83 = arith.constant 1 : i32
      %add3A_84 = arith.addi %add3A_50, %add3A_83 : i32
      %mul3A_85 = arith.constant 400 : i32
      %mul3A_86 = arith.muli %add3A_84, %mul3A_85 : i32
      "tpu.region"() ({
        %run_scoped3A = tpu.sem_alloc : memref<!tpu.dma_semaphore, #tpu.memory_space<semaphore_mem>>
        %dma_start3A_91 = arith.constant 0 : i32
        %dma_start3A_92 = arith.constant 0 : i32
        %dma_start3A_93 = tpu.memref_slice %arg9[%dma_start3A_91, %dma_start3A_92] : memref<400x64xf32, #tpu.memory_space<vmem>> -> memref<200x64xf32, #tpu.memory_space<vmem>>
        %dma_start3A_94 = tpu.memref_slice %arg7[%mul3A_86] : memref<10000xi32, #tpu.memory_space<vmem>> -> memref<200xi32, #tpu.memory_space<vmem>>
        %dma_start3A_95 = arith.constant 0 : i32
        %dma_start3A_96 = arith.constant 0 : i32
        %dma_start3A_97 = tpu.memref_slice %arg10[%dma_start3A_95, %dma_start3A_96] : memref<10240x64xf32, #tpu.memory_space<vmem_shared>> -> memref<10240x64xf32, #tpu.memory_space<vmem_shared>>
        tpu.enqueue_indirect_dma source(%dma_start3A_93 : memref<200x64xf32, #tpu.memory_space<vmem>>) target(%dma_start3A_97 : memref<10240x64xf32, #tpu.memory_space<vmem_shared>>) offsets(%dma_start3A_94 : memref<200xi32, #tpu.memory_space<vmem>>) semaphore(%run_scoped3A : memref<!tpu.dma_semaphore, #tpu.memory_space<semaphore_mem>>) {add = true}
        %dma_wait3A_98 = arith.constant 0 : i32
        %dma_wait3A_99 = arith.constant 0 : i32
        %dma_wait3A_100 = tpu.memref_slice %arg9[%dma_wait3A_98, %dma_wait3A_99] : memref<400x64xf32, #tpu.memory_space<vmem>> -> memref<200x64xf32, #tpu.memory_space<vmem>>
        %dma_wait3A_101 = tpu.memref_slice %arg7[%mul3A_86] : memref<10000xi32, #tpu.memory_space<vmem>> -> memref<200xi32, #tpu.memory_space<vmem>>
        %dma_wait3A_102 = arith.constant 0 : i32
        %dma_wait3A_103 = arith.constant 0 : i32
        %dma_wait3A_104 = tpu.memref_slice %arg10[%dma_wait3A_102, %dma_wait3A_103] : memref<10240x64xf32, #tpu.memory_space<vmem_shared>> -> memref<10240x64xf32, #tpu.memory_space<vmem_shared>>
        tpu.wait_indirect_dma semaphore(%run_scoped3A : memref<!tpu.dma_semaphore, #tpu.memory_space<semaphore_mem>>) src(%dma_wait3A_100 : memref<200x64xf32, #tpu.memory_space<vmem>>) dst(%dma_wait3A_104 : memref<10240x64xf32, #tpu.memory_space<vmem_shared>>)
        tpu.yield
      }) : () -> ()
      %mul3A_87 = arith.constant 400 : i32
      %mul3A_88 = arith.muli %add3A_84, %mul3A_87 : i32
      %add3A_89 = arith.constant 200 : i32
      %add3A_90 = arith.addi %mul3A_88, %add3A_89 : i32
      "tpu.region"() ({
        %run_scoped3A = tpu.sem_alloc : memref<!tpu.dma_semaphore, #tpu.memory_space<semaphore_mem>>
        %dma_start3A_91 = arith.constant 200 : i32
        %dma_start3A_92 = arith.constant 0 : i32
        %dma_start3A_93 = tpu.memref_slice %arg9[%dma_start3A_91, %dma_start3A_92] : memref<400x64xf32, #tpu.memory_space<vmem>> -> memref<200x64xf32, #tpu.memory_space<vmem>>
        %dma_start3A_94 = tpu.memref_slice %arg7[%add3A_90] : memref<10000xi32, #tpu.memory_space<vmem>> -> memref<200xi32, #tpu.memory_space<vmem>>
        %dma_start3A_95 = arith.constant 0 : i32
        %dma_start3A_96 = arith.constant 0 : i32
        %dma_start3A_97 = tpu.memref_slice %arg10[%dma_start3A_95, %dma_start3A_96] : memref<10240x64xf32, #tpu.memory_space<vmem_shared>> -> memref<10240x64xf32, #tpu.memory_space<vmem_shared>>
        tpu.enqueue_indirect_dma source(%dma_start3A_93 : memref<200x64xf32, #tpu.memory_space<vmem>>) target(%dma_start3A_97 : memref<10240x64xf32, #tpu.memory_space<vmem_shared>>) offsets(%dma_start3A_94 : memref<200xi32, #tpu.memory_space<vmem>>) semaphore(%run_scoped3A : memref<!tpu.dma_semaphore, #tpu.memory_space<semaphore_mem>>) {add = true}
        %dma_wait3A_98 = arith.constant 200 : i32
        %dma_wait3A_99 = arith.constant 0 : i32
        %dma_wait3A_100 = tpu.memref_slice %arg9[%dma_wait3A_98, %dma_wait3A_99] : memref<400x64xf32, #tpu.memory_space<vmem>> -> memref<200x64xf32, #tpu.memory_space<vmem>>
        %dma_wait3A_101 = tpu.memref_slice %arg7[%add3A_90] : memref<10000xi32, #tpu.memory_space<vmem>> -> memref<200xi32, #tpu.memory_space<vmem>>
        %dma_wait3A_102 = arith.constant 0 : i32
        %dma_wait3A_103 = arith.constant 0 : i32
        %dma_wait3A_104 = tpu.memref_slice %arg10[%dma_wait3A_102, %dma_wait3A_103] : memref<10240x64xf32, #tpu.memory_space<vmem_shared>> -> memref<10240x64xf32, #tpu.memory_space<vmem_shared>>
        tpu.wait_indirect_dma semaphore(%run_scoped3A : memref<!tpu.dma_semaphore, #tpu.memory_space<semaphore_mem>>) src(%dma_wait3A_100 : memref<200x64xf32, #tpu.memory_space<vmem>>) dst(%dma_wait3A_104 : memref<10240x64xf32, #tpu.memory_space<vmem_shared>>)
        tpu.yield
      }) : () -> ()
    }
    %scan3A_35 = arith.constant 12 : i32
    %dma_wait3A_36 = arith.constant 9600 : i32
    %dma_wait3A_37 = tpu.memref_slice %arg6[%dma_wait3A_36] : memref<10000xi32, #tpu.memory_space<vmem>> -> memref<400xi32, #tpu.memory_space<vmem>>
    %dma_wait3A_38 = arith.constant 0 : i32
    %dma_wait3A_39 = arith.constant 0 : i32
    %dma_wait3A_40 = tpu.memref_slice %arg2[%dma_wait3A_38, %dma_wait3A_39] : memref<10240x64xf32, #tpu.memory_space<hbm>> -> memref<10240x64xf32, #tpu.memory_space<hbm>>
    tpu.wait_indirect_dma semaphore(%arg11 : memref<!tpu.dma_semaphore, #tpu.memory_space<semaphore_mem>>) src(%dma_wait3A_40 : memref<10240x64xf32, #tpu.memory_space<hbm>>) dst(%arg8 : memref<400x64xf32, #tpu.memory_space<vmem>>)
    "tpu.region"() ({
      %run_scoped3A = tpu.sem_alloc : memref<!tpu.dma_semaphore, #tpu.memory_space<semaphore_mem>>
      %dma_start3A_46 = arith.constant 0 : i32
      %dma_start3A_47 = arith.constant 0 : i32
      %dma_start3A_48 = tpu.memref_slice %arg8[%dma_start3A_46, %dma_start3A_47] : memref<400x64xf32, #tpu.memory_space<vmem>> -> memref<200x64xf32, #tpu.memory_space<vmem>>
      %dma_start3A_49 = arith.constant 9600 : i32
      %dma_start3A_50 = tpu.memref_slice %arg7[%dma_start3A_49] : memref<10000xi32, #tpu.memory_space<vmem>> -> memref<200xi32, #tpu.memory_space<vmem>>
      %dma_start3A_51 = arith.constant 0 : i32
      %dma_start3A_52 = arith.constant 0 : i32
      %dma_start3A_53 = tpu.memref_slice %arg10[%dma_start3A_51, %dma_start3A_52] : memref<10240x64xf32, #tpu.memory_space<vmem_shared>> -> memref<10240x64xf32, #tpu.memory_space<vmem_shared>>
      tpu.enqueue_indirect_dma source(%dma_start3A_48 : memref<200x64xf32, #tpu.memory_space<vmem>>) target(%dma_start3A_53 : memref<10240x64xf32, #tpu.memory_space<vmem_shared>>) offsets(%dma_start3A_50 : memref<200xi32, #tpu.memory_space<vmem>>) semaphore(%run_scoped3A : memref<!tpu.dma_semaphore, #tpu.memory_space<semaphore_mem>>) {add = true}
      %dma_wait3A_54 = arith.constant 0 : i32
      %dma_wait3A_55 = arith.constant 0 : i32
      %dma_wait3A_56 = tpu.memref_slice %arg8[%dma_wait3A_54, %dma_wait3A_55] : memref<400x64xf32, #tpu.memory_space<vmem>> -> memref<200x64xf32, #tpu.memory_space<vmem>>
      %dma_wait3A_57 = arith.constant 9600 : i32
      %dma_wait3A_58 = tpu.memref_slice %arg7[%dma_wait3A_57] : memref<10000xi32, #tpu.memory_space<vmem>> -> memref<200xi32, #tpu.memory_space<vmem>>
      %dma_wait3A_59 = arith.constant 0 : i32
      %dma_wait3A_60 = arith.constant 0 : i32
      %dma_wait3A_61 = tpu.memref_slice %arg10[%dma_wait3A_59, %dma_wait3A_60] : memref<10240x64xf32, #tpu.memory_space<vmem_shared>> -> memref<10240x64xf32, #tpu.memory_space<vmem_shared>>
      tpu.wait_indirect_dma semaphore(%run_scoped3A : memref<!tpu.dma_semaphore, #tpu.memory_space<semaphore_mem>>) src(%dma_wait3A_56 : memref<200x64xf32, #tpu.memory_space<vmem>>) dst(%dma_wait3A_61 : memref<10240x64xf32, #tpu.memory_space<vmem_shared>>)
      tpu.yield
    }) : () -> ()
    "tpu.region"() ({
      %run_scoped3A = tpu.sem_alloc : memref<!tpu.dma_semaphore, #tpu.memory_space<semaphore_mem>>
      %dma_start3A_46 = arith.constant 200 : i32
      %dma_start3A_47 = arith.constant 0 : i32
      %dma_start3A_48 = tpu.memref_slice %arg8[%dma_start3A_46, %dma_start3A_47] : memref<400x64xf32, #tpu.memory_space<vmem>> -> memref<200x64xf32, #tpu.memory_space<vmem>>
      %dma_start3A_49 = arith.constant 9800 : i32
      %dma_start3A_50 = tpu.memref_slice %arg7[%dma_start3A_49] : memref<10000xi32, #tpu.memory_space<vmem>> -> memref<200xi32, #tpu.memory_space<vmem>>
      %dma_start3A_51 = arith.constant 0 : i32
      %dma_start3A_52 = arith.constant 0 : i32
      %dma_start3A_53 = tpu.memref_slice %arg10[%dma_start3A_51, %dma_start3A_52] : memref<10240x64xf32, #tpu.memory_space<vmem_shared>> -> memref<10240x64xf32, #tpu.memory_space<vmem_shared>>
      tpu.enqueue_indirect_dma source(%dma_start3A_48 : memref<200x64xf32, #tpu.memory_space<vmem>>) target(%dma_start3A_53 : memref<10240x64xf32, #tpu.memory_space<vmem_shared>>) offsets(%dma_start3A_50 : memref<200xi32, #tpu.memory_space<vmem>>) semaphore(%run_scoped3A : memref<!tpu.dma_semaphore, #tpu.memory_space<semaphore_mem>>) {add = true}
      %dma_wait3A_54 = arith.constant 200 : i32
      %dma_wait3A_55 = arith.constant 0 : i32
      %dma_wait3A_56 = tpu.memref_slice %arg8[%dma_wait3A_54, %dma_wait3A_55] : memref<400x64xf32, #tpu.memory_space<vmem>> -> memref<200x64xf32, #tpu.memory_space<vmem>>
      %dma_wait3A_57 = arith.constant 9800 : i32
      %dma_wait3A_58 = tpu.memref_slice %arg7[%dma_wait3A_57] : memref<10000xi32, #tpu.memory_space<vmem>> -> memref<200xi32, #tpu.memory_space<vmem>>
      %dma_wait3A_59 = arith.constant 0 : i32
      %dma_wait3A_60 = arith.constant 0 : i32
      %dma_wait3A_61 = tpu.memref_slice %arg10[%dma_wait3A_59, %dma_wait3A_60] : memref<10240x64xf32, #tpu.memory_space<vmem_shared>> -> memref<10240x64xf32, #tpu.memory_space<vmem_shared>>
      tpu.wait_indirect_dma semaphore(%run_scoped3A : memref<!tpu.dma_semaphore, #tpu.memory_space<semaphore_mem>>) src(%dma_wait3A_56 : memref<200x64xf32, #tpu.memory_space<vmem>>) dst(%dma_wait3A_61 : memref<10240x64xf32, #tpu.memory_space<vmem_shared>>)
      tpu.yield
    }) : () -> ()
    %barrier3A_41 = arith.constant 0 : index
    tpu.barrier barrier_id(%barrier3A_41)
    %mul3A_42 = arith.constant 640 : i32
    %mul3A_43 = arith.muli %arg1, %mul3A_42 : i32
    %mul3A_44 = arith.constant 640 : i32
    %mul3A_45 = arith.muli %arg1, %mul3A_44 : i32
    "tpu.region"() ({
      %run_scoped3A = tpu.sem_alloc : memref<!tpu.dma_semaphore, #tpu.memory_space<semaphore_mem>>
      %dma_start3A_46 = arith.constant 0 : i32
      %dma_start3A_47 = tpu.memref_slice %arg5[%arg0, %mul3A_45, %dma_start3A_46] : memref<2x10240x64xf32, #tpu.memory_space<hbm>> -> memref<1x640x64xf32, #tpu.memory_space<hbm>>
      %dma_start3A_48 = tpu.memref_squeeze %dma_start3A_47 : memref<1x640x64xf32, #tpu.memory_space<hbm>> -> memref<640x64xf32, #tpu.memory_space<hbm>>
      %dma_start3A_49 = arith.constant 0 : i32
      %dma_start3A_50 = tpu.memref_slice %arg10[%mul3A_43, %dma_start3A_49] : memref<10240x64xf32, #tpu.memory_space<vmem_shared>> -> memref<640x64xf32, #tpu.memory_space<vmem_shared>>
      tpu.enqueue_dma source(%dma_start3A_50 : memref<640x64xf32, #tpu.memory_space<vmem_shared>>) target(%dma_start3A_48 : memref<640x64xf32, #tpu.memory_space<hbm>>) target_semaphore(%run_scoped3A : memref<!tpu.dma_semaphore, #tpu.memory_space<semaphore_mem>>)
      %dma_wait3A_51 = arith.constant 0 : i32
      %dma_wait3A_52 = tpu.memref_slice %arg5[%arg0, %mul3A_45, %dma_wait3A_51] : memref<2x10240x64xf32, #tpu.memory_space<hbm>> -> memref<1x640x64xf32, #tpu.memory_space<hbm>>
      %dma_wait3A_53 = tpu.memref_squeeze %dma_wait3A_52 : memref<1x640x64xf32, #tpu.memory_space<hbm>> -> memref<640x64xf32, #tpu.memory_space<hbm>>
      %dma_wait3A_54 = arith.constant 0 : i32
      %dma_wait3A_55 = tpu.memref_slice %arg10[%mul3A_43, %dma_wait3A_54] : memref<10240x64xf32, #tpu.memory_space<vmem_shared>> -> memref<640x64xf32, #tpu.memory_space<vmem_shared>>
      tpu.wait_dma2 semaphore(%run_scoped3A : memref<!tpu.dma_semaphore, #tpu.memory_space<semaphore_mem>>) src(%dma_wait3A_55 : memref<640x64xf32, #tpu.memory_space<vmem_shared>>) dst(%dma_wait3A_53 : memref<640x64xf32, #tpu.memory_space<hbm>>)
      tpu.yield
    }) : () -> ()
    return
  }
}

module attributes {stable_mosaic.version = 14 : i64} {
  func.func @_prep_body(%arg0: i32, %arg1: memref<2x2560x32xf32, #tpu.memory_space<vmem>>, %arg2: memref<2560x256xf32, #tpu.memory_space<vmem>>, %arg3: memref<256x128xf32, #tpu.memory_space<vmem>>, %arg4: memref<32x128xf32, #tpu.memory_space<vmem>>, %arg5: memref<2560x128xf32, #tpu.memory_space<vmem>>, %arg6: memref<2560x128xf32, #tpu.memory_space<vmem>>) attributes {dimension_semantics = [#tpu.dimension_semantics<arbitrary>], iteration_bounds = array<i64: 2>, scalar_prefetch = 0 : i64, scratch_operands = 0 : i64, tpu.core_type = #tpu.core_type<tc>, window_params = [{transform_indices = @transform_0, window_bounds = array<i64: 2, 2560, 32>}, {transform_indices = @transform_1, window_bounds = array<i64: 2560, 256>}, {pipeline_mode = #tpu.pipeline_mode<synchronous>, transform_indices = @transform_2, window_bounds = array<i64: 256, 128>}, {pipeline_mode = #tpu.pipeline_mode<synchronous>, transform_indices = @transform_3, window_bounds = array<i64: 32, 128>}, {transform_indices = @transform_4, window_bounds = array<i64: 2560, 128>}, {transform_indices = @transform_5, window_bounds = array<i64: 2560, 128>}]} {
    %get3A = arith.constant 0 : index
    %get3A_0 = arith.constant 0 : index
    %get3A_1 = arith.constant 0 : index
    %get3A_2 = vector.load %arg1[%get3A, %get3A_0, %get3A_1] : memref<2x2560x32xf32, #tpu.memory_space<vmem>>, vector<1x2560x32xf32>
    %get3A_3 = vector.shape_cast %get3A_2 : vector<1x2560x32xf32> to vector<2560x32xf32>
    %add3A = arith.constant 1.000000e+00 : f32
    %add3A_4 = vector.broadcast %add3A : f32 to vector<2560x32xf32>
    %add3A_5 = arith.addf %add3A_4, %get3A_3 : vector<2560x32xf32>
    %get3A_6 = arith.constant 1 : index
    %get3A_7 = arith.constant 0 : index
    %get3A_8 = arith.constant 0 : index
    %get3A_9 = vector.load %arg1[%get3A_6, %get3A_7, %get3A_8] : memref<2x2560x32xf32, #tpu.memory_space<vmem>>, vector<1x2560x32xf32>
    %get3A_10 = vector.shape_cast %get3A_9 : vector<1x2560x32xf32> to vector<2560x32xf32>
    %add3A_11 = arith.addf %add3A_5, %get3A_10 : vector<2560x32xf32>
    %rsqrt3A = math.rsqrt %add3A_11 : vector<2560x32xf32>
    %get3A_12 = arith.constant 0 : index
    %get3A_13 = arith.constant 0 : index
    %get3A_14 = vector.load %arg4[%get3A_12, %get3A_13] : memref<32x128xf32, #tpu.memory_space<vmem>>, vector<32x128xf32>
    %dot_general3A = arith.constant dense<0.000000e+00> : vector<2560x128xf32>
    %dot_general3A_15 = tpu.matmul %rsqrt3A, %get3A_14, %dot_general3A {dimension_numbers = #tpu.dot_dimension_numbers<[1], [0], [0], [1], [0, 0, 1, 1], [], []>, transpose_lhs_hint = false} : vector<2560x32xf32>, vector<32x128xf32>, vector<2560x128xf32> -> vector<2560x128xf32>
    %swap3A = arith.constant 0 : index
    %swap3A_16 = arith.constant 0 : index
    %swap3A_17 = vector.load %arg5[%swap3A, %swap3A_16] : memref<2560x128xf32, #tpu.memory_space<vmem>>, vector<2560x128xf32>
    tpu.vector_store %arg5[%swap3A, %swap3A_16], %dot_general3A_15 {strides = array<i32>} : memref<2560x128xf32, #tpu.memory_space<vmem>>, vector<2560x128xf32>,
    %get3A_18 = arith.constant 0 : index
    %get3A_19 = arith.constant 0 : index
    %get3A_20 = vector.load %arg2[%get3A_18, %get3A_19] : memref<2560x256xf32, #tpu.memory_space<vmem>>, vector<2560x256xf32>
    %get3A_21 = arith.constant 0 : index
    %get3A_22 = arith.constant 0 : index
    %get3A_23 = vector.load %arg3[%get3A_21, %get3A_22] : memref<256x128xf32, #tpu.memory_space<vmem>>, vector<256x128xf32>
    %dot_general3A_24 = arith.constant dense<0.000000e+00> : vector<2560x128xf32>
    %dot_general3A_25 = tpu.matmul %get3A_20, %get3A_23, %dot_general3A_24 {dimension_numbers = #tpu.dot_dimension_numbers<[1], [0], [0], [1], [0, 0, 1, 1], [], []>, precision = #tpu.contract_precision<fp32>, transpose_lhs_hint = false} : vector<2560x256xf32>, vector<256x128xf32>, vector<2560x128xf32> -> vector<2560x128xf32>
    %mul3A = arith.mulf %dot_general3A_15, %dot_general3A_25 : vector<2560x128xf32>
    %swap3A_26 = arith.constant 0 : index
    %swap3A_27 = arith.constant 0 : index
    %swap3A_28 = vector.load %arg6[%swap3A_26, %swap3A_27] : memref<2560x128xf32, #tpu.memory_space<vmem>>, vector<2560x128xf32>
    tpu.vector_store %arg6[%swap3A_26, %swap3A_27], %mul3A {strides = array<i32>} : memref<2560x128xf32, #tpu.memory_space<vmem>>, vector<2560x128xf32>,
    return
  }
  func.func @transform_0(%arg0: i32) -> (i32, i32, i32) {
    %c0_i32 = arith.constant 0 : i32
    %c0_i32_0 = arith.constant 0 : i32
    %c0_i32_1 = arith.constant 0 : i32
    return %c0_i32, %arg0, %c0_i32_0 : i32, i32, i32
  }
  func.func @transform_1(%arg0: i32) -> (i32, i32) {
    %c0_i32 = arith.constant 0 : i32
    %c0_i32_0 = arith.constant 0 : i32
    return %arg0, %c0_i32 : i32, i32
  }
  func.func @transform_2(%arg0: i32) -> (i32, i32) {
    %c0_i32 = arith.constant 0 : i32
    %c0_i32_0 = arith.constant 0 : i32
    %c0_i32_1 = arith.constant 0 : i32
    return %c0_i32, %c0_i32_0 : i32, i32
  }
  func.func @transform_3(%arg0: i32) -> (i32, i32) {
    %c0_i32 = arith.constant 0 : i32
    %c0_i32_0 = arith.constant 0 : i32
    %c0_i32_1 = arith.constant 0 : i32
    return %c0_i32, %c0_i32_0 : i32, i32
  }
  func.func @transform_4(%arg0: i32) -> (i32, i32) {
    %c0_i32 = arith.constant 0 : i32
    %c0_i32_0 = arith.constant 0 : i32
    return %arg0, %c0_i32 : i32, i32
  }
  func.func @transform_5(%arg0: i32) -> (i32, i32) {
    %c0_i32 = arith.constant 0 : i32
    %c0_i32_0 = arith.constant 0 : i32
    return %arg0, %c0_i32 : i32, i32
  }
}

module attributes {stable_mosaic.version = 14 : i64} {
  func.func @_combine_body(%arg0: i32, %arg1: memref<2x2560x128xf32, #tpu.memory_space<vmem>>, %arg2: memref<2560x128xf32, #tpu.memory_space<vmem>>, %arg3: memref<2560x128xf32, #tpu.memory_space<vmem>>, %arg4: memref<1x128xf32, #tpu.memory_space<vmem>>, %arg5: memref<128x128xf32, #tpu.memory_space<vmem>>, %arg6: memref<2560x128xf32, #tpu.memory_space<vmem>>) attributes {dimension_semantics = [#tpu.dimension_semantics<arbitrary>], iteration_bounds = array<i64: 2>, scalar_prefetch = 0 : i64, scratch_operands = 0 : i64, tpu.core_type = #tpu.core_type<tc>, window_params = [{transform_indices = @transform_0, window_bounds = array<i64: 2, 2560, 128>}, {transform_indices = @transform_1, window_bounds = array<i64: 2560, 128>}, {transform_indices = @transform_2, window_bounds = array<i64: 2560, 128>}, {pipeline_mode = #tpu.pipeline_mode<synchronous>, transform_indices = @transform_3, window_bounds = array<i64: 1, 128>}, {pipeline_mode = #tpu.pipeline_mode<synchronous>, transform_indices = @transform_4, window_bounds = array<i64: 128, 128>}, {transform_indices = @transform_5, window_bounds = array<i64: 2560, 128>}]} {
    %get3A = arith.constant 0 : index
    %get3A_0 = arith.constant 0 : index
    %get3A_1 = vector.load %arg3[%get3A, %get3A_0] : memref<2560x128xf32, #tpu.memory_space<vmem>>, vector<2560x128xf32>
    %get3A_2 = arith.constant 0 : index
    %get3A_3 = arith.constant 0 : index
    %get3A_4 = arith.constant 0 : index
    %get3A_5 = vector.load %arg1[%get3A_2, %get3A_3, %get3A_4] : memref<2x2560x128xf32, #tpu.memory_space<vmem>>, vector<1x2560x128xf32>
    %get3A_6 = vector.shape_cast %get3A_5 : vector<1x2560x128xf32> to vector<2560x128xf32>
    %get3A_7 = arith.constant 1 : index
    %get3A_8 = arith.constant 0 : index
    %get3A_9 = arith.constant 0 : index
    %get3A_10 = vector.load %arg1[%get3A_7, %get3A_8, %get3A_9] : memref<2x2560x128xf32, #tpu.memory_space<vmem>>, vector<1x2560x128xf32>
    %get3A_11 = vector.shape_cast %get3A_10 : vector<1x2560x128xf32> to vector<2560x128xf32>
    %add3A = arith.addf %get3A_6, %get3A_11 : vector<2560x128xf32>
    %get3A_12 = arith.constant 0 : index
    %get3A_13 = arith.constant 0 : index
    %get3A_14 = vector.load %arg2[%get3A_12, %get3A_13] : memref<2560x128xf32, #tpu.memory_space<vmem>>, vector<2560x128xf32>
    %add3A_15 = arith.addf %add3A, %get3A_14 : vector<2560x128xf32>
    %mul3A = arith.mulf %get3A_1, %add3A_15 : vector<2560x128xf32>
    %get3A_16 = arith.constant 0 : index
    %get3A_17 = arith.constant 0 : index
    %get3A_18 = vector.load %arg4[%get3A_16, %get3A_17] : memref<1x128xf32, #tpu.memory_space<vmem>>, vector<1x128xf32>
    %add3A_19 = vector.broadcast %get3A_18 : vector<1x128xf32> to vector<2560x128xf32>
    %add3A_20 = arith.addf %mul3A, %add3A_19 : vector<2560x128xf32>
    %max3A = arith.constant 0.000000e+00 : f32
    %max3A_21 = vector.broadcast %max3A : f32 to vector<2560x128xf32>
    %max3A_22 = arith.maximumf %add3A_20, %max3A_21 : vector<2560x128xf32>
    %get3A_23 = arith.constant 0 : index
    %get3A_24 = arith.constant 0 : index
    %get3A_25 = vector.load %arg5[%get3A_23, %get3A_24] : memref<128x128xf32, #tpu.memory_space<vmem>>, vector<128x128xf32>
    %dot_general3A = arith.constant dense<0.000000e+00> : vector<2560x128xf32>
    %dot_general3A_26 = tpu.matmul %max3A_22, %get3A_25, %dot_general3A {dimension_numbers = #tpu.dot_dimension_numbers<[1], [0], [0], [1], [0, 0, 1, 1], [], []>, precision = #tpu.contract_precision<fp32>, transpose_lhs_hint = false} : vector<2560x128xf32>, vector<128x128xf32>, vector<2560x128xf32> -> vector<2560x128xf32>
    %mul3A_27 = arith.mulf %get3A_1, %dot_general3A_26 : vector<2560x128xf32>
    %swap3A = arith.constant 0 : index
    %swap3A_28 = arith.constant 0 : index
    %swap3A_29 = vector.load %arg6[%swap3A, %swap3A_28] : memref<2560x128xf32, #tpu.memory_space<vmem>>, vector<2560x128xf32>
    tpu.vector_store %arg6[%swap3A, %swap3A_28], %mul3A_27 {strides = array<i32>} : memref<2560x128xf32, #tpu.memory_space<vmem>>, vector<2560x128xf32>,
    return
  }
  func.func @transform_0(%arg0: i32) -> (i32, i32, i32) {
    %c0_i32 = arith.constant 0 : i32
    %c0_i32_0 = arith.constant 0 : i32
    %c0_i32_1 = arith.constant 0 : i32
    return %c0_i32, %arg0, %c0_i32_0 : i32, i32, i32
  }
  func.func @transform_1(%arg0: i32) -> (i32, i32) {
    %c0_i32 = arith.constant 0 : i32
    %c0_i32_0 = arith.constant 0 : i32
    return %arg0, %c0_i32 : i32, i32
  }
  func.func @transform_2(%arg0: i32) -> (i32, i32) {
    %c0_i32 = arith.constant 0 : i32
    %c0_i32_0 = arith.constant 0 : i32
    return %arg0, %c0_i32 : i32, i32
  }
  func.func @transform_3(%arg0: i32) -> (i32, i32) {
    %c0_i32 = arith.constant 0 : i32
    %c0_i32_0 = arith.constant 0 : i32
    %c0_i32_1 = arith.constant 0 : i32
    return %c0_i32, %c0_i32_0 : i32, i32
  }
  func.func @transform_4(%arg0: i32) -> (i32, i32) {
    %c0_i32 = arith.constant 0 : i32
    %c0_i32_0 = arith.constant 0 : i32
    %c0_i32_1 = arith.constant 0 : i32
    return %c0_i32, %c0_i32_0 : i32, i32
  }
  func.func @transform_5(%arg0: i32) -> (i32, i32) {
    %c0_i32 = arith.constant 0 : i32
    %c0_i32_0 = arith.constant 0 : i32
    return %arg0, %c0_i32 : i32, i32
  }
}

module attributes {stable_mosaic.version = 14 : i64} {
  func.func @_final_body(%arg0: i32, %arg1: memref<2x2560x128xf32, #tpu.memory_space<vmem>>, %arg2: memref<2560x128xf32, #tpu.memory_space<vmem>>, %arg3: memref<2560x128xf32, #tpu.memory_space<vmem>>, %arg4: memref<1x128xf32, #tpu.memory_space<vmem>>, %arg5: memref<2560x128xf32, #tpu.memory_space<vmem>>) attributes {dimension_semantics = [#tpu.dimension_semantics<arbitrary>], iteration_bounds = array<i64: 2>, scalar_prefetch = 0 : i64, scratch_operands = 0 : i64, tpu.core_type = #tpu.core_type<tc>, window_params = [{transform_indices = @transform_0, window_bounds = array<i64: 2, 2560, 128>}, {transform_indices = @transform_1, window_bounds = array<i64: 2560, 128>}, {transform_indices = @transform_2, window_bounds = array<i64: 2560, 128>}, {pipeline_mode = #tpu.pipeline_mode<synchronous>, transform_indices = @transform_3, window_bounds = array<i64: 1, 128>}, {transform_indices = @transform_4, window_bounds = array<i64: 2560, 128>}]} {
    %get3A = arith.constant 0 : index
    %get3A_0 = arith.constant 0 : index
    %get3A_1 = vector.load %arg3[%get3A, %get3A_0] : memref<2560x128xf32, #tpu.memory_space<vmem>>, vector<2560x128xf32>
    %get3A_2 = arith.constant 0 : index
    %get3A_3 = arith.constant 0 : index
    %get3A_4 = arith.constant 0 : index
    %get3A_5 = vector.load %arg1[%get3A_2, %get3A_3, %get3A_4] : memref<2x2560x128xf32, #tpu.memory_space<vmem>>, vector<1x2560x128xf32>
    %get3A_6 = vector.shape_cast %get3A_5 : vector<1x2560x128xf32> to vector<2560x128xf32>
    %get3A_7 = arith.constant 1 : index
    %get3A_8 = arith.constant 0 : index
    %get3A_9 = arith.constant 0 : index
    %get3A_10 = vector.load %arg1[%get3A_7, %get3A_8, %get3A_9] : memref<2x2560x128xf32, #tpu.memory_space<vmem>>, vector<1x2560x128xf32>
    %get3A_11 = vector.shape_cast %get3A_10 : vector<1x2560x128xf32> to vector<2560x128xf32>
    %add3A = arith.addf %get3A_6, %get3A_11 : vector<2560x128xf32>
    %get3A_12 = arith.constant 0 : index
    %get3A_13 = arith.constant 0 : index
    %get3A_14 = vector.load %arg2[%get3A_12, %get3A_13] : memref<2560x128xf32, #tpu.memory_space<vmem>>, vector<2560x128xf32>
    %add3A_15 = arith.addf %add3A, %get3A_14 : vector<2560x128xf32>
    %mul3A = arith.mulf %get3A_1, %add3A_15 : vector<2560x128xf32>
    %get3A_16 = arith.constant 0 : index
    %get3A_17 = arith.constant 0 : index
    %get3A_18 = vector.load %arg4[%get3A_16, %get3A_17] : memref<1x128xf32, #tpu.memory_space<vmem>>, vector<1x128xf32>
    %add3A_19 = vector.broadcast %get3A_18 : vector<1x128xf32> to vector<2560x128xf32>
    %add3A_20 = arith.addf %mul3A, %add3A_19 : vector<2560x128xf32>
    %iota3A = tpu.iota {dimensions = array<i32: 1>} : vector<2560x128xi32>
    %lt3A = arith.constant 64 : i32
    %lt3A_21 = vector.broadcast %lt3A : i32 to vector<2560x128xi32>
    %lt3A_22 = arith.cmpi slt, %iota3A, %lt3A_21 : vector<2560x128xi32>
    %jit3A = arith.constant 64 : i32
    %eq3A = arith.constant 0 : i32
    %eq3A_23 = arith.cmpi eq, %jit3A, %eq3A : i32
    %jit3A_24 = arith.constant 1 : i32
    %select_n3A = arith.select %eq3A_23, %jit3A_24, %jit3A : i32
    %rem3A = vector.broadcast %select_n3A : i32 to vector<2560x128xi32>
    %rem3A_25 = arith.remsi %iota3A, %rem3A : vector<2560x128xi32>
    %ne3A = arith.constant 0 : i32
    %ne3A_26 = vector.broadcast %ne3A : i32 to vector<2560x128xi32>
    %ne3A_27 = arith.cmpi ne, %rem3A_25, %ne3A_26 : vector<2560x128xi32>
    %lt3A_28 = arith.constant 0 : i32
    %lt3A_29 = vector.broadcast %lt3A_28 : i32 to vector<2560x128xi32>
    %lt3A_30 = arith.cmpi slt, %rem3A_25, %lt3A_29 : vector<2560x128xi32>
    %lt3A_31 = arith.constant 0 : i32
    %lt3A_32 = arith.cmpi slt, %select_n3A, %lt3A_31 : i32
    %ne3A_33 = vector.broadcast %lt3A_32 : i1 to vector<2560x128xi1>
    %ne3A_34 = vector.broadcast %ne3A_33 : vector<2560x128xi1> to vector<2560x128xi1>
    %ne3A_35 = arith.xori %lt3A_30, %ne3A_34 : vector<2560x128xi1>
    %and3A = arith.andi %ne3A_35, %ne3A_27 : vector<2560x128xi1>
    %add3A_36 = vector.broadcast %select_n3A : i32 to vector<2560x128xi32>
    %add3A_37 = arith.addi %rem3A_25, %add3A_36 : vector<2560x128xi32>
    %select_n3A_38 = arith.select %and3A, %add3A_37, %rem3A_25 : vector<2560x128xi1>, vector<2560x128xi32>
    %lt3A_39 = arith.constant 40 : i32
    %lt3A_40 = vector.broadcast %lt3A_39 : i32 to vector<2560x128xi32>
    %lt3A_41 = arith.cmpi slt, %select_n3A_38, %lt3A_40 : vector<2560x128xi32>
    %jit3A_42 = arith.constant 0xFF800000 : f32
    %broadcast_in_dim3A = vector.broadcast %jit3A_42 : f32 to vector<2560x128xf32>
    %select_n3A_43 = arith.select %lt3A_41, %add3A_20, %broadcast_in_dim3A : vector<2560x128xi1>, vector<2560x128xf32>
    %jit3A_44 = arith.constant 0xFF800000 : f32
    %broadcast_in_dim3A_45 = vector.broadcast %jit3A_44 : f32 to vector<2560x128xf32>
    %select_n3A_46 = arith.select %lt3A_22, %select_n3A_43, %broadcast_in_dim3A_45 : vector<2560x128xi1>, vector<2560x128xf32>
    %reduce_max3A = arith.constant dense<0xFF800000> : vector<2560xf32>
    %reduce_max3A_47 = vector.multi_reduction <maximumf>, %select_n3A_46, %reduce_max3A [1] : vector<2560x128xf32> to vector<2560xf32>
    %broadcast_in_dim3A_48 = vector.shape_cast %reduce_max3A_47 : vector<2560xf32> to vector<2560x1xf32>
    %jit3A_49 = arith.constant 0xFF800000 : f32
    %broadcast_in_dim3A_50 = vector.broadcast %jit3A_49 : f32 to vector<2560x128xf32>
    %select_n3A_51 = arith.select %lt3A_22, %broadcast_in_dim3A_50, %select_n3A_43 : vector<2560x128xi1>, vector<2560x128xf32>
    %reduce_max3A_52 = arith.constant dense<0xFF800000> : vector<2560xf32>
    %reduce_max3A_53 = vector.multi_reduction <maximumf>, %select_n3A_51, %reduce_max3A_52 [1] : vector<2560x128xf32> to vector<2560xf32>
    %broadcast_in_dim3A_54 = vector.shape_cast %reduce_max3A_53 : vector<2560xf32> to vector<2560x1xf32>
    %broadcast_in_dim3A_55 = vector.shape_cast %broadcast_in_dim3A_48 : vector<2560x1xf32> to vector<2560x1xf32>
    %broadcast_in_dim3A_56 = vector.broadcast %broadcast_in_dim3A_55 : vector<2560x1xf32> to vector<2560x128xf32>
    %broadcast_in_dim3A_57 = vector.shape_cast %broadcast_in_dim3A_54 : vector<2560x1xf32> to vector<2560x1xf32>
    %broadcast_in_dim3A_58 = vector.broadcast %broadcast_in_dim3A_57 : vector<2560x1xf32> to vector<2560x128xf32>
    %select_n3A_59 = arith.select %lt3A_22, %broadcast_in_dim3A_56, %broadcast_in_dim3A_58 : vector<2560x128xi1>, vector<2560x128xf32>
    %sub3A = arith.subf %add3A_20, %select_n3A_59 : vector<2560x128xf32>
    %exp3A = math.exp %sub3A : vector<2560x128xf32>
    %jit3A_60 = arith.constant 0.000000e+00 : f32
    %broadcast_in_dim3A_61 = vector.broadcast %jit3A_60 : f32 to vector<2560x128xf32>
    %select_n3A_62 = arith.select %lt3A_41, %exp3A, %broadcast_in_dim3A_61 : vector<2560x128xi1>, vector<2560x128xf32>
    %jit3A_63 = arith.constant 0.000000e+00 : f32
    %broadcast_in_dim3A_64 = vector.broadcast %jit3A_63 : f32 to vector<2560x128xf32>
    %select_n3A_65 = arith.select %lt3A_22, %select_n3A_62, %broadcast_in_dim3A_64 : vector<2560x128xi1>, vector<2560x128xf32>
    %reduce_sum3A = arith.constant dense<0.000000e+00> : vector<2560xf32>
    %reduce_sum3A_66 = vector.multi_reduction <add>, %select_n3A_65, %reduce_sum3A [1] : vector<2560x128xf32> to vector<2560xf32>
    %broadcast_in_dim3A_67 = vector.shape_cast %reduce_sum3A_66 : vector<2560xf32> to vector<2560x1xf32>
    %jit3A_68 = arith.constant 0.000000e+00 : f32
    %broadcast_in_dim3A_69 = vector.broadcast %jit3A_68 : f32 to vector<2560x128xf32>
    %select_n3A_70 = arith.select %lt3A_22, %broadcast_in_dim3A_69, %select_n3A_62 : vector<2560x128xi1>, vector<2560x128xf32>
    %reduce_sum3A_71 = arith.constant dense<0.000000e+00> : vector<2560xf32>
    %reduce_sum3A_72 = vector.multi_reduction <add>, %select_n3A_70, %reduce_sum3A_71 [1] : vector<2560x128xf32> to vector<2560xf32>
    %broadcast_in_dim3A_73 = vector.shape_cast %reduce_sum3A_72 : vector<2560xf32> to vector<2560x1xf32>
    %broadcast_in_dim3A_74 = vector.shape_cast %broadcast_in_dim3A_67 : vector<2560x1xf32> to vector<2560x1xf32>
    %broadcast_in_dim3A_75 = vector.broadcast %broadcast_in_dim3A_74 : vector<2560x1xf32> to vector<2560x128xf32>
    %broadcast_in_dim3A_76 = vector.shape_cast %broadcast_in_dim3A_73 : vector<2560x1xf32> to vector<2560x1xf32>
    %broadcast_in_dim3A_77 = vector.broadcast %broadcast_in_dim3A_76 : vector<2560x1xf32> to vector<2560x128xf32>
    %select_n3A_78 = arith.select %lt3A_22, %broadcast_in_dim3A_75, %broadcast_in_dim3A_77 : vector<2560x128xi1>, vector<2560x128xf32>
    %log3A = math.log %select_n3A_78 : vector<2560x128xf32>
    %add3A_79 = arith.addf %log3A, %select_n3A_59 : vector<2560x128xf32>
    %sub3A_80 = arith.subf %add3A_20, %add3A_79 : vector<2560x128xf32>
    %swap3A = arith.constant 0 : index
    %swap3A_81 = arith.constant 0 : index
    %swap3A_82 = vector.load %arg5[%swap3A, %swap3A_81] : memref<2560x128xf32, #tpu.memory_space<vmem>>, vector<2560x128xf32>
    tpu.vector_store %arg5[%swap3A, %swap3A_81], %sub3A_80 {strides = array<i32>} : memref<2560x128xf32, #tpu.memory_space<vmem>>, vector<2560x128xf32>,
    return
  }
  func.func @transform_0(%arg0: i32) -> (i32, i32, i32) {
    %c0_i32 = arith.constant 0 : i32
    %c0_i32_0 = arith.constant 0 : i32
    %c0_i32_1 = arith.constant 0 : i32
    return %c0_i32, %arg0, %c0_i32_0 : i32, i32, i32
  }
  func.func @transform_1(%arg0: i32) -> (i32, i32) {
    %c0_i32 = arith.constant 0 : i32
    %c0_i32_0 = arith.constant 0 : i32
    return %arg0, %c0_i32 : i32, i32
  }
  func.func @transform_2(%arg0: i32) -> (i32, i32) {
    %c0_i32 = arith.constant 0 : i32
    %c0_i32_0 = arith.constant 0 : i32
    return %arg0, %c0_i32 : i32, i32
  }
  func.func @transform_3(%arg0: i32) -> (i32, i32) {
    %c0_i32 = arith.constant 0 : i32
    %c0_i32_0 = arith.constant 0 : i32
    %c0_i32_1 = arith.constant 0 : i32
    return %c0_i32, %c0_i32_0 : i32, i32
  }
  func.func @transform_4(%arg0: i32) -> (i32, i32) {
    %c0_i32 = arith.constant 0 : i32
    %c0_i32_0 = arith.constant 0 : i32
    return %arg0, %c0_i32 : i32, i32
  }
}

</mosaic_0001>

<sc_bundles>
// kernel: kernel.10.cloned.1.call-start
scs
__scs_entry_jumppad:
0x0: {  	(pc) =	sbr.rel $0x88, $3  }
0x1: {  	(tag) =	ssettag $0x0;
	lr =	simm.s32 $0x1  }
0x2: {  	[smem:$0x3F99] =	sst lr;
	_ =	strace $0xD0000000  }
0x3: {  	_ = 	snop  }
0x4: {  	_ = 	snop  }
0x5: {  	_ = 	snop  }
0x6: {  	_ = 	snop  }
0x7: {  	_ = 	snop  }
__scs_overlays_trampoline_lowered:
0x8: {  	[smem:$0x3FA8] =	sst s0  }
0x9: {  	[smem:$0x3FA9] =	sst s1  }
0xa: {  	[smem:$0x3FAA] =	sst s2  }
0xb: {  	[smem:$0x3FAB] =	sst s3  }
0xc: {  	[smem:$0x3FAC] =	sst s4  }
0xd: {  	[smem:$0x3FAD] =	sst s5  }
0xe: {  	[smem:$0x3FAE] =	sst s6  }
0xf: {  	[smem:$0x3FAF] =	sst s7  }
0x10: {  	[smem:$0x3FB0] =	sst s8  }
0x11: {  	[smem:$0x3FB1] =	sst s9;
	s0 =	simm.s32 @!p0 $0x0  }
0x12: {  	s1 =	sld [smem:$0x3F97];
	s0 =	simm.s32 @p0 $0x1  }
0x13: {  	[smem:$0x3FB2] =	sst s0;
	s0 =	simm.s32 @!p1 $0x0  }
0x14: {  	s2 =	sld [smem:$0x3F96];
	s0 =	simm.s32 @p1 $0x1  }
0x15: {  	[smem:$0x3FB3] =	sst s0;
	s0 =	simm.s32 @!p2 $0x0  }
0x16: {  	s3 =	sld [smem:$0x3FDB];
	s0 =	simm.s32 @p2 $0x1  }
0x17: {  	s4 =	simm.s32 $0x1BF5;
	[smem:$0x3FB5] =	sst s0  }
0x18: {  	s0 =	sld [smem:$0x3F98];
	_ =	swait.ge [sflag:s4], $0x0  }
0x19: {  	s7 =	sld [smem:$0x3F99]  }
0x1a: {  	s8 =	sadd.s32 $0xFFFFE003, lr  }
0x1b: {  	s9 =	sadd.s32 $0xFFFFFEF7, lr;
	s5 =	simm.s32 $0xFFFFFFFF;
	p2 =	slt.u32 s8, $0xFFFFF086  }
0x1c: {  	p1 =	slt.u32 s9, $0xF7A;
	s5 =	simm.s32 @!p2 $0x0  }
0x1d: {  	s5 =	simm.s32 @p1 $0x1;
	p0 =	seq.s32 s7, s2  }
0x1e: {  	s7 =	smul.u32 @!p0 $0xF7A, s2;
	p2 =	seq.s32 @!p0 s5, $0x0  }
0x1f: {  	s9 =	smul.u32 $0xF7A, s1;
	s8 =	simm.s32 @!p0 $0x1BF5;
	p2 =	por !p2, p0  }
0x20: {  	[sflag:s8] =	ssyncset.s32 @!p0 $0xFFFFF086;
	s6 =	sadd.s32 @!p0 s3, s7;
	s7 =	simm.s32 @!p0 $0x108  }
0x21: {  	s3 =	sadd.s32 s3, s9;
	s6 =	sadd.s32 @!p0 $0x88, s6;
	s7 =	simm.s32 @p2 $0x1082  }
0x22: {  	[simem:s7], [sflag:s8] =	dma.local @!p0 [hbm:s6], $0xF7A  }
0x23: {  	s9 =	sor.u32 $0xD0000000, s2;
	s6 =	simm.s32 $0x108;
	_ =	swait.ge @!p0 [sflag:s8], $0x0  }
0x24: {  	s3 =	sadd.s32 $0x88, s3;
	s6 =	simm.s32 @!p1 $0x1082;
	[sflag:s4] =	ssyncset.s32 $0xFFFFF086  }
0x25: {  	[simem:s6], [sflag:s4] =	dma.local [hbm:s3], $0xF7A  }
0x26: {  	[smem:$0x3F99] =	sst s1;
	(tag) =	ssettag s2;
	_ =	strace s9  }
0x27: {  	s1 =	sld [smem:$0x3FA9]  }
0x28: {  	s2 =	sld [smem:$0x3FAA]  }
0x29: {  	s4 =	sld [smem:$0x3FAC]  }
0x2a: {  	p0 =	seq.s32 s5, $0x0;
	s5 =	sld [smem:$0x3FAD]  }
0x2b: {  	s6 =	sld [smem:$0x3FAE]  }
0x2c: {  	s7 =	sld [smem:$0x3FAF]  }
0x2d: {  	s3 =	simm.s32 $0x108;
	s8 =	sld [smem:$0x3FB0]  }
0x2e: {  	s3 =	simm.s32 @!p0 $0x1082;
	s9 =	sld [smem:$0x3FB1]  }
0x2f: {  	lr =	sadd.s32 s0, s3;
	s0 =	sld [smem:$0x3FA8]  }
0x30: {  	s3 =	sld [smem:$0x3FAB]  }
0x31: {  	[smem:$0x3FB4] =	sst s10  }
0x32: {  	s10 =	sld [smem:$0x3FB2];
	_ =	sdelay $0x3  }
0x33: {  	p0 =	seq.s32 s10, $0x1;
	s10 =	sld [smem:$0x3FB4];
	_ =	sdelay $0x3  }
0x34: {  	[smem:$0x3FB4] =	sst s10  }
0x35: {  	s10 =	sld [smem:$0x3FB3];
	_ =	sdelay $0x3  }
0x36: {  	p1 =	seq.s32 s10, $0x1;
	s10 =	sld [smem:$0x3FB4];
	_ =	sdelay $0x3  }
0x37: {  	[smem:$0x3FB4] =	sst s10  }
0x38: {  	s10 =	sld [smem:$0x3FB5]  }
0x39: {  	_ = 	snop;
	(pc) =	sbr.ind lr, $3  }
0x3a: {  	_ = 	snop  }
0x3b: {  	_ = 	snop  }
0x3c: {  	p2 =	seq.s32 s10, $0x1;
	s10 =	sld [smem:$0x3FB4]  }
0x3d: {  	_ =	shalt  }
0x3e: {  	_ =	shalt  }
0x3f: {  	_ =	shalt  }
0x40: {  	_ =	shalt  }
0x41: {  	_ =	shalt  }
0x42: {  	_ =	shalt  }
0x43: {  	_ =	shalt  }
0x44: {  	_ =	shalt  }
0x45: {  	_ =	shalt  }
0x46: {  	_ =	shalt  }
0x47: {  	_ =	shalt  }
0x48: {  	_ =	shalt  }
0x49: {  	_ =	shalt  }
0x4a: {  	_ =	shalt  }
0x4b: {  	_ =	shalt  }
0x4c: {  	_ =	shalt  }
0x4d: {  	_ =	shalt  }
0x4e: {  	_ =	shalt  }
0x4f: {  	_ =	shalt  }
0x50: {  	_ =	shalt  }
0x51: {  	_ =	shalt  }
0x52: {  	_ =	shalt  }
0x53: {  	_ =	shalt  }
0x54: {  	_ =	shalt  }
0x55: {  	_ =	shalt  }
0x56: {  	_ =	shalt  }
0x57: {  	_ =	shalt  }
0x58: {  	_ =	shalt  }
0x59: {  	_ =	shalt  }
0x5a: {  	_ =	shalt  }
0x5b: {  	_ =	shalt  }
0x5c: {  	_ =	shalt  }
0x5d: {  	_ =	shalt  }
0x5e: {  	_ =	shalt  }
0x5f: {  	_ =	shalt  }
0x60: {  	_ =	shalt  }
0x61: {  	_ =	shalt  }
0x62: {  	_ =	shalt  }
0x63: {  	_ =	shalt  }
0x64: {  	_ =	shalt  }
0x65: {  	_ =	shalt  }
0x66: {  	_ =	shalt  }
0x67: {  	_ =	shalt  }
0x68: {  	_ =	shalt  }
0x69: {  	_ =	shalt  }
0x6a: {  	_ =	shalt  }
0x6b: {  	_ =	shalt  }
0x6c: {  	_ =	shalt  }
0x6d: {  	_ =	shalt  }
0x6e: {  	_ =	shalt  }
0x6f: {  	_ =	shalt  }
0x70: {  	_ =	shalt  }
0x71: {  	_ =	shalt  }
0x72: {  	_ =	shalt  }
0x73: {  	_ =	shalt  }
0x74: {  	_ =	shalt  }
0x75: {  	_ =	shalt  }
0x76: {  	_ =	shalt  }
0x77: {  	_ =	shalt  }
0x78: {  	_ =	shalt  }
0x79: {  	_ =	shalt  }
0x7a: {  	_ =	shalt  }
0x7b: {  	_ =	shalt  }
0x7c: {  	_ =	shalt  }
0x7d: {  	_ =	shalt  }
0x7e: {  	_ =	shalt  }
0x7f: {  	_ =	shalt  }
0x80: {  	_ =	shalt  }
0x81: {  	_ =	shalt  }
0x82: {  	_ =	shalt  }
0x83: {  	_ =	shalt  }
0x84: {  	_ =	shalt  }
0x85: {  	_ =	shalt  }
0x86: {  	_ =	shalt  }
0x87: {  	_ =	shalt  }
.Lfunc_end0:
.L_simem_size_0:
called_computation_lowered:
.L_overlay_start_0:
0x88: {  	s2 =	sld [smem:$0x3FD9]  }
0x89: {  	s3 =	sld [smem:$0x3FFE];
	_ =	sdelay $0x1  }
0x8a: {  	s1 =	srdreg.scid  }
0x8b: {  	s0 =	sand.u32 $0x1, s1  }
0x8c: {  	s17 =	sshll.u32 s0, $0xA;
	s2 =	sadd.s32 s3, s2  }
0x8d: {  	s2 =	sadd.s32 s2, s17  }
0x8e: {  	[smem:$0x3FC0] =	sst s2  }
0x8f: {  	_ = 	snop  }
0x90: {  	s2 =	sld [smem:$0x3FD0];
	(tm) =	ssettm $0x1  }
0x91: {  	s18 =	sld [smem:$0x3FFB];
	_ =	sdelay $0x3  }
0x92: {  	_ =	strace s18  }
0x93: {  	s3 =	sld [smem:$0x3FFC];
	_ =	sdelay $0x3  }
0x94: {  	_ =	strace s3  }
0x95: {  	s3 =	sld [smem:$0x3FFD];
	_ =	sdelay $0x3  }
0x96: {  	_ =	strace s3  }
0x97: {  	_ =	strace $0x8FFFFFFF  }
0x98: {  	s19 =	sld [smem:$0x3FDB];
	_ =	sdelay $0x1  }
0x99: {  	s4 =	simm.s32 $_scs_section_size  }
0x9a: {  	s5 =	simm.s32 $_size__tile_overlayer_lowered;
	s6 =	simm.s32 $_tile_overlayer_lowered  }
0x9b: {  	s22 =	simm.s32 $0x1BFF;
	s21 =	sshll.u32 s6, $0x1;
	s3 =	sadd.s32 s4, s19  }
0x9c: {  	s7 =	simm.s32 $0x0;
	s20 =	sshll.u32 s5, $0x1;
	s5 =	sadd.s32 s21, s3  }
0x9d: {  	[timem:s7], [sflag:s22] =	dma.local [hbm:s5], s20  }
0x9e: {  	_ =	swait.ge [sflag:s22], s20  }
0x9f: {  	s4 =	ssub.s32 $0x0, s20;
	[sflag:s22] =	ssyncset.done $0x0  }
0xa0: {  	[sflag:s22] =	ssyncadd.s32 s4;
	_ =	sdelay $0x1  }
0xa1: {  	s23 =	simm.s32 $0x1B8B  }
0xa2: {  	_ =	swait.ge [sflag:s23], $0x1  }
0xa3: {  	[sflag:s23] =	ssyncset.done $0x0  }
0xa4: {  	s25 =	simm.s32 $0x1B8E;
	s24 =	sld [smem:$0x3FFE];
	[sflag:s23] =	ssyncadd.s32 $0xFFFFFFFF  }
0xa5: {  	s26 =	simm.s32 $execute0_lowered;
	[smem:$0x3FD2] =	sst s25  }
0xa6: {  	s5 =	sshll.u32 s26, $0x1;
	_ =	strace $0x80000046;
	[dreg:$0x1] =	wrdreg $0xFFFFFFFF  }
0xa7: {  	s28 =	simm.s32 $_size_execute0_lowered;
	s3 =	sadd.s32 s3, s5;
	[dreg:$0x0] =	wrdreg $0x0  }
0xa8: {  	s5 =	sshll.u32 s28, $0x1;
	[dreg:$0x2] =	wrdreg s3  }
0xa9: {  	[dreg:$0x3] =	wrdreg s5  }
0xaa: {  	[dreg:$0x4] =	wrdreg $0xC0  }
0xab: {  	_ =	task [dreg:s7], $0x5FFFF  }
0xac: {  	[dreg:$0x1] =	wrdreg $0xFFFFFFFF  }
0xad: {  	[dreg:$0x0] =	wrdreg $0x60  }
0xae: {  	[dreg:$0x2] =	wrdreg s24  }
0xaf: {  	[dreg:$0x3] =	wrdreg s2  }
0xb0: {  	[dreg:$0x4] =	wrdreg $0x40100  }
0xb1: {  	[dreg:$0x5] =	wrdreg $0x9  }
0xb2: {  	_ =	task.clear_ibuf [dreg:s7], $0x6FFFF;
	_ =	strace $0x90000046  }
0xb3: {  	s29 =	simm.s32 $0x9;
	_ =	strace $0x80000048  }
0xb4: {  	_ =	swait.ge [sflag:s29], $0x1  }
0xb5: {  	[sflag:s29] =	ssyncadd.s32 $0xFFFFFFFF  }
0xb6: {  	_ =	strace $0x90000048  }
0xb7: {  	_ =	sfence  }
0xb8: {  	s30 =	sld [smem:$0x0];
	_ =	sdelay $0x2  }
0xb9: {  	s31 =	sshll.u32 s1, $0xD;
	s1 =	sshrl.u32 s1, $0x2  }
0xba: {  	s3 =	sand.u32 $0x4000, s31;
	s1 =	sadd.s32 s1, s30  }
0xbb: {  	s0 =	sor.u32 s3, s0;
	s1 =	sshll.u32 s1, $0x11  }
0xbc: {  	s0 =	sor.u32 s1, s0  }
0xbd: {  	s0 =	sadd.s32 $0x8F2B, s0  }
0xbe: {  	[sflag:s0] =	ssyncadd.remote.s32 $0x1  }
0xbf: {  	_ =	sfence.sel $0xFFFF  }
0xc0: {  	[dreg:$0x0] =	wrdreg $0xFFFFFFFF;
	(pc) =	sbr.abs _section_cstart, $3  }
0xc1: {  	[dreg:$0x1] =	wrdreg $0xFFFFFFFF  }
0xc2: {  	_ =	task.clear_ibuf [dreg:s7], $0x2FFFF;
	_ =	strace $0x9FFFFFFF  }
0xc3: {  	(tm) =	ssettm $0x7FFFFFFF  }
tec
execute0_lowered:
.L_overlay_start_1:
0x0: {  	(tag) =	ssettag $0x1  }
0x1: {  	s6 =	rddreg [dreg:$0x0]  }
0x2: {  	s8 =	rddreg [dreg:$0x1]  }
0x3: {  	s1 =	rddreg [dreg:$0x2]  }
0x4: {  	s0 =	rddreg [dreg:$0x3];
	s3 =	simm.s32 $0x0;
	s4 =	srdreg.scid  }
0x5: {  	s2 =	stileid.u32;
	s14 =	simm.s32 $0xC8;
	s16 =	simm.s32 $0x0  }
0x6: {  	[smem:$0x7FF] =	sst s3;
	s5 =	sand.u32 $0x1, s4;
	s7 =	smul.u32 $0x2800, s2  }
0x7: {  	s4 =	sadd.s32 $0x1C200, s6;
	s15 =	sshll.u32 s2, $0x6;
	_ =	strace $0x80000047  }
0x8: {  	s9 =	sshll.u32 s5, $0x4;
	s10 =	ssub.s32 $0x2, s5;
	s29 =	smul.u32 $0x28000, s5  }
0x9: {  	s9 =	sor.u32 s2, s9;
	s11 =	sshrl.u32 s7, $0x3;
	s12 =	sshrl.u32 s10, $0x1  }
0xa: {  	s13 =	sadd.s32 s7, s1;
	s9 =	smul.u32 $0x2710, s9;
	s11 =	sadd.s32 s11, s6  }
0xb: {  	s10 =	ssub.s32 s10, s12;
	s30 =	sadd.s32 s7, s29;
	s12 =	simm.s32 $0x2  }
0xc: {  	s5 =	sadd.s32 $0x17200, s11;
	s31 =	sshrl.u32 s30, $0x3;
	s9 =	sshrl.u32 s9, $0x3  }
0xd: {  	s11 =	simm.s32 $0x2710;
	s8 =	sadd.s32 s8, s31;
	s9 =	sadd.s32 s6, s9  }
0xe: {  	s6 =	sor.u32 $0x1C01, s15;
	s15 =	sor.u32 $0x1C02, s15;
	s7 =	sadd.s32 $0xD440, s9  }
0xf: {  	s9 =	smax.u32 s10, $0x1;
	s10 =	sshrl.u32 s13, $0x3;
	s13 =	simm.s32 $0x1  }
.LBB2_1:
0x10: {  	[spmem:s10], [sflag:s6] =	dma.local [hbm:s5], $0x500  }
0x11: {  	[tilespmem:s11], [sflag:$0x2] =	stream.linear.gather [hbm4b:s4+s3], $0x1900, $0x38;
	[tilespmem:$0x6810] =	vst v63  }
0x12: {  	_ =	swait.ge [sflag:s12], $0x1900  }
0x13: {  	[sflag:s12] =	ssyncset.done $0x0  }
0x14: {  	[sflag:s12] =	ssyncadd.s32 $0xFFFFE700  }
0x15: {  	[tilespmem:s3], [sflag:$0x2] =	stream.linear.gather [hbm4b:s7+s3], $0x2710, $0x38;
	[tilespmem:$0x6810] =	vst v63  }
0x16: {  	_ =	swait.ge [sflag:s12], $0x2710  }
0x17: {  	[sflag:s12] =	ssyncset.done $0x0  }
0x18: {  	[sflag:s12] =	ssyncadd.s32 $0xFFFFD8F0  }
0x19: {  	_ =	swait.ge [sflag:s13], $0x500  }
0x1a: {  	[sflag:s13] =	ssyncset.done $0x0  }
0x1b: {  	[sflag:s13] =	ssyncadd.s32 $0xFFFFFB00  }
0x1c: {  	s17 =	simm.s32 $0x0;
	[bflag:$0x0] =	sbarrier.arrive $0xFFFF  }
0x1d: {  	[spmem:s1] =	stream.indirect.scatter.add.f32 [tilespmem:s11], [sflag:$0x1], $0x10, s17, s14, $0xb8;
	[tilespmem:$0x6810] =	vst v63  }
0x1e: {  	s22 =	simm.s32 $0xC8  }
0x1f: {  	[spmem:s1] =	stream.indirect.scatter.add.f32 [tilespmem:s11], [sflag:$0x1], $0x10, s22, s14, $0xb8;
	[tilespmem:$0x6810] =	vst v63  }
0x20: {  	s23 =	simm.s32 $0x190  }
0x21: {  	[spmem:s1] =	stream.indirect.scatter.add.f32 [tilespmem:s11], [sflag:$0x1], $0x10, s23, s14, $0xb8;
	[tilespmem:$0x6810] =	vst v63  }
0x22: {  	s24 =	simm.s32 $0x258  }
0x23: {  	[spmem:s1] =	stream.indirect.scatter.add.f32 [tilespmem:s11], [sflag:$0x1], $0x10, s24, s14, $0xb8;
	[tilespmem:$0x6810] =	vst v63  }
0x24: {  	s25 =	simm.s32 $0x320  }
0x25: {  	[spmem:s1] =	stream.indirect.scatter.add.f32 [tilespmem:s11], [sflag:$0x1], $0x10, s25, s14, $0xb8;
	[tilespmem:$0x6810] =	vst v63  }
0x26: {  	s26 =	simm.s32 $0x3E8  }
0x27: {  	[spmem:s1] =	stream.indirect.scatter.add.f32 [tilespmem:s11], [sflag:$0x1], $0x10, s26, s14, $0xb8;
	[tilespmem:$0x6810] =	vst v63  }
0x28: {  	s28 =	simm.s32 $0x4B0  }
0x29: {  	[spmem:s1] =	stream.indirect.scatter.add.f32 [tilespmem:s11], [sflag:$0x1], $0x10, s28, s14, $0xb8;
	[tilespmem:$0x6810] =	vst v63  }
0x2a: {  	s29 =	simm.s32 $0x578  }
0x2b: {  	[spmem:s1] =	stream.indirect.scatter.add.f32 [tilespmem:s11], [sflag:$0x1], $0x10, s29, s14, $0xb8;
	[tilespmem:$0x6810] =	vst v63  }
0x2c: {  	s30 =	simm.s32 $0x640  }
0x2d: {  	[spmem:s1] =	stream.indirect.scatter.add.f32 [tilespmem:s11], [sflag:$0x1], $0x10, s30, s14, $0xb8;
	[tilespmem:$0x6810] =	vst v63  }
0x2e: {  	s31 =	simm.s32 $0x708  }
0x2f: {  	[spmem:s1] =	stream.indirect.scatter.add.f32 [tilespmem:s11], [sflag:$0x1], $0x10, s31, s14, $0xb8;
	[tilespmem:$0x6810] =	vst v63  }
0x30: {  	_ =	swait.ge [sflag:s13], $0xC80  }
0x31: {  	[sflag:s13] =	ssyncset.done $0x0  }
0x32: {  	[sflag:s13] =	ssyncadd.s32 $0xFFFFF380  }
0x33: {  	_ =	swait.ge [sflag:s13], $0xC80  }
0x34: {  	[sflag:s13] =	ssyncset.done $0x0  }
0x35: {  	[sflag:s13] =	ssyncadd.s32 $0xFFFFF380  }
0x36: {  	_ =	swait.ge [sflag:s13], $0xC80  }
0x37: {  	[sflag:s13] =	ssyncset.done $0x0  }
0x38: {  	[sflag:s13] =	ssyncadd.s32 $0xFFFFF380  }
0x39: {  	_ =	swait.ge [sflag:s13], $0xC80  }
0x3a: {  	[sflag:s13] =	ssyncset.done $0x0  }
0x3b: {  	[sflag:s13] =	ssyncadd.s32 $0xFFFFF380  }
0x3c: {  	_ =	swait.ge [sflag:s13], $0xC80  }
0x3d: {  	[sflag:s13] =	ssyncset.done $0x0  }
0x3e: {  	[sflag:s13] =	ssyncadd.s32 $0xFFFFF380  }
0x3f: {  	_ =	swait.ge [sflag:s13], $0xC80  }
0x40: {  	[sflag:s13] =	ssyncset.done $0x0  }
0x41: {  	[sflag:s13] =	ssyncadd.s32 $0xFFFFF380  }
0x42: {  	_ =	swait.ge [sflag:s13], $0xC80  }
0x43: {  	[sflag:s13] =	ssyncset.done $0x0  }
0x44: {  	[sflag:s13] =	ssyncadd.s32 $0xFFFFF380  }
0x45: {  	_ =	swait.ge [sflag:s13], $0xC80  }
0x46: {  	[sflag:s13] =	ssyncset.done $0x0  }
0x47: {  	[sflag:s13] =	ssyncadd.s32 $0xFFFFF380  }
0x48: {  	_ =	swait.ge [sflag:s13], $0xC80  }
0x49: {  	[sflag:s13] =	ssyncset.done $0x0  }
0x4a: {  	[sflag:s13] =	ssyncadd.s32 $0xFFFFF380  }
0x4b: {  	_ =	swait.ge [sflag:s13], $0xC80  }
0x4c: {  	s19 =	simm.s32 $0x3E80;
	s17 =	simm.s32 $0x1F40;
	[sflag:s13] =	ssyncset.done $0x0  }
.LBB2_2:
0x4d: {  	s20 =	sshra.s32 s17, $0x2  }
0x4e: {  	[sflag:s13] =	ssyncadd.s32 $0xFFFFF380;
	s17 =	smov.u32 s19;
	s18 =	sadd.s32 $0x1F40, s19  }
0x4f: {  	[spmem:s1] =	stream.indirect.scatter.add.f32 [tilespmem:s11], [sflag:$0x1], $0x10, s20, s14, $0xb8;
	[tilespmem:$0x6810] =	vst v63  }
0x50: {  	p0 =	sne.s32 s19, $0x7D00;
	s19 =	sadd.s32 $0xC8, s20  }
0x51: {  	[spmem:s1] =	stream.indirect.scatter.add.f32 [tilespmem:s11], [sflag:$0x1], $0x10, s19, s14, $0xb8;
	[tilespmem:$0x6810] =	vst v63  }
0x52: {  	s19 =	sadd.s32 $0x190, s20  }
0x53: {  	[spmem:s1] =	stream.indirect.scatter.add.f32 [tilespmem:s11], [sflag:$0x1], $0x10, s19, s14, $0xb8;
	[tilespmem:$0x6810] =	vst v63  }
0x54: {  	s19 =	sadd.s32 $0x258, s20  }
0x55: {  	[spmem:s1] =	stream.indirect.scatter.add.f32 [tilespmem:s11], [sflag:$0x1], $0x10, s19, s14, $0xb8;
	[tilespmem:$0x6810] =	vst v63  }
0x56: {  	s19 =	sadd.s32 $0x320, s20  }
0x57: {  	[spmem:s1] =	stream.indirect.scatter.add.f32 [tilespmem:s11], [sflag:$0x1], $0x10, s19, s14, $0xb8;
	[tilespmem:$0x6810] =	vst v63  }
0x58: {  	s19 =	sadd.s32 $0x3E8, s20  }
0x59: {  	[spmem:s1] =	stream.indirect.scatter.add.f32 [tilespmem:s11], [sflag:$0x1], $0x10, s19, s14, $0xb8;
	[tilespmem:$0x6810] =	vst v63  }
0x5a: {  	s19 =	sadd.s32 $0x4B0, s20  }
0x5b: {  	[spmem:s1] =	stream.indirect.scatter.add.f32 [tilespmem:s11], [sflag:$0x1], $0x10, s19, s14, $0xb8;
	[tilespmem:$0x6810] =	vst v63  }
0x5c: {  	s19 =	sadd.s32 $0x578, s20  }
0x5d: {  	[spmem:s1] =	stream.indirect.scatter.add.f32 [tilespmem:s11], [sflag:$0x1], $0x10, s19, s14, $0xb8;
	[tilespmem:$0x6810] =	vst v63  }
0x5e: {  	s19 =	sadd.s32 $0x640, s20  }
0x5f: {  	[spmem:s1] =	stream.indirect.scatter.add.f32 [tilespmem:s11], [sflag:$0x1], $0x10, s19, s14, $0xb8;
	[tilespmem:$0x6810] =	vst v63  }
0x60: {  	s19 =	sadd.s32 $0x708, s20  }
0x61: {  	[spmem:s1] =	stream.indirect.scatter.add.f32 [tilespmem:s11], [sflag:$0x1], $0x10, s19, s14, $0xb8;
	[tilespmem:$0x6810] =	vst v63  }
0x62: {  	_ =	swait.ge [sflag:s13], $0xC80  }
0x63: {  	[sflag:s13] =	ssyncset.done $0x0  }
0x64: {  	[sflag:s13] =	ssyncadd.s32 $0xFFFFF380  }
0x65: {  	_ =	swait.ge [sflag:s13], $0xC80  }
0x66: {  	[sflag:s13] =	ssyncset.done $0x0  }
0x67: {  	[sflag:s13] =	ssyncadd.s32 $0xFFFFF380  }
0x68: {  	_ =	swait.ge [sflag:s13], $0xC80  }
0x69: {  	[sflag:s13] =	ssyncset.done $0x0  }
0x6a: {  	[sflag:s13] =	ssyncadd.s32 $0xFFFFF380  }
0x6b: {  	_ =	swait.ge [sflag:s13], $0xC80  }
0x6c: {  	[sflag:s13] =	ssyncset.done $0x0  }
0x6d: {  	[sflag:s13] =	ssyncadd.s32 $0xFFFFF380  }
0x6e: {  	_ =	swait.ge [sflag:s13], $0xC80  }
0x6f: {  	[sflag:s13] =	ssyncset.done $0x0  }
0x70: {  	[sflag:s13] =	ssyncadd.s32 $0xFFFFF380  }
0x71: {  	_ =	swait.ge [sflag:s13], $0xC80  }
0x72: {  	[sflag:s13] =	ssyncset.done $0x0  }
0x73: {  	[sflag:s13] =	ssyncadd.s32 $0xFFFFF380  }
0x74: {  	_ =	swait.ge [sflag:s13], $0xC80  }
0x75: {  	[sflag:s13] =	ssyncset.done $0x0  }
0x76: {  	[sflag:s13] =	ssyncadd.s32 $0xFFFFF380  }
0x77: {  	_ =	swait.ge [sflag:s13], $0xC80  }
0x78: {  	[sflag:s13] =	ssyncset.done $0x0  }
0x79: {  	[sflag:s13] =	ssyncadd.s32 $0xFFFFF380  }
.Ltmp0:
0x7a: {  	_ =	swait.ge [sflag:s13], $0xC80;
	(pc) =	sbr.rel @p0 .LBB2_2-.Ltmp0, $4  }
0x7b: {  	[sflag:s13] =	ssyncset.done $0x0  }
0x7c: {  	[sflag:s13] =	ssyncadd.s32 $0xFFFFF380  }
0x7d: {  	_ =	swait.ge [sflag:s13], $0xC80  }
0x7e: {  	s19 =	smov.u32 s18;
	[sflag:s13] =	ssyncset.done $0x0  }
0x7f: {  	s17 =	sshra.s32 s17, $0x2;
	[sflag:s13] =	ssyncadd.s32 $0xFFFFF380  }
0x80: {  	[spmem:s1] =	stream.indirect.scatter.add.f32 [tilespmem:s11], [sflag:$0x1], $0x10, s17, s14, $0xb8;
	[tilespmem:$0x6810] =	vst v63  }
0x81: {  	s18 =	sadd.s32 $0xC8, s17  }
0x82: {  	[spmem:s1] =	stream.indirect.scatter.add.f32 [tilespmem:s11], [sflag:$0x1], $0x10, s18, s14, $0xb8;
	[tilespmem:$0x6810] =	vst v63  }
0x83: {  	s24 =	sadd.s32 $0x190, s17  }
0x84: {  	[spmem:s1] =	stream.indirect.scatter.add.f32 [tilespmem:s11], [sflag:$0x1], $0x10, s24, s14, $0xb8;
	[tilespmem:$0x6810] =	vst v63  }
0x85: {  	s25 =	sadd.s32 $0x258, s17  }
0x86: {  	[spmem:s1] =	stream.indirect.scatter.add.f32 [tilespmem:s11], [sflag:$0x1], $0x10, s25, s14, $0xb8;
	[tilespmem:$0x6810] =	vst v63  }
0x87: {  	s26 =	sadd.s32 $0x320, s17  }
0x88: {  	[spmem:s1] =	stream.indirect.scatter.add.f32 [tilespmem:s11], [sflag:$0x1], $0x10, s26, s14, $0xb8;
	[tilespmem:$0x6810] =	vst v63  }
0x89: {  	s28 =	sadd.s32 $0x3E8, s17  }
0x8a: {  	[spmem:s1] =	stream.indirect.scatter.add.f32 [tilespmem:s11], [sflag:$0x1], $0x10, s28, s14, $0xb8;
	[tilespmem:$0x6810] =	vst v63  }
0x8b: {  	s29 =	sadd.s32 $0x4B0, s17  }
0x8c: {  	[spmem:s1] =	stream.indirect.scatter.add.f32 [tilespmem:s11], [sflag:$0x1], $0x10, s29, s14, $0xb8;
	[tilespmem:$0x6810] =	vst v63  }
0x8d: {  	s30 =	sadd.s32 $0x578, s17  }
0x8e: {  	[spmem:s1] =	stream.indirect.scatter.add.f32 [tilespmem:s11], [sflag:$0x1], $0x10, s30, s14, $0xb8;
	[tilespmem:$0x6810] =	vst v63  }
0x8f: {  	s31 =	sadd.s32 $0x640, s17  }
0x90: {  	[spmem:s1] =	stream.indirect.scatter.add.f32 [tilespmem:s11], [sflag:$0x1], $0x10, s31, s14, $0xb8;
	[tilespmem:$0x6810] =	vst v63  }
0x91: {  	s17 =	sadd.s32 $0x708, s17  }
0x92: {  	[spmem:s1] =	stream.indirect.scatter.add.f32 [tilespmem:s11], [sflag:$0x1], $0x10, s17, s14, $0xb8;
	[tilespmem:$0x6810] =	vst v63  }
0x93: {  	_ =	swait.ge [sflag:s13], $0xC80  }
0x94: {  	[sflag:s13] =	ssyncset.done $0x0  }
0x95: {  	[sflag:s13] =	ssyncadd.s32 $0xFFFFF380  }
0x96: {  	_ =	swait.ge [sflag:s13], $0xC80  }
0x97: {  	[sflag:s13] =	ssyncset.done $0x0  }
0x98: {  	[sflag:s13] =	ssyncadd.s32 $0xFFFFF380  }
0x99: {  	_ =	swait.ge [sflag:s13], $0xC80  }
0x9a: {  	[sflag:s13] =	ssyncset.done $0x0  }
0x9b: {  	[sflag:s13] =	ssyncadd.s32 $0xFFFFF380  }
0x9c: {  	_ =	swait.ge [sflag:s13], $0xC80  }
0x9d: {  	[sflag:s13] =	ssyncset.done $0x0  }
0x9e: {  	[sflag:s13] =	ssyncadd.s32 $0xFFFFF380  }
0x9f: {  	_ =	swait.ge [sflag:s13], $0xC80  }
0xa0: {  	[sflag:s13] =	ssyncset.done $0x0  }
0xa1: {  	[sflag:s13] =	ssyncadd.s32 $0xFFFFF380  }
0xa2: {  	_ =	swait.ge [sflag:s13], $0xC80  }
0xa3: {  	[sflag:s13] =	ssyncset.done $0x0  }
0xa4: {  	[sflag:s13] =	ssyncadd.s32 $0xFFFFF380  }
0xa5: {  	_ =	swait.ge [sflag:s13], $0xC80  }
0xa6: {  	[sflag:s13] =	ssyncset.done $0x0  }
0xa7: {  	[sflag:s13] =	ssyncadd.s32 $0xFFFFF380  }
0xa8: {  	_ =	swait.ge [sflag:s13], $0xC80  }
0xa9: {  	[sflag:s13] =	ssyncset.done $0x0  }
0xaa: {  	[sflag:s13] =	ssyncadd.s32 $0xFFFFF380  }
0xab: {  	_ =	swait.ge [sflag:s13], $0xC80  }
0xac: {  	[sflag:s13] =	ssyncset.done $0x0  }
0xad: {  	[sflag:s13] =	ssyncadd.s32 $0xFFFFF380  }
0xae: {  	_ =	swait.ge [sflag:s13], $0xC80  }
0xaf: {  	s16 =	sadd.s32 $0x1, s16;
	[sflag:s13] =	ssyncset.done $0x0  }
0xb0: {  	p0 =	sne.s32 s16, s9;
	[sflag:s13] =	ssyncadd.s32 $0xFFFFF380  }
.Ltmp1:
0xb1: {  	[bflag:$0x0] =	sbarrier.arrive $0xFFFF;
	(pc) =	sbr.rel @p0 .LBB2_1-.Ltmp1, $4  }
0xb2: {  	[hbm:s8], [sflag:s15] =	dma.local [spmem:s10], $0x500  }
0xb3: {  	_ =	swait.ge [sflag:s12], $0x500  }
0xb4: {  	[sflag:s12] =	ssyncset.done $0x0  }
0xb5: {  	[sflag:s12] =	ssyncadd.s32 $0xFFFFFB00  }
0xb6: {  	_ =	sfence.sel $0x180000  }
0xb7: {  	[bflag:$0x0] =	sbarrier.arrive $0xFFFF  }
0xb8: {  	p0 =	sne.s32 s2, $0x0;
	_ =	strace $0x90000047  }
0xb9: {  	s0 =	sadd.s32 @!p0 $0x100000, s0;
	[bflag:$0x2] =	sbarrier.arrive $0xFFFF  }
0xba: {  	[sflag:s0] =	ssyncadd.tile.s32 @!p0 $0x1;
	_ =	shalt  }
.Lfunc_end2:
_tile_overlayer_lowered:
.L_overlay_start_2:
0xbb: {  	(tag) =	ssettag $0x2  }
0xbc: {  	s0 =	rddreg [dreg:$0x0];
	s2 =	stileid.u32  }
0xbd: {  	s1 =	rddreg [dreg:$0x1];
	p0 =	sne.s32 s2, $0x0  }
0xbe: {  	s3 =	rddreg [dreg:$0x2];
	[bflag:$0x3] =	sbarrier.arrive $0xFFFF;
	s2 =	simm.s32 @!p0 $0x1C02  }
0xbf: {  	[timem:s3], [sflag:s2] =	dma.local @!p0 [hbm:s0], s1  }
0xc0: {  	s0 =	simm.s32 @!p0 $0x2  }
0xc1: {  	_ =	swait.ge @!p0 [sflag:s0], s1  }
0xc2: {  	s1 =	ssub.s32 @!p0 $0x0, s1;
	[sflag:s0] =	ssyncset.done @!p0 $0x0  }
0xc3: {  	[sflag:s0] =	ssyncadd.s32 @!p0 s1  }
0xc4: {  	[bflag:$0x3] =	sbarrier.arrive $0xFFFF  }
0xc5: {  	_ =	shalt  }

// kernel: kernel.13.cloned.1.call-start
scs
__scs_entry_jumppad:
0x0: {  	(pc) =	sbr.rel $0x88, $3  }
0x1: {  	(tag) =	ssettag $0x0;
	lr =	simm.s32 $0x1  }
0x2: {  	[smem:$0x3F99] =	sst lr;
	_ =	strace $0xD0000000  }
0x3: {  	_ = 	snop  }
0x4: {  	_ = 	snop  }
0x5: {  	_ = 	snop  }
0x6: {  	_ = 	snop  }
0x7: {  	_ = 	snop  }
__scs_overlays_trampoline_lowered:
0x8: {  	[smem:$0x3FA8] =	sst s0  }
0x9: {  	[smem:$0x3FA9] =	sst s1  }
0xa: {  	[smem:$0x3FAA] =	sst s2  }
0xb: {  	[smem:$0x3FAB] =	sst s3  }
0xc: {  	[smem:$0x3FAC] =	sst s4  }
0xd: {  	[smem:$0x3FAD] =	sst s5  }
0xe: {  	[smem:$0x3FAE] =	sst s6  }
0xf: {  	[smem:$0x3FAF] =	sst s7  }
0x10: {  	[smem:$0x3FB0] =	sst s8  }
0x11: {  	[smem:$0x3FB1] =	sst s9;
	s0 =	simm.s32 @!p0 $0x0  }
0x12: {  	s1 =	sld [smem:$0x3F97];
	s0 =	simm.s32 @p0 $0x1  }
0x13: {  	[smem:$0x3FB2] =	sst s0;
	s0 =	simm.s32 @!p1 $0x0  }
0x14: {  	s2 =	sld [smem:$0x3F96];
	s0 =	simm.s32 @p1 $0x1  }
0x15: {  	[smem:$0x3FB3] =	sst s0;
	s0 =	simm.s32 @!p2 $0x0  }
0x16: {  	s3 =	sld [smem:$0x3FDB];
	s0 =	simm.s32 @p2 $0x1  }
0x17: {  	s4 =	simm.s32 $0x1BF5;
	[smem:$0x3FB5] =	sst s0  }
0x18: {  	s0 =	sld [smem:$0x3F98];
	_ =	swait.ge [sflag:s4], $0x0  }
0x19: {  	s7 =	sld [smem:$0x3F99]  }
0x1a: {  	s8 =	sadd.s32 $0xFFFFE003, lr  }
0x1b: {  	s9 =	sadd.s32 $0xFFFFFEF7, lr;
	s5 =	simm.s32 $0xFFFFFFFF;
	p2 =	slt.u32 s8, $0xFFFFF086  }
0x1c: {  	p1 =	slt.u32 s9, $0xF7A;
	s5 =	simm.s32 @!p2 $0x0  }
0x1d: {  	s5 =	simm.s32 @p1 $0x1;
	p0 =	seq.s32 s7, s2  }
0x1e: {  	s7 =	smul.u32 @!p0 $0xF7A, s2;
	p2 =	seq.s32 @!p0 s5, $0x0  }
0x1f: {  	s9 =	smul.u32 $0xF7A, s1;
	s8 =	simm.s32 @!p0 $0x1BF5;
	p2 =	por !p2, p0  }
0x20: {  	[sflag:s8] =	ssyncset.s32 @!p0 $0xFFFFF086;
	s6 =	sadd.s32 @!p0 s3, s7;
	s7 =	simm.s32 @!p0 $0x108  }
0x21: {  	s3 =	sadd.s32 s3, s9;
	s6 =	sadd.s32 @!p0 $0x88, s6;
	s7 =	simm.s32 @p2 $0x1082  }
0x22: {  	[simem:s7], [sflag:s8] =	dma.local @!p0 [hbm:s6], $0xF7A  }
0x23: {  	s9 =	sor.u32 $0xD0000000, s2;
	s6 =	simm.s32 $0x108;
	_ =	swait.ge @!p0 [sflag:s8], $0x0  }
0x24: {  	s3 =	sadd.s32 $0x88, s3;
	s6 =	simm.s32 @!p1 $0x1082;
	[sflag:s4] =	ssyncset.s32 $0xFFFFF086  }
0x25: {  	[simem:s6], [sflag:s4] =	dma.local [hbm:s3], $0xF7A  }
0x26: {  	[smem:$0x3F99] =	sst s1;
	(tag) =	ssettag s2;
	_ =	strace s9  }
0x27: {  	s1 =	sld [smem:$0x3FA9]  }
0x28: {  	s2 =	sld [smem:$0x3FAA]  }
0x29: {  	s4 =	sld [smem:$0x3FAC]  }
0x2a: {  	p0 =	seq.s32 s5, $0x0;
	s5 =	sld [smem:$0x3FAD]  }
0x2b: {  	s6 =	sld [smem:$0x3FAE]  }
0x2c: {  	s7 =	sld [smem:$0x3FAF]  }
0x2d: {  	s3 =	simm.s32 $0x108;
	s8 =	sld [smem:$0x3FB0]  }
0x2e: {  	s3 =	simm.s32 @!p0 $0x1082;
	s9 =	sld [smem:$0x3FB1]  }
0x2f: {  	lr =	sadd.s32 s0, s3;
	s0 =	sld [smem:$0x3FA8]  }
0x30: {  	s3 =	sld [smem:$0x3FAB]  }
0x31: {  	[smem:$0x3FB4] =	sst s10  }
0x32: {  	s10 =	sld [smem:$0x3FB2];
	_ =	sdelay $0x3  }
0x33: {  	p0 =	seq.s32 s10, $0x1;
	s10 =	sld [smem:$0x3FB4];
	_ =	sdelay $0x3  }
0x34: {  	[smem:$0x3FB4] =	sst s10  }
0x35: {  	s10 =	sld [smem:$0x3FB3];
	_ =	sdelay $0x3  }
0x36: {  	p1 =	seq.s32 s10, $0x1;
	s10 =	sld [smem:$0x3FB4];
	_ =	sdelay $0x3  }
0x37: {  	[smem:$0x3FB4] =	sst s10  }
0x38: {  	s10 =	sld [smem:$0x3FB5]  }
0x39: {  	_ = 	snop;
	(pc) =	sbr.ind lr, $3  }
0x3a: {  	_ = 	snop  }
0x3b: {  	_ = 	snop  }
0x3c: {  	p2 =	seq.s32 s10, $0x1;
	s10 =	sld [smem:$0x3FB4]  }
0x3d: {  	_ =	shalt  }
0x3e: {  	_ =	shalt  }
0x3f: {  	_ =	shalt  }
0x40: {  	_ =	shalt  }
0x41: {  	_ =	shalt  }
0x42: {  	_ =	shalt  }
0x43: {  	_ =	shalt  }
0x44: {  	_ =	shalt  }
0x45: {  	_ =	shalt  }
0x46: {  	_ =	shalt  }
0x47: {  	_ =	shalt  }
0x48: {  	_ =	shalt  }
0x49: {  	_ =	shalt  }
0x4a: {  	_ =	shalt  }
0x4b: {  	_ =	shalt  }
0x4c: {  	_ =	shalt  }
0x4d: {  	_ =	shalt  }
0x4e: {  	_ =	shalt  }
0x4f: {  	_ =	shalt  }
0x50: {  	_ =	shalt  }
0x51: {  	_ =	shalt  }
0x52: {  	_ =	shalt  }
0x53: {  	_ =	shalt  }
0x54: {  	_ =	shalt  }
0x55: {  	_ =	shalt  }
0x56: {  	_ =	shalt  }
0x57: {  	_ =	shalt  }
0x58: {  	_ =	shalt  }
0x59: {  	_ =	shalt  }
0x5a: {  	_ =	shalt  }
0x5b: {  	_ =	shalt  }
0x5c: {  	_ =	shalt  }
0x5d: {  	_ =	shalt  }
0x5e: {  	_ =	shalt  }
0x5f: {  	_ =	shalt  }
0x60: {  	_ =	shalt  }
0x61: {  	_ =	shalt  }
0x62: {  	_ =	shalt  }
0x63: {  	_ =	shalt  }
0x64: {  	_ =	shalt  }
0x65: {  	_ =	shalt  }
0x66: {  	_ =	shalt  }
0x67: {  	_ =	shalt  }
0x68: {  	_ =	shalt  }
0x69: {  	_ =	shalt  }
0x6a: {  	_ =	shalt  }
0x6b: {  	_ =	shalt  }
0x6c: {  	_ =	shalt  }
0x6d: {  	_ =	shalt  }
0x6e: {  	_ =	shalt  }
0x6f: {  	_ =	shalt  }
0x70: {  	_ =	shalt  }
0x71: {  	_ =	shalt  }
0x72: {  	_ =	shalt  }
0x73: {  	_ =	shalt  }
0x74: {  	_ =	shalt  }
0x75: {  	_ =	shalt  }
0x76: {  	_ =	shalt  }
0x77: {  	_ =	shalt  }
0x78: {  	_ =	shalt  }
0x79: {  	_ =	shalt  }
0x7a: {  	_ =	shalt  }
0x7b: {  	_ =	shalt  }
0x7c: {  	_ =	shalt  }
0x7d: {  	_ =	shalt  }
0x7e: {  	_ =	shalt  }
0x7f: {  	_ =	shalt  }
0x80: {  	_ =	shalt  }
0x81: {  	_ =	shalt  }
0x82: {  	_ =	shalt  }
0x83: {  	_ =	shalt  }
0x84: {  	_ =	shalt  }
0x85: {  	_ =	shalt  }
0x86: {  	_ =	shalt  }
0x87: {  	_ =	shalt  }
.Lfunc_end0:
.L_simem_size_0:
called_computation.1_lowered:
.L_overlay_start_0:
0x88: {  	s2 =	sld [smem:$0x3FD9]  }
0x89: {  	s3 =	sld [smem:$0x3FFE];
	_ =	sdelay $0x1  }
0x8a: {  	s1 =	srdreg.scid  }
0x8b: {  	s0 =	sand.u32 $0x1, s1  }
0x8c: {  	s16 =	sshll.u32 s0, $0xA;
	s2 =	sadd.s32 s3, s2  }
0x8d: {  	s2 =	sadd.s32 s2, s16  }
0x8e: {  	[smem:$0x3FC0] =	sst s2  }
0x8f: {  	_ = 	snop  }
0x90: {  	(tm) =	ssettm $0x1  }
0x91: {  	s17 =	sld [smem:$0x3FFB];
	_ =	sdelay $0x3  }
0x92: {  	_ =	strace s17  }
0x93: {  	s2 =	sld [smem:$0x3FFC];
	_ =	sdelay $0x3  }
0x94: {  	_ =	strace s2  }
0x95: {  	s2 =	sld [smem:$0x3FFD];
	_ =	sdelay $0x3  }
0x96: {  	_ =	strace s2  }
0x97: {  	_ =	strace $0x8FFFFFFF  }
0x98: {  	s18 =	sld [smem:$0x3FDB];
	_ =	sdelay $0x1  }
0x99: {  	s19 =	simm.s32 $_scs_section_size  }
0x9a: {  	s4 =	simm.s32 $_size__tile_overlayer_lowered;
	s5 =	simm.s32 $_tile_overlayer_lowered  }
0x9b: {  	s22 =	simm.s32 $0x1BFF;
	s21 =	sshll.u32 s5, $0x1;
	s2 =	sadd.s32 s19, s18  }
0x9c: {  	s6 =	simm.s32 $0x0;
	s20 =	sshll.u32 s4, $0x1;
	s4 =	sadd.s32 s21, s2  }
0x9d: {  	[timem:s6], [sflag:s22] =	dma.local [hbm:s4], s20  }
0x9e: {  	_ =	swait.ge [sflag:s22], s20  }
0x9f: {  	s3 =	ssub.s32 $0x0, s20;
	[sflag:s22] =	ssyncset.done $0x0  }
0xa0: {  	[sflag:s22] =	ssyncadd.s32 s3;
	_ =	sdelay $0x1  }
0xa1: {  	s23 =	simm.s32 $0x1B8B  }
0xa2: {  	_ =	swait.ge [sflag:s23], $0x1  }
0xa3: {  	[sflag:s23] =	ssyncset.done $0x0  }
0xa4: {  	s25 =	simm.s32 $0x1B8E;
	s24 =	sld [smem:$0x3FFE];
	[sflag:s23] =	ssyncadd.s32 $0xFFFFFFFF  }
0xa5: {  	s26 =	simm.s32 $execute0_lowered;
	[smem:$0x3FD2] =	sst s25  }
0xa6: {  	s4 =	sshll.u32 s26, $0x1;
	_ =	strace $0x80000049;
	[dreg:$0x1] =	wrdreg $0xFFFFFFFF  }
0xa7: {  	s28 =	simm.s32 $_size_execute0_lowered;
	s2 =	sadd.s32 s2, s4;
	[dreg:$0x0] =	wrdreg $0x0  }
0xa8: {  	s4 =	sshll.u32 s28, $0x1;
	[dreg:$0x2] =	wrdreg s2  }
0xa9: {  	[dreg:$0x3] =	wrdreg s4  }
0xaa: {  	[dreg:$0x4] =	wrdreg $0xC0  }
0xab: {  	_ =	task [dreg:s6], $0x5FFFF  }
0xac: {  	[dreg:$0x1] =	wrdreg $0xFFFFFFFF  }
0xad: {  	[dreg:$0x0] =	wrdreg $0x60  }
0xae: {  	[dreg:$0x2] =	wrdreg s24  }
0xaf: {  	[dreg:$0x3] =	wrdreg $0x116200  }
0xb0: {  	[dreg:$0x4] =	wrdreg $0x9  }
0xb1: {  	_ =	task.clear_ibuf [dreg:s6], $0x5FFFF;
	_ =	strace $0x90000049  }
0xb2: {  	s29 =	simm.s32 $0x9;
	_ =	strace $0x8000004B  }
0xb3: {  	_ =	swait.ge [sflag:s29], $0x1  }
0xb4: {  	[sflag:s29] =	ssyncadd.s32 $0xFFFFFFFF  }
0xb5: {  	_ =	strace $0x9000004B  }
0xb6: {  	_ =	sfence  }
0xb7: {  	s30 =	sld [smem:$0x0];
	_ =	sdelay $0x2  }
0xb8: {  	s31 =	sshll.u32 s1, $0xD;
	s1 =	sshrl.u32 s1, $0x2  }
0xb9: {  	s3 =	sand.u32 $0x4000, s31;
	s1 =	sadd.s32 s1, s30  }
0xba: {  	s0 =	sor.u32 s3, s0;
	s1 =	sshll.u32 s1, $0x11  }
0xbb: {  	s0 =	sor.u32 s1, s0  }
0xbc: {  	s0 =	sadd.s32 $0x8F2B, s0  }
0xbd: {  	[sflag:s0] =	ssyncadd.remote.s32 $0x1  }
0xbe: {  	_ =	sfence.sel $0xFFFF  }
0xbf: {  	[dreg:$0x0] =	wrdreg $0xFFFFFFFF;
	(pc) =	sbr.abs _section_cstart, $3  }
0xc0: {  	[dreg:$0x1] =	wrdreg $0xFFFFFFFF  }
0xc1: {  	_ =	task.clear_ibuf [dreg:s6], $0x2FFFF;
	_ =	strace $0x9FFFFFFF  }
0xc2: {  	(tm) =	ssettm $0x7FFFFFFF  }
0xc3: {  	_ =	shalt  }
tec
execute0_lowered:
.L_overlay_start_1:
0x0: {  	(tag) =	ssettag $0x1  }
0x1: {  	s6 =	rddreg [dreg:$0x0]  }
0x2: {  	s0 =	srdreg.scid;
	s2 =	rddreg [dreg:$0x1]  }
0x3: {  	s3 =	simm.s32 $0x0;
	s14 =	simm.s32 $0x4E20;
	s15 =	simm.s32 $0x2710  }
0x4: {  	s16 =	simm.s32 $0x3;
	s17 =	simm.s32 $0x2;
	s18 =	simm.s32 $0xB220  }
0x5: {  	s19 =	simm.s32 $0xC8;
	s20 =	simm.s32 $0x8020;
	s21 =	simm.s32 $0xE420  }
0x6: {  	s22 =	simm.s32 $0x4C90;
	s5 =	sand.u32 $0x1, s0;
	s0 =	stileid.u32  }
0x7: {  	s23 =	simm.s32 $0x4D58;
	s25 =	simm.s32 $0x0;
	s7 =	smul.u32 $0xA000, s0  }
0x8: {  	[smem:$0x7FF] =	sst s3;
	s1 =	sshll.u32 s5, $0x4;
	s8 =	smul.u32 $0xA0000, s5  }
0x9: {  	s5 =	ssub.s32 $0x2, s5;
	s24 =	sshll.u32 s0, $0x6;
	s1 =	sor.u32 s0, s1  }
0xa: {  	s31 =	sshrl.u32 s5, $0x1;
	s4 =	smul.u32 $0x2710, s1;
	s1 =	rddreg [dreg:$0x2]  }
0xb: {  	_ =	strace $0x8000004A;
	s8 =	sadd.s32 s7, s8;
	s10 =	sshrl.u32 s7, $0x3  }
0xc: {  	s12 =	ssub.s32 s5, s31;
	s13 =	sadd.s32 s7, s2;
	s8 =	sshrl.u32 s8, $0x3  }
0xd: {  	s10 =	sadd.s32 s10, s6;
	s9 =	sshrl.u32 s4, $0x3;
	s4 =	sadd.s32 $0x17200, s6  }
0xe: {  	s11 =	sadd.s32 s8, s6;
	s5 =	sadd.s32 $0x2B200, s10;
	s10 =	smax.u32 s12, $0x1  }
0xf: {  	s12 =	simm.s32 $0x1;
	s9 =	sadd.s32 s9, s6;
	s6 =	sor.u32 $0x1C02, s24  }
0x10: {  	s24 =	sor.u32 $0x1C03, s24;
	s7 =	sadd.s32 $0x3800, s9;
	s8 =	sadd.s32 $0xD440, s9  }
0x11: {  	s9 =	sadd.s32 $0x3F200, s11;
	s11 =	sshrl.u32 s13, $0x3;
	s13 =	simm.s32 $0x190  }
.LBB2_1:
0x12: {  	[spmem:s11], [sflag:s6] =	dma.local [hbm:s5], $0x1400  }
0x13: {  	[tilespmem:s3], [sflag:$0x1] =	stream.linear.gather [hbm4b:s7+s3], $0x2710, $0x38;
	[tilespmem:$0x1B620] =	vst v63  }
0x14: {  	_ =	swait.ge [sflag:s12], $0x2710  }
0x15: {  	[sflag:s12] =	ssyncset.done $0x0  }
0x16: {  	[sflag:s12] =	ssyncadd.s32 $0xFFFFD8F0  }
0x17: {  	[tilespmem:s14], [sflag:$0x1] =	stream.indirect.gather [hbm4b:s4+s13], $0x40, s3, s13, $0xb8;
	[tilespmem:$0x1B620] =	vst v63  }
0x18: {  	_ = 	snop  }
0x19: {  	[tilespmem:s15], [sflag:$0x3] =	stream.linear.gather [hbm4b:s8+s3], $0x2710, $0x38;
	[tilespmem:$0x1B620] =	vst v63  }
0x1a: {  	_ =	swait.ge [sflag:s16], $0x2710  }
0x1b: {  	[sflag:s16] =	ssyncset.done $0x0  }
0x1c: {  	[sflag:s16] =	ssyncadd.s32 $0xFFFFD8F0  }
0x1d: {  	_ =	swait.ge [sflag:s17], $0x1400  }
0x1e: {  	[sflag:s17] =	ssyncset.done $0x0  }
0x1f: {  	[sflag:s17] =	ssyncadd.s32 $0xFFFFEC00  }
0x20: {  	s26 =	simm.s32 $0x190;
	[bflag:$0x0] =	sbarrier.arrive $0xFFFF  }
0x21: {  	[tilespmem:s18], [sflag:$0x2] =	stream.indirect.gather [hbm4b:s4+s13], $0x40, s26, s13, $0xb8;
	[tilespmem:$0x1B620] =	vst v63  }
0x22: {  	_ =	swait.ge [sflag:s12], $0x6400  }
0x23: {  	[sflag:s12] =	ssyncset.done $0x0  }
0x24: {  	s30 =	simm.s32 $0x2710;
	[sflag:s12] =	ssyncadd.s32 $0xFFFF9C00  }
0x25: {  	[spmem:s2] =	stream.indirect.scatter.add.f32 [tilespmem:s14], [sflag:$0x3], $0x40, s30, s19, $0xb8;
	[tilespmem:$0x1B620] =	vst v63  }
0x26: {  	_ =	swait.ge [sflag:s16], $0x3200  }
0x27: {  	[sflag:s16] =	ssyncset.done $0x0  }
0x28: {  	s31 =	simm.s32 $0x27D8;
	[sflag:s16] =	ssyncadd.s32 $0xFFFFCE00  }
0x29: {  	[spmem:s2] =	stream.indirect.scatter.add.f32 [tilespmem:s20], [sflag:$0x3], $0x40, s31, s19, $0xb8;
	[tilespmem:$0x1B620] =	vst v63  }
0x2a: {  	_ =	swait.ge [sflag:s16], $0x3200  }
0x2b: {  	[sflag:s16] =	ssyncset.done $0x0  }
0x2c: {  	s29 =	simm.s32 $0x320;
	[sflag:s16] =	ssyncadd.s32 $0xFFFFCE00  }
0x2d: {  	[tilespmem:s14], [sflag:$0x1] =	stream.indirect.gather [hbm4b:s4+s13], $0x40, s29, s13, $0xb8;
	[tilespmem:$0x1B620] =	vst v63  }
0x2e: {  	_ =	swait.ge [sflag:s17], $0x6400  }
0x2f: {  	[sflag:s17] =	ssyncset.done $0x0  }
0x30: {  	s30 =	simm.s32 $0x28A0;
	[sflag:s17] =	ssyncadd.s32 $0xFFFF9C00  }
0x31: {  	[spmem:s2] =	stream.indirect.scatter.add.f32 [tilespmem:s18], [sflag:$0x3], $0x40, s30, s19, $0xb8;
	[tilespmem:$0x1B620] =	vst v63  }
0x32: {  	_ =	swait.ge [sflag:s16], $0x3200  }
0x33: {  	[sflag:s16] =	ssyncset.done $0x0  }
0x34: {  	s31 =	simm.s32 $0x2968;
	[sflag:s16] =	ssyncadd.s32 $0xFFFFCE00  }
0x35: {  	[spmem:s2] =	stream.indirect.scatter.add.f32 [tilespmem:s21], [sflag:$0x3], $0x40, s31, s19, $0xb8;
	[tilespmem:$0x1B620] =	vst v63  }
0x36: {  	_ =	swait.ge [sflag:s16], $0x3200  }
0x37: {  	s28 =	simm.s32 $0x1900;
	s26 =	simm.s32 $0x320;
	[sflag:s16] =	ssyncset.done $0x0  }
.LBB2_2:
0x38: {  	s29 =	sadd.s32 $0x190, s26  }
0x39: {  	[sflag:s16] =	ssyncadd.s32 $0xFFFFCE00;
	s30 =	smov.u32 s28;
	s31 =	sadd.s32 $0xC80, s28  }
0x3a: {  	[tilespmem:s18], [sflag:$0x2] =	stream.indirect.gather [hbm4b:s4+s13], $0x40, s29, s13, $0xb8;
	[tilespmem:$0x1B620] =	vst v63  }
0x3b: {  	p0 =	sne.s32 s28, $0x8980;
	_ =	swait.ge [sflag:s12], $0x6400  }
0x3c: {  	[sflag:s12] =	ssyncset.done $0x0  }
0x3d: {  	s28 =	sadd.s32 $0x2710, s26;
	[sflag:s12] =	ssyncadd.s32 $0xFFFF9C00  }
0x3e: {  	[spmem:s2] =	stream.indirect.scatter.add.f32 [tilespmem:s14], [sflag:$0x3], $0x40, s28, s19, $0xb8;
	[tilespmem:$0x1B620] =	vst v63  }
0x3f: {  	_ =	swait.ge [sflag:s16], $0x3200  }
0x40: {  	[sflag:s16] =	ssyncset.done $0x0  }
0x41: {  	s28 =	sadd.s32 $0x27D8, s26;
	[sflag:s16] =	ssyncadd.s32 $0xFFFFCE00  }
0x42: {  	[spmem:s2] =	stream.indirect.scatter.add.f32 [tilespmem:s20], [sflag:$0x3], $0x40, s28, s19, $0xb8;
	[tilespmem:$0x1B620] =	vst v63  }
0x43: {  	_ =	swait.ge [sflag:s16], $0x3200  }
0x44: {  	[sflag:s16] =	ssyncset.done $0x0  }
0x45: {  	s28 =	sadd.s32 $0x320, s26;
	[sflag:s16] =	ssyncadd.s32 $0xFFFFCE00  }
0x46: {  	[tilespmem:s14], [sflag:$0x1] =	stream.indirect.gather [hbm4b:s4+s13], $0x40, s28, s13, $0xb8;
	[tilespmem:$0x1B620] =	vst v63  }
0x47: {  	_ =	swait.ge [sflag:s17], $0x6400  }
0x48: {  	[sflag:s17] =	ssyncset.done $0x0  }
0x49: {  	s28 =	sadd.s32 $0x28A0, s26;
	[sflag:s17] =	ssyncadd.s32 $0xFFFF9C00  }
0x4a: {  	[spmem:s2] =	stream.indirect.scatter.add.f32 [tilespmem:s18], [sflag:$0x3], $0x40, s28, s19, $0xb8;
	[tilespmem:$0x1B620] =	vst v63  }
0x4b: {  	_ =	swait.ge [sflag:s16], $0x3200  }
.Ltmp0:
0x4c: {  	[sflag:s16] =	ssyncset.done $0x0;
	(pc) =	sbr.rel @p0 .LBB2_2-.Ltmp0, $4  }
0x4d: {  	s26 =	sadd.s32 $0x2968, s26;
	[sflag:s16] =	ssyncadd.s32 $0xFFFFCE00  }
0x4e: {  	[spmem:s2] =	stream.indirect.scatter.add.f32 [tilespmem:s21], [sflag:$0x3], $0x40, s26, s19, $0xb8;
	[tilespmem:$0x1B620] =	vst v63  }
0x4f: {  	_ =	swait.ge [sflag:s16], $0x3200  }
0x50: {  	s28 =	smov.u32 s31;
	s26 =	sshra.s32 s30, $0x2;
	[sflag:s16] =	ssyncset.done $0x0  }
0x51: {  	s28 =	sadd.s32 $0x190, s26;
	[sflag:s16] =	ssyncadd.s32 $0xFFFFCE00  }
0x52: {  	[tilespmem:s18], [sflag:$0x2] =	stream.indirect.gather [hbm4b:s4+s13], $0x40, s28, s13, $0xb8;
	[tilespmem:$0x1B620] =	vst v63  }
0x53: {  	_ =	swait.ge [sflag:s12], $0x6400  }
0x54: {  	[sflag:s12] =	ssyncset.done $0x0  }
0x55: {  	s30 =	sadd.s32 $0x2710, s26;
	[sflag:s12] =	ssyncadd.s32 $0xFFFF9C00  }
0x56: {  	[spmem:s2] =	stream.indirect.scatter.add.f32 [tilespmem:s14], [sflag:$0x3], $0x40, s30, s19, $0xb8;
	[tilespmem:$0x1B620] =	vst v63  }
0x57: {  	_ =	swait.ge [sflag:s16], $0x3200  }
0x58: {  	[sflag:s16] =	ssyncset.done $0x0  }
0x59: {  	s31 =	sadd.s32 $0x27D8, s26;
	[sflag:s16] =	ssyncadd.s32 $0xFFFFCE00  }
0x5a: {  	[spmem:s2] =	stream.indirect.scatter.add.f32 [tilespmem:s20], [sflag:$0x3], $0x40, s31, s19, $0xb8;
	[tilespmem:$0x1B620] =	vst v63  }
0x5b: {  	_ =	swait.ge [sflag:s16], $0x3200  }
0x5c: {  	[sflag:s16] =	ssyncset.done $0x0  }
0x5d: {  	s29 =	sadd.s32 $0x320, s26;
	[sflag:s16] =	ssyncadd.s32 $0xFFFFCE00  }
0x5e: {  	[tilespmem:s14], [sflag:$0x1] =	stream.indirect.gather [hbm4b:s4+s13], $0x40, s29, s13, $0xb8;
	[tilespmem:$0x1B620] =	vst v63  }
0x5f: {  	_ =	swait.ge [sflag:s17], $0x6400  }
0x60: {  	[sflag:s17] =	ssyncset.done $0x0  }
0x61: {  	s30 =	sadd.s32 $0x28A0, s26;
	[sflag:s17] =	ssyncadd.s32 $0xFFFF9C00  }
0x62: {  	[spmem:s2] =	stream.indirect.scatter.add.f32 [tilespmem:s18], [sflag:$0x3], $0x40, s30, s19, $0xb8;
	[tilespmem:$0x1B620] =	vst v63  }
0x63: {  	_ =	swait.ge [sflag:s16], $0x3200  }
0x64: {  	[sflag:s16] =	ssyncset.done $0x0  }
0x65: {  	s31 =	sadd.s32 $0x2968, s26;
	[sflag:s16] =	ssyncadd.s32 $0xFFFFCE00  }
0x66: {  	[spmem:s2] =	stream.indirect.scatter.add.f32 [tilespmem:s21], [sflag:$0x3], $0x40, s31, s19, $0xb8;
	[tilespmem:$0x1B620] =	vst v63  }
0x67: {  	_ =	swait.ge [sflag:s16], $0x3200  }
0x68: {  	[sflag:s16] =	ssyncset.done $0x0  }
0x69: {  	[sflag:s16] =	ssyncadd.s32 $0xFFFFCE00  }
0x6a: {  	_ =	swait.ge [sflag:s12], $0x6400  }
0x6b: {  	[sflag:s12] =	ssyncset.done $0x0  }
0x6c: {  	[sflag:s12] =	ssyncadd.s32 $0xFFFF9C00  }
0x6d: {  	[spmem:s2] =	stream.indirect.scatter.add.f32 [tilespmem:s14], [sflag:$0x3], $0x40, s22, s19, $0xb8;
	[tilespmem:$0x1B620] =	vst v63  }
0x6e: {  	_ =	swait.ge [sflag:s16], $0x3200  }
0x6f: {  	[sflag:s16] =	ssyncset.done $0x0  }
0x70: {  	[sflag:s16] =	ssyncadd.s32 $0xFFFFCE00  }
0x71: {  	[spmem:s2] =	stream.indirect.scatter.add.f32 [tilespmem:s20], [sflag:$0x3], $0x40, s23, s19, $0xb8;
	[tilespmem:$0x1B620] =	vst v63  }
0x72: {  	_ =	swait.ge [sflag:s16], $0x3200  }
0x73: {  	s25 =	sadd.s32 $0x1, s25;
	[sflag:s16] =	ssyncset.done $0x0  }
0x74: {  	p0 =	sne.s32 s25, s10;
	[sflag:s16] =	ssyncadd.s32 $0xFFFFCE00  }
.Ltmp1:
0x75: {  	[bflag:$0x0] =	sbarrier.arrive $0xFFFF;
	(pc) =	sbr.rel @p0 .LBB2_1-.Ltmp1, $4  }
0x76: {  	[hbm:s9], [sflag:s24] =	dma.local [spmem:s11], $0x1400  }
0x77: {  	_ =	swait.ge [sflag:s16], $0x1400  }
0x78: {  	[sflag:s16] =	ssyncset.done $0x0  }
0x79: {  	[sflag:s16] =	ssyncadd.s32 $0xFFFFEC00  }
0x7a: {  	_ =	sfence.sel $0x180000  }
0x7b: {  	[bflag:$0x0] =	sbarrier.arrive $0xFFFF  }
0x7c: {  	p0 =	sne.s32 s0, $0x0;
	_ =	strace $0x9000004A  }
0x7d: {  	s0 =	sadd.s32 @!p0 $0x100000, s1;
	[bflag:$0x2] =	sbarrier.arrive $0xFFFF  }
0x7e: {  	[sflag:s0] =	ssyncadd.tile.s32 @!p0 $0x1;
	_ =	shalt  }
.Lfunc_end2:
_tile_overlayer_lowered:
.L_overlay_start_2:
0x7f: {  	(tag) =	ssettag $0x2  }
0x80: {  	s0 =	rddreg [dreg:$0x0];
	s2 =	stileid.u32  }
0x81: {  	s1 =	rddreg [dreg:$0x1];
	p0 =	sne.s32 s2, $0x0  }
0x82: {  	s3 =	rddreg [dreg:$0x2];
	[bflag:$0x3] =	sbarrier.arrive $0xFFFF;
	s2 =	simm.s32 @!p0 $0x1C03  }
0x83: {  	[timem:s3], [sflag:s2] =	dma.local @!p0 [hbm:s0], s1  }
0x84: {  	s0 =	simm.s32 @!p0 $0x3  }
0x85: {  	_ =	swait.ge @!p0 [sflag:s0], s1  }
0x86: {  	s1 =	ssub.s32 @!p0 $0x0, s1;
	[sflag:s0] =	ssyncset.done @!p0 $0x0  }
0x87: {  	[sflag:s0] =	ssyncadd.s32 @!p0 s1  }
0x88: {  	[bflag:$0x3] =	sbarrier.arrive $0xFFFF  }
0x89: {  	_ =	shalt  }

// kernel: kernel.16.cloned.1.call-start
scs
__scs_entry_jumppad:
0x0: {  	(pc) =	sbr.rel $0x88, $3  }
0x1: {  	(tag) =	ssettag $0x0;
	lr =	simm.s32 $0x1  }
0x2: {  	[smem:$0x3F99] =	sst lr;
	_ =	strace $0xD0000000  }
0x3: {  	_ = 	snop  }
0x4: {  	_ = 	snop  }
0x5: {  	_ = 	snop  }
0x6: {  	_ = 	snop  }
0x7: {  	_ = 	snop  }
__scs_overlays_trampoline_lowered:
0x8: {  	[smem:$0x3FA8] =	sst s0  }
0x9: {  	[smem:$0x3FA9] =	sst s1  }
0xa: {  	[smem:$0x3FAA] =	sst s2  }
0xb: {  	[smem:$0x3FAB] =	sst s3  }
0xc: {  	[smem:$0x3FAC] =	sst s4  }
0xd: {  	[smem:$0x3FAD] =	sst s5  }
0xe: {  	[smem:$0x3FAE] =	sst s6  }
0xf: {  	[smem:$0x3FAF] =	sst s7  }
0x10: {  	[smem:$0x3FB0] =	sst s8  }
0x11: {  	[smem:$0x3FB1] =	sst s9;
	s0 =	simm.s32 @!p0 $0x0  }
0x12: {  	s1 =	sld [smem:$0x3F97];
	s0 =	simm.s32 @p0 $0x1  }
0x13: {  	[smem:$0x3FB2] =	sst s0;
	s0 =	simm.s32 @!p1 $0x0  }
0x14: {  	s2 =	sld [smem:$0x3F96];
	s0 =	simm.s32 @p1 $0x1  }
0x15: {  	[smem:$0x3FB3] =	sst s0;
	s0 =	simm.s32 @!p2 $0x0  }
0x16: {  	s3 =	sld [smem:$0x3FDB];
	s0 =	simm.s32 @p2 $0x1  }
0x17: {  	s4 =	simm.s32 $0x1BF5;
	[smem:$0x3FB5] =	sst s0  }
0x18: {  	s0 =	sld [smem:$0x3F98];
	_ =	swait.ge [sflag:s4], $0x0  }
0x19: {  	s7 =	sld [smem:$0x3F99]  }
0x1a: {  	s8 =	sadd.s32 $0xFFFFE003, lr  }
0x1b: {  	s9 =	sadd.s32 $0xFFFFFEF7, lr;
	s5 =	simm.s32 $0xFFFFFFFF;
	p2 =	slt.u32 s8, $0xFFFFF086  }
0x1c: {  	p1 =	slt.u32 s9, $0xF7A;
	s5 =	simm.s32 @!p2 $0x0  }
0x1d: {  	s5 =	simm.s32 @p1 $0x1;
	p0 =	seq.s32 s7, s2  }
0x1e: {  	s7 =	smul.u32 @!p0 $0xF7A, s2;
	p2 =	seq.s32 @!p0 s5, $0x0  }
0x1f: {  	s9 =	smul.u32 $0xF7A, s1;
	s8 =	simm.s32 @!p0 $0x1BF5;
	p2 =	por !p2, p0  }
0x20: {  	[sflag:s8] =	ssyncset.s32 @!p0 $0xFFFFF086;
	s6 =	sadd.s32 @!p0 s3, s7;
	s7 =	simm.s32 @!p0 $0x108  }
0x21: {  	s3 =	sadd.s32 s3, s9;
	s6 =	sadd.s32 @!p0 $0x88, s6;
	s7 =	simm.s32 @p2 $0x1082  }
0x22: {  	[simem:s7], [sflag:s8] =	dma.local @!p0 [hbm:s6], $0xF7A  }
0x23: {  	s9 =	sor.u32 $0xD0000000, s2;
	s6 =	simm.s32 $0x108;
	_ =	swait.ge @!p0 [sflag:s8], $0x0  }
0x24: {  	s3 =	sadd.s32 $0x88, s3;
	s6 =	simm.s32 @!p1 $0x1082;
	[sflag:s4] =	ssyncset.s32 $0xFFFFF086  }
0x25: {  	[simem:s6], [sflag:s4] =	dma.local [hbm:s3], $0xF7A  }
0x26: {  	[smem:$0x3F99] =	sst s1;
	(tag) =	ssettag s2;
	_ =	strace s9  }
0x27: {  	s1 =	sld [smem:$0x3FA9]  }
0x28: {  	s2 =	sld [smem:$0x3FAA]  }
0x29: {  	s4 =	sld [smem:$0x3FAC]  }
0x2a: {  	p0 =	seq.s32 s5, $0x0;
	s5 =	sld [smem:$0x3FAD]  }
0x2b: {  	s6 =	sld [smem:$0x3FAE]  }
0x2c: {  	s7 =	sld [smem:$0x3FAF]  }
0x2d: {  	s3 =	simm.s32 $0x108;
	s8 =	sld [smem:$0x3FB0]  }
0x2e: {  	s3 =	simm.s32 @!p0 $0x1082;
	s9 =	sld [smem:$0x3FB1]  }
0x2f: {  	lr =	sadd.s32 s0, s3;
	s0 =	sld [smem:$0x3FA8]  }
0x30: {  	s3 =	sld [smem:$0x3FAB]  }
0x31: {  	[smem:$0x3FB4] =	sst s10  }
0x32: {  	s10 =	sld [smem:$0x3FB2];
	_ =	sdelay $0x3  }
0x33: {  	p0 =	seq.s32 s10, $0x1;
	s10 =	sld [smem:$0x3FB4];
	_ =	sdelay $0x3  }
0x34: {  	[smem:$0x3FB4] =	sst s10  }
0x35: {  	s10 =	sld [smem:$0x3FB3];
	_ =	sdelay $0x3  }
0x36: {  	p1 =	seq.s32 s10, $0x1;
	s10 =	sld [smem:$0x3FB4];
	_ =	sdelay $0x3  }
0x37: {  	[smem:$0x3FB4] =	sst s10  }
0x38: {  	s10 =	sld [smem:$0x3FB5]  }
0x39: {  	_ = 	snop;
	(pc) =	sbr.ind lr, $3  }
0x3a: {  	_ = 	snop  }
0x3b: {  	_ = 	snop  }
0x3c: {  	p2 =	seq.s32 s10, $0x1;
	s10 =	sld [smem:$0x3FB4]  }
0x3d: {  	_ =	shalt  }
0x3e: {  	_ =	shalt  }
0x3f: {  	_ =	shalt  }
0x40: {  	_ =	shalt  }
0x41: {  	_ =	shalt  }
0x42: {  	_ =	shalt  }
0x43: {  	_ =	shalt  }
0x44: {  	_ =	shalt  }
0x45: {  	_ =	shalt  }
0x46: {  	_ =	shalt  }
0x47: {  	_ =	shalt  }
0x48: {  	_ =	shalt  }
0x49: {  	_ =	shalt  }
0x4a: {  	_ =	shalt  }
0x4b: {  	_ =	shalt  }
0x4c: {  	_ =	shalt  }
0x4d: {  	_ =	shalt  }
0x4e: {  	_ =	shalt  }
0x4f: {  	_ =	shalt  }
0x50: {  	_ =	shalt  }
0x51: {  	_ =	shalt  }
0x52: {  	_ =	shalt  }
0x53: {  	_ =	shalt  }
0x54: {  	_ =	shalt  }
0x55: {  	_ =	shalt  }
0x56: {  	_ =	shalt  }
0x57: {  	_ =	shalt  }
0x58: {  	_ =	shalt  }
0x59: {  	_ =	shalt  }
0x5a: {  	_ =	shalt  }
0x5b: {  	_ =	shalt  }
0x5c: {  	_ =	shalt  }
0x5d: {  	_ =	shalt  }
0x5e: {  	_ =	shalt  }
0x5f: {  	_ =	shalt  }
0x60: {  	_ =	shalt  }
0x61: {  	_ =	shalt  }
0x62: {  	_ =	shalt  }
0x63: {  	_ =	shalt  }
0x64: {  	_ =	shalt  }
0x65: {  	_ =	shalt  }
0x66: {  	_ =	shalt  }
0x67: {  	_ =	shalt  }
0x68: {  	_ =	shalt  }
0x69: {  	_ =	shalt  }
0x6a: {  	_ =	shalt  }
0x6b: {  	_ =	shalt  }
0x6c: {  	_ =	shalt  }
0x6d: {  	_ =	shalt  }
0x6e: {  	_ =	shalt  }
0x6f: {  	_ =	shalt  }
0x70: {  	_ =	shalt  }
0x71: {  	_ =	shalt  }
0x72: {  	_ =	shalt  }
0x73: {  	_ =	shalt  }
0x74: {  	_ =	shalt  }
0x75: {  	_ =	shalt  }
0x76: {  	_ =	shalt  }
0x77: {  	_ =	shalt  }
0x78: {  	_ =	shalt  }
0x79: {  	_ =	shalt  }
0x7a: {  	_ =	shalt  }
0x7b: {  	_ =	shalt  }
0x7c: {  	_ =	shalt  }
0x7d: {  	_ =	shalt  }
0x7e: {  	_ =	shalt  }
0x7f: {  	_ =	shalt  }
0x80: {  	_ =	shalt  }
0x81: {  	_ =	shalt  }
0x82: {  	_ =	shalt  }
0x83: {  	_ =	shalt  }
0x84: {  	_ =	shalt  }
0x85: {  	_ =	shalt  }
0x86: {  	_ =	shalt  }
0x87: {  	_ =	shalt  }
.Lfunc_end0:
.L_simem_size_0:
called_computation.2_lowered:
.L_overlay_start_0:
0x88: {  	s2 =	sld [smem:$0x3FD9]  }
0x89: {  	s3 =	sld [smem:$0x3FFE];
	_ =	sdelay $0x1  }
0x8a: {  	s1 =	srdreg.scid  }
0x8b: {  	s0 =	sand.u32 $0x1, s1  }
0x8c: {  	s16 =	sshll.u32 s0, $0xA;
	s2 =	sadd.s32 s3, s2  }
0x8d: {  	s2 =	sadd.s32 s2, s16  }
0x8e: {  	[smem:$0x3FC0] =	sst s2  }
0x8f: {  	_ = 	snop  }
0x90: {  	(tm) =	ssettm $0x1  }
0x91: {  	s17 =	sld [smem:$0x3FFB];
	_ =	sdelay $0x3  }
0x92: {  	_ =	strace s17  }
0x93: {  	s2 =	sld [smem:$0x3FFC];
	_ =	sdelay $0x3  }
0x94: {  	_ =	strace s2  }
0x95: {  	s2 =	sld [smem:$0x3FFD];
	_ =	sdelay $0x3  }
0x96: {  	_ =	strace s2  }
0x97: {  	_ =	strace $0x8FFFFFFF  }
0x98: {  	s18 =	sld [smem:$0x3FDB];
	_ =	sdelay $0x1  }
0x99: {  	s19 =	simm.s32 $_scs_section_size  }
0x9a: {  	s4 =	simm.s32 $_size__tile_overlayer_lowered;
	s5 =	simm.s32 $_tile_overlayer_lowered  }
0x9b: {  	s22 =	simm.s32 $0x1BFF;
	s21 =	sshll.u32 s5, $0x1;
	s2 =	sadd.s32 s19, s18  }
0x9c: {  	s6 =	simm.s32 $0x0;
	s20 =	sshll.u32 s4, $0x1;
	s4 =	sadd.s32 s21, s2  }
0x9d: {  	[timem:s6], [sflag:s22] =	dma.local [hbm:s4], s20  }
0x9e: {  	_ =	swait.ge [sflag:s22], s20  }
0x9f: {  	s3 =	ssub.s32 $0x0, s20;
	[sflag:s22] =	ssyncset.done $0x0  }
0xa0: {  	[sflag:s22] =	ssyncadd.s32 s3;
	_ =	sdelay $0x1  }
0xa1: {  	s23 =	simm.s32 $0x1B8B  }
0xa2: {  	_ =	swait.ge [sflag:s23], $0x1  }
0xa3: {  	[sflag:s23] =	ssyncset.done $0x0  }
0xa4: {  	s25 =	simm.s32 $0x1B8E;
	s24 =	sld [smem:$0x3FFE];
	[sflag:s23] =	ssyncadd.s32 $0xFFFFFFFF  }
0xa5: {  	s26 =	simm.s32 $execute0_lowered;
	[smem:$0x3FD2] =	sst s25  }
0xa6: {  	s4 =	sshll.u32 s26, $0x1;
	_ =	strace $0x8000004C;
	[dreg:$0x1] =	wrdreg $0xFFFFFFFF  }
0xa7: {  	s28 =	simm.s32 $_size_execute0_lowered;
	s2 =	sadd.s32 s2, s4;
	[dreg:$0x0] =	wrdreg $0x0  }
0xa8: {  	s4 =	sshll.u32 s28, $0x1;
	[dreg:$0x2] =	wrdreg s2  }
0xa9: {  	[dreg:$0x3] =	wrdreg s4  }
0xaa: {  	[dreg:$0x4] =	wrdreg $0xC0  }
0xab: {  	_ =	task [dreg:s6], $0x5FFFF  }
0xac: {  	[dreg:$0x1] =	wrdreg $0xFFFFFFFF  }
0xad: {  	[dreg:$0x0] =	wrdreg $0x60  }
0xae: {  	[dreg:$0x2] =	wrdreg s24  }
0xaf: {  	[dreg:$0x3] =	wrdreg $0x116200  }
0xb0: {  	[dreg:$0x4] =	wrdreg $0x9  }
0xb1: {  	_ =	task.clear_ibuf [dreg:s6], $0x5FFFF;
	_ =	strace $0x9000004C  }
0xb2: {  	s29 =	simm.s32 $0x9;
	_ =	strace $0x8000004E  }
0xb3: {  	_ =	swait.ge [sflag:s29], $0x1  }
0xb4: {  	[sflag:s29] =	ssyncadd.s32 $0xFFFFFFFF  }
0xb5: {  	_ =	strace $0x9000004E  }
0xb6: {  	_ =	sfence  }
0xb7: {  	s30 =	sld [smem:$0x0];
	_ =	sdelay $0x2  }
0xb8: {  	s31 =	sshll.u32 s1, $0xD;
	s1 =	sshrl.u32 s1, $0x2  }
0xb9: {  	s3 =	sand.u32 $0x4000, s31;
	s1 =	sadd.s32 s1, s30  }
0xba: {  	s0 =	sor.u32 s3, s0;
	s1 =	sshll.u32 s1, $0x11  }
0xbb: {  	s0 =	sor.u32 s1, s0  }
0xbc: {  	s0 =	sadd.s32 $0x8F2B, s0  }
0xbd: {  	[sflag:s0] =	ssyncadd.remote.s32 $0x1  }
0xbe: {  	_ =	sfence.sel $0xFFFF  }
0xbf: {  	[dreg:$0x0] =	wrdreg $0xFFFFFFFF;
	(pc) =	sbr.abs _section_cstart, $3  }
0xc0: {  	[dreg:$0x1] =	wrdreg $0xFFFFFFFF  }
0xc1: {  	_ =	task.clear_ibuf [dreg:s6], $0x2FFFF;
	_ =	strace $0x9FFFFFFF  }
0xc2: {  	(tm) =	ssettm $0x7FFFFFFF  }
0xc3: {  	_ =	shalt  }
tec
execute0_lowered:
.L_overlay_start_1:
0x0: {  	(tag) =	ssettag $0x1  }
0x1: {  	s6 =	rddreg [dreg:$0x0]  }
0x2: {  	s0 =	srdreg.scid;
	s2 =	rddreg [dreg:$0x1]  }
0x3: {  	s3 =	simm.s32 $0x0;
	s14 =	simm.s32 $0x4E20;
	s15 =	simm.s32 $0x2710  }
0x4: {  	s16 =	simm.s32 $0x3;
	s17 =	simm.s32 $0x2;
	s18 =	simm.s32 $0xB220  }
0x5: {  	s19 =	simm.s32 $0xC8;
	s20 =	simm.s32 $0x8020;
	s21 =	simm.s32 $0xE420  }
0x6: {  	s22 =	simm.s32 $0x4C90;
	s5 =	sand.u32 $0x1, s0;
	s0 =	stileid.u32  }
0x7: {  	s23 =	simm.s32 $0x4D58;
	s25 =	simm.s32 $0x0;
	s7 =	smul.u32 $0xA000, s0  }
0x8: {  	[smem:$0x7FF] =	sst s3;
	s1 =	sshll.u32 s5, $0x4;
	s8 =	smul.u32 $0xA0000, s5  }
0x9: {  	s5 =	ssub.s32 $0x2, s5;
	s24 =	sshll.u32 s0, $0x6;
	s1 =	sor.u32 s0, s1  }
0xa: {  	s31 =	sshrl.u32 s5, $0x1;
	s4 =	smul.u32 $0x2710, s1;
	s1 =	rddreg [dreg:$0x2]  }
0xb: {  	_ =	strace $0x8000004D;
	s8 =	sadd.s32 s7, s8;
	s10 =	sshrl.u32 s7, $0x3  }
0xc: {  	s12 =	ssub.s32 s5, s31;
	s13 =	sadd.s32 s7, s2;
	s8 =	sshrl.u32 s8, $0x3  }
0xd: {  	s10 =	sadd.s32 s10, s6;
	s9 =	sshrl.u32 s4, $0x3;
	s4 =	sadd.s32 $0x17200, s6  }
0xe: {  	s11 =	sadd.s32 s8, s6;
	s5 =	sadd.s32 $0x2B200, s10;
	s10 =	smax.u32 s12, $0x1  }
0xf: {  	s12 =	simm.s32 $0x1;
	s9 =	sadd.s32 s9, s6;
	s6 =	sor.u32 $0x1C02, s24  }
0x10: {  	s24 =	sor.u32 $0x1C03, s24;
	s7 =	sadd.s32 $0x3800, s9;
	s8 =	sadd.s32 $0xD440, s9  }
0x11: {  	s9 =	sadd.s32 $0x3F200, s11;
	s11 =	sshrl.u32 s13, $0x3;
	s13 =	simm.s32 $0x190  }
.LBB2_1:
0x12: {  	[spmem:s11], [sflag:s6] =	dma.local [hbm:s5], $0x1400  }
0x13: {  	[tilespmem:s3], [sflag:$0x1] =	stream.linear.gather [hbm4b:s7+s3], $0x2710, $0x38;
	[tilespmem:$0x1B620] =	vst v63  }
0x14: {  	_ =	swait.ge [sflag:s12], $0x2710  }
0x15: {  	[sflag:s12] =	ssyncset.done $0x0  }
0x16: {  	[sflag:s12] =	ssyncadd.s32 $0xFFFFD8F0  }
0x17: {  	[tilespmem:s14], [sflag:$0x1] =	stream.indirect.gather [hbm4b:s4+s13], $0x40, s3, s13, $0xb8;
	[tilespmem:$0x1B620] =	vst v63  }
0x18: {  	_ = 	snop  }
0x19: {  	[tilespmem:s15], [sflag:$0x3] =	stream.linear.gather [hbm4b:s8+s3], $0x2710, $0x38;
	[tilespmem:$0x1B620] =	vst v63  }
0x1a: {  	_ =	swait.ge [sflag:s16], $0x2710  }
0x1b: {  	[sflag:s16] =	ssyncset.done $0x0  }
0x1c: {  	[sflag:s16] =	ssyncadd.s32 $0xFFFFD8F0  }
0x1d: {  	_ =	swait.ge [sflag:s17], $0x1400  }
0x1e: {  	[sflag:s17] =	ssyncset.done $0x0  }
0x1f: {  	[sflag:s17] =	ssyncadd.s32 $0xFFFFEC00  }
0x20: {  	s26 =	simm.s32 $0x190;
	[bflag:$0x0] =	sbarrier.arrive $0xFFFF  }
0x21: {  	[tilespmem:s18], [sflag:$0x2] =	stream.indirect.gather [hbm4b:s4+s13], $0x40, s26, s13, $0xb8;
	[tilespmem:$0x1B620] =	vst v63  }
0x22: {  	_ =	swait.ge [sflag:s12], $0x6400  }
0x23: {  	[sflag:s12] =	ssyncset.done $0x0  }
0x24: {  	s30 =	simm.s32 $0x2710;
	[sflag:s12] =	ssyncadd.s32 $0xFFFF9C00  }
0x25: {  	[spmem:s2] =	stream.indirect.scatter.add.f32 [tilespmem:s14], [sflag:$0x3], $0x40, s30, s19, $0xb8;
	[tilespmem:$0x1B620] =	vst v63  }
0x26: {  	_ =	swait.ge [sflag:s16], $0x3200  }
0x27: {  	[sflag:s16] =	ssyncset.done $0x0  }
0x28: {  	s31 =	simm.s32 $0x27D8;
	[sflag:s16] =	ssyncadd.s32 $0xFFFFCE00  }
0x29: {  	[spmem:s2] =	stream.indirect.scatter.add.f32 [tilespmem:s20], [sflag:$0x3], $0x40, s31, s19, $0xb8;
	[tilespmem:$0x1B620] =	vst v63  }
0x2a: {  	_ =	swait.ge [sflag:s16], $0x3200  }
0x2b: {  	[sflag:s16] =	ssyncset.done $0x0  }
0x2c: {  	s29 =	simm.s32 $0x320;
	[sflag:s16] =	ssyncadd.s32 $0xFFFFCE00  }
0x2d: {  	[tilespmem:s14], [sflag:$0x1] =	stream.indirect.gather [hbm4b:s4+s13], $0x40, s29, s13, $0xb8;
	[tilespmem:$0x1B620] =	vst v63  }
0x2e: {  	_ =	swait.ge [sflag:s17], $0x6400  }
0x2f: {  	[sflag:s17] =	ssyncset.done $0x0  }
0x30: {  	s30 =	simm.s32 $0x28A0;
	[sflag:s17] =	ssyncadd.s32 $0xFFFF9C00  }
0x31: {  	[spmem:s2] =	stream.indirect.scatter.add.f32 [tilespmem:s18], [sflag:$0x3], $0x40, s30, s19, $0xb8;
	[tilespmem:$0x1B620] =	vst v63  }
0x32: {  	_ =	swait.ge [sflag:s16], $0x3200  }
0x33: {  	[sflag:s16] =	ssyncset.done $0x0  }
0x34: {  	s31 =	simm.s32 $0x2968;
	[sflag:s16] =	ssyncadd.s32 $0xFFFFCE00  }
0x35: {  	[spmem:s2] =	stream.indirect.scatter.add.f32 [tilespmem:s21], [sflag:$0x3], $0x40, s31, s19, $0xb8;
	[tilespmem:$0x1B620] =	vst v63  }
0x36: {  	_ =	swait.ge [sflag:s16], $0x3200  }
0x37: {  	s28 =	simm.s32 $0x1900;
	s26 =	simm.s32 $0x320;
	[sflag:s16] =	ssyncset.done $0x0  }
.LBB2_2:
0x38: {  	s29 =	sadd.s32 $0x190, s26  }
0x39: {  	[sflag:s16] =	ssyncadd.s32 $0xFFFFCE00;
	s30 =	smov.u32 s28;
	s31 =	sadd.s32 $0xC80, s28  }
0x3a: {  	[tilespmem:s18], [sflag:$0x2] =	stream.indirect.gather [hbm4b:s4+s13], $0x40, s29, s13, $0xb8;
	[tilespmem:$0x1B620] =	vst v63  }
0x3b: {  	p0 =	sne.s32 s28, $0x8980;
	_ =	swait.ge [sflag:s12], $0x6400  }
0x3c: {  	[sflag:s12] =	ssyncset.done $0x0  }
0x3d: {  	s28 =	sadd.s32 $0x2710, s26;
	[sflag:s12] =	ssyncadd.s32 $0xFFFF9C00  }
0x3e: {  	[spmem:s2] =	stream.indirect.scatter.add.f32 [tilespmem:s14], [sflag:$0x3], $0x40, s28, s19, $0xb8;
	[tilespmem:$0x1B620] =	vst v63  }
0x3f: {  	_ =	swait.ge [sflag:s16], $0x3200  }
0x40: {  	[sflag:s16] =	ssyncset.done $0x0  }
0x41: {  	s28 =	sadd.s32 $0x27D8, s26;
	[sflag:s16] =	ssyncadd.s32 $0xFFFFCE00  }
0x42: {  	[spmem:s2] =	stream.indirect.scatter.add.f32 [tilespmem:s20], [sflag:$0x3], $0x40, s28, s19, $0xb8;
	[tilespmem:$0x1B620] =	vst v63  }
0x43: {  	_ =	swait.ge [sflag:s16], $0x3200  }
0x44: {  	[sflag:s16] =	ssyncset.done $0x0  }
0x45: {  	s28 =	sadd.s32 $0x320, s26;
	[sflag:s16] =	ssyncadd.s32 $0xFFFFCE00  }
0x46: {  	[tilespmem:s14], [sflag:$0x1] =	stream.indirect.gather [hbm4b:s4+s13], $0x40, s28, s13, $0xb8;
	[tilespmem:$0x1B620] =	vst v63  }
0x47: {  	_ =	swait.ge [sflag:s17], $0x6400  }
0x48: {  	[sflag:s17] =	ssyncset.done $0x0  }
0x49: {  	s28 =	sadd.s32 $0x28A0, s26;
	[sflag:s17] =	ssyncadd.s32 $0xFFFF9C00  }
0x4a: {  	[spmem:s2] =	stream.indirect.scatter.add.f32 [tilespmem:s18], [sflag:$0x3], $0x40, s28, s19, $0xb8;
	[tilespmem:$0x1B620] =	vst v63  }
0x4b: {  	_ =	swait.ge [sflag:s16], $0x3200  }
.Ltmp0:
0x4c: {  	[sflag:s16] =	ssyncset.done $0x0;
	(pc) =	sbr.rel @p0 .LBB2_2-.Ltmp0, $4  }
0x4d: {  	s26 =	sadd.s32 $0x2968, s26;
	[sflag:s16] =	ssyncadd.s32 $0xFFFFCE00  }
0x4e: {  	[spmem:s2] =	stream.indirect.scatter.add.f32 [tilespmem:s21], [sflag:$0x3], $0x40, s26, s19, $0xb8;
	[tilespmem:$0x1B620] =	vst v63  }
0x4f: {  	_ =	swait.ge [sflag:s16], $0x3200  }
0x50: {  	s28 =	smov.u32 s31;
	s26 =	sshra.s32 s30, $0x2;
	[sflag:s16] =	ssyncset.done $0x0  }
0x51: {  	s28 =	sadd.s32 $0x190, s26;
	[sflag:s16] =	ssyncadd.s32 $0xFFFFCE00  }
0x52: {  	[tilespmem:s18], [sflag:$0x2] =	stream.indirect.gather [hbm4b:s4+s13], $0x40, s28, s13, $0xb8;
	[tilespmem:$0x1B620] =	vst v63  }
0x53: {  	_ =	swait.ge [sflag:s12], $0x6400  }
0x54: {  	[sflag:s12] =	ssyncset.done $0x0  }
0x55: {  	s30 =	sadd.s32 $0x2710, s26;
	[sflag:s12] =	ssyncadd.s32 $0xFFFF9C00  }
0x56: {  	[spmem:s2] =	stream.indirect.scatter.add.f32 [tilespmem:s14], [sflag:$0x3], $0x40, s30, s19, $0xb8;
	[tilespmem:$0x1B620] =	vst v63  }
0x57: {  	_ =	swait.ge [sflag:s16], $0x3200  }
0x58: {  	[sflag:s16] =	ssyncset.done $0x0  }
0x59: {  	s31 =	sadd.s32 $0x27D8, s26;
	[sflag:s16] =	ssyncadd.s32 $0xFFFFCE00  }
0x5a: {  	[spmem:s2] =	stream.indirect.scatter.add.f32 [tilespmem:s20], [sflag:$0x3], $0x40, s31, s19, $0xb8;
	[tilespmem:$0x1B620] =	vst v63  }
0x5b: {  	_ =	swait.ge [sflag:s16], $0x3200  }
0x5c: {  	[sflag:s16] =	ssyncset.done $0x0  }
0x5d: {  	s29 =	sadd.s32 $0x320, s26;
	[sflag:s16] =	ssyncadd.s32 $0xFFFFCE00  }
0x5e: {  	[tilespmem:s14], [sflag:$0x1] =	stream.indirect.gather [hbm4b:s4+s13], $0x40, s29, s13, $0xb8;
	[tilespmem:$0x1B620] =	vst v63  }
0x5f: {  	_ =	swait.ge [sflag:s17], $0x6400  }
0x60: {  	[sflag:s17] =	ssyncset.done $0x0  }
0x61: {  	s30 =	sadd.s32 $0x28A0, s26;
	[sflag:s17] =	ssyncadd.s32 $0xFFFF9C00  }
0x62: {  	[spmem:s2] =	stream.indirect.scatter.add.f32 [tilespmem:s18], [sflag:$0x3], $0x40, s30, s19, $0xb8;
	[tilespmem:$0x1B620] =	vst v63  }
0x63: {  	_ =	swait.ge [sflag:s16], $0x3200  }
0x64: {  	[sflag:s16] =	ssyncset.done $0x0  }
0x65: {  	s31 =	sadd.s32 $0x2968, s26;
	[sflag:s16] =	ssyncadd.s32 $0xFFFFCE00  }
0x66: {  	[spmem:s2] =	stream.indirect.scatter.add.f32 [tilespmem:s21], [sflag:$0x3], $0x40, s31, s19, $0xb8;
	[tilespmem:$0x1B620] =	vst v63  }
0x67: {  	_ =	swait.ge [sflag:s16], $0x3200  }
0x68: {  	[sflag:s16] =	ssyncset.done $0x0  }
0x69: {  	[sflag:s16] =	ssyncadd.s32 $0xFFFFCE00  }
0x6a: {  	_ =	swait.ge [sflag:s12], $0x6400  }
0x6b: {  	[sflag:s12] =	ssyncset.done $0x0  }
0x6c: {  	[sflag:s12] =	ssyncadd.s32 $0xFFFF9C00  }
0x6d: {  	[spmem:s2] =	stream.indirect.scatter.add.f32 [tilespmem:s14], [sflag:$0x3], $0x40, s22, s19, $0xb8;
	[tilespmem:$0x1B620] =	vst v63  }
0x6e: {  	_ =	swait.ge [sflag:s16], $0x3200  }
0x6f: {  	[sflag:s16] =	ssyncset.done $0x0  }
0x70: {  	[sflag:s16] =	ssyncadd.s32 $0xFFFFCE00  }
0x71: {  	[spmem:s2] =	stream.indirect.scatter.add.f32 [tilespmem:s20], [sflag:$0x3], $0x40, s23, s19, $0xb8;
	[tilespmem:$0x1B620] =	vst v63  }
0x72: {  	_ =	swait.ge [sflag:s16], $0x3200  }
0x73: {  	s25 =	sadd.s32 $0x1, s25;
	[sflag:s16] =	ssyncset.done $0x0  }
0x74: {  	p0 =	sne.s32 s25, s10;
	[sflag:s16] =	ssyncadd.s32 $0xFFFFCE00  }
.Ltmp1:
0x75: {  	[bflag:$0x0] =	sbarrier.arrive $0xFFFF;
	(pc) =	sbr.rel @p0 .LBB2_1-.Ltmp1, $4  }
0x76: {  	[hbm:s9], [sflag:s24] =	dma.local [spmem:s11], $0x1400  }
0x77: {  	_ =	swait.ge [sflag:s16], $0x1400  }
0x78: {  	[sflag:s16] =	ssyncset.done $0x0  }
0x79: {  	[sflag:s16] =	ssyncadd.s32 $0xFFFFEC00  }
0x7a: {  	_ =	sfence.sel $0x180000  }
0x7b: {  	[bflag:$0x0] =	sbarrier.arrive $0xFFFF  }
0x7c: {  	p0 =	sne.s32 s0, $0x0;
	_ =	strace $0x9000004D  }
0x7d: {  	s0 =	sadd.s32 @!p0 $0x100000, s1;
	[bflag:$0x2] =	sbarrier.arrive $0xFFFF  }
0x7e: {  	[sflag:s0] =	ssyncadd.tile.s32 @!p0 $0x1;
	_ =	shalt  }
.Lfunc_end2:
_tile_overlayer_lowered:
.L_overlay_start_2:
0x7f: {  	(tag) =	ssettag $0x2  }
0x80: {  	s0 =	rddreg [dreg:$0x0];
	s2 =	stileid.u32  }
0x81: {  	s1 =	rddreg [dreg:$0x1];
	p0 =	sne.s32 s2, $0x0  }
0x82: {  	s3 =	rddreg [dreg:$0x2];
	[bflag:$0x3] =	sbarrier.arrive $0xFFFF;
	s2 =	simm.s32 @!p0 $0x1C03  }
0x83: {  	[timem:s3], [sflag:s2] =	dma.local @!p0 [hbm:s0], s1  }
0x84: {  	s0 =	simm.s32 @!p0 $0x3  }
0x85: {  	_ =	swait.ge @!p0 [sflag:s0], s1  }
0x86: {  	s1 =	ssub.s32 @!p0 $0x0, s1;
	[sflag:s0] =	ssyncset.done @!p0 $0x0  }
0x87: {  	[sflag:s0] =	ssyncadd.s32 @!p0 s1  }
0x88: {  	[bflag:$0x3] =	sbarrier.arrive $0xFFFF  }
0x89: {  	_ =	shalt  }

// kernel: kernel.19.cloned.1.call-start
scs
__scs_entry_jumppad:
0x0: {  	(pc) =	sbr.rel $0x88, $3  }
0x1: {  	(tag) =	ssettag $0x0;
	lr =	simm.s32 $0x1  }
0x2: {  	[smem:$0x3F99] =	sst lr;
	_ =	strace $0xD0000000  }
0x3: {  	_ = 	snop  }
0x4: {  	_ = 	snop  }
0x5: {  	_ = 	snop  }
0x6: {  	_ = 	snop  }
0x7: {  	_ = 	snop  }
__scs_overlays_trampoline_lowered:
0x8: {  	[smem:$0x3FA8] =	sst s0  }
0x9: {  	[smem:$0x3FA9] =	sst s1  }
0xa: {  	[smem:$0x3FAA] =	sst s2  }
0xb: {  	[smem:$0x3FAB] =	sst s3  }
0xc: {  	[smem:$0x3FAC] =	sst s4  }
0xd: {  	[smem:$0x3FAD] =	sst s5  }
0xe: {  	[smem:$0x3FAE] =	sst s6  }
0xf: {  	[smem:$0x3FAF] =	sst s7  }
0x10: {  	[smem:$0x3FB0] =	sst s8  }
0x11: {  	[smem:$0x3FB1] =	sst s9;
	s0 =	simm.s32 @!p0 $0x0  }
0x12: {  	s1 =	sld [smem:$0x3F97];
	s0 =	simm.s32 @p0 $0x1  }
0x13: {  	[smem:$0x3FB2] =	sst s0;
	s0 =	simm.s32 @!p1 $0x0  }
0x14: {  	s2 =	sld [smem:$0x3F96];
	s0 =	simm.s32 @p1 $0x1  }
0x15: {  	[smem:$0x3FB3] =	sst s0;
	s0 =	simm.s32 @!p2 $0x0  }
0x16: {  	s3 =	sld [smem:$0x3FDB];
	s0 =	simm.s32 @p2 $0x1  }
0x17: {  	s4 =	simm.s32 $0x1BF5;
	[smem:$0x3FB5] =	sst s0  }
0x18: {  	s0 =	sld [smem:$0x3F98];
	_ =	swait.ge [sflag:s4], $0x0  }
0x19: {  	s7 =	sld [smem:$0x3F99]  }
0x1a: {  	s8 =	sadd.s32 $0xFFFFE003, lr  }
0x1b: {  	s9 =	sadd.s32 $0xFFFFFEF7, lr;
	s5 =	simm.s32 $0xFFFFFFFF;
	p2 =	slt.u32 s8, $0xFFFFF086  }
0x1c: {  	p1 =	slt.u32 s9, $0xF7A;
	s5 =	simm.s32 @!p2 $0x0  }
0x1d: {  	s5 =	simm.s32 @p1 $0x1;
	p0 =	seq.s32 s7, s2  }
0x1e: {  	s7 =	smul.u32 @!p0 $0xF7A, s2;
	p2 =	seq.s32 @!p0 s5, $0x0  }
0x1f: {  	s9 =	smul.u32 $0xF7A, s1;
	s8 =	simm.s32 @!p0 $0x1BF5;
	p2 =	por !p2, p0  }
0x20: {  	[sflag:s8] =	ssyncset.s32 @!p0 $0xFFFFF086;
	s6 =	sadd.s32 @!p0 s3, s7;
	s7 =	simm.s32 @!p0 $0x108  }
0x21: {  	s3 =	sadd.s32 s3, s9;
	s6 =	sadd.s32 @!p0 $0x88, s6;
	s7 =	simm.s32 @p2 $0x1082  }
0x22: {  	[simem:s7], [sflag:s8] =	dma.local @!p0 [hbm:s6], $0xF7A  }
0x23: {  	s9 =	sor.u32 $0xD0000000, s2;
	s6 =	simm.s32 $0x108;
	_ =	swait.ge @!p0 [sflag:s8], $0x0  }
0x24: {  	s3 =	sadd.s32 $0x88, s3;
	s6 =	simm.s32 @!p1 $0x1082;
	[sflag:s4] =	ssyncset.s32 $0xFFFFF086  }
0x25: {  	[simem:s6], [sflag:s4] =	dma.local [hbm:s3], $0xF7A  }
0x26: {  	[smem:$0x3F99] =	sst s1;
	(tag) =	ssettag s2;
	_ =	strace s9  }
0x27: {  	s1 =	sld [smem:$0x3FA9]  }
0x28: {  	s2 =	sld [smem:$0x3FAA]  }
0x29: {  	s4 =	sld [smem:$0x3FAC]  }
0x2a: {  	p0 =	seq.s32 s5, $0x0;
	s5 =	sld [smem:$0x3FAD]  }
0x2b: {  	s6 =	sld [smem:$0x3FAE]  }
0x2c: {  	s7 =	sld [smem:$0x3FAF]  }
0x2d: {  	s3 =	simm.s32 $0x108;
	s8 =	sld [smem:$0x3FB0]  }
0x2e: {  	s3 =	simm.s32 @!p0 $0x1082;
	s9 =	sld [smem:$0x3FB1]  }
0x2f: {  	lr =	sadd.s32 s0, s3;
	s0 =	sld [smem:$0x3FA8]  }
0x30: {  	s3 =	sld [smem:$0x3FAB]  }
0x31: {  	[smem:$0x3FB4] =	sst s10  }
0x32: {  	s10 =	sld [smem:$0x3FB2];
	_ =	sdelay $0x3  }
0x33: {  	p0 =	seq.s32 s10, $0x1;
	s10 =	sld [smem:$0x3FB4];
	_ =	sdelay $0x3  }
0x34: {  	[smem:$0x3FB4] =	sst s10  }
0x35: {  	s10 =	sld [smem:$0x3FB3];
	_ =	sdelay $0x3  }
0x36: {  	p1 =	seq.s32 s10, $0x1;
	s10 =	sld [smem:$0x3FB4];
	_ =	sdelay $0x3  }
0x37: {  	[smem:$0x3FB4] =	sst s10  }
0x38: {  	s10 =	sld [smem:$0x3FB5]  }
0x39: {  	_ = 	snop;
	(pc) =	sbr.ind lr, $3  }
0x3a: {  	_ = 	snop  }
0x3b: {  	_ = 	snop  }
0x3c: {  	p2 =	seq.s32 s10, $0x1;
	s10 =	sld [smem:$0x3FB4]  }
0x3d: {  	_ =	shalt  }
0x3e: {  	_ =	shalt  }
0x3f: {  	_ =	shalt  }
0x40: {  	_ =	shalt  }
0x41: {  	_ =	shalt  }
0x42: {  	_ =	shalt  }
0x43: {  	_ =	shalt  }
0x44: {  	_ =	shalt  }
0x45: {  	_ =	shalt  }
0x46: {  	_ =	shalt  }
0x47: {  	_ =	shalt  }
0x48: {  	_ =	shalt  }
0x49: {  	_ =	shalt  }
0x4a: {  	_ =	shalt  }
0x4b: {  	_ =	shalt  }
0x4c: {  	_ =	shalt  }
0x4d: {  	_ =	shalt  }
0x4e: {  	_ =	shalt  }
0x4f: {  	_ =	shalt  }
0x50: {  	_ =	shalt  }
0x51: {  	_ =	shalt  }
0x52: {  	_ =	shalt  }
0x53: {  	_ =	shalt  }
0x54: {  	_ =	shalt  }
0x55: {  	_ =	shalt  }
0x56: {  	_ =	shalt  }
0x57: {  	_ =	shalt  }
0x58: {  	_ =	shalt  }
0x59: {  	_ =	shalt  }
0x5a: {  	_ =	shalt  }
0x5b: {  	_ =	shalt  }
0x5c: {  	_ =	shalt  }
0x5d: {  	_ =	shalt  }
0x5e: {  	_ =	shalt  }
0x5f: {  	_ =	shalt  }
0x60: {  	_ =	shalt  }
0x61: {  	_ =	shalt  }
0x62: {  	_ =	shalt  }
0x63: {  	_ =	shalt  }
0x64: {  	_ =	shalt  }
0x65: {  	_ =	shalt  }
0x66: {  	_ =	shalt  }
0x67: {  	_ =	shalt  }
0x68: {  	_ =	shalt  }
0x69: {  	_ =	shalt  }
0x6a: {  	_ =	shalt  }
0x6b: {  	_ =	shalt  }
0x6c: {  	_ =	shalt  }
0x6d: {  	_ =	shalt  }
0x6e: {  	_ =	shalt  }
0x6f: {  	_ =	shalt  }
0x70: {  	_ =	shalt  }
0x71: {  	_ =	shalt  }
0x72: {  	_ =	shalt  }
0x73: {  	_ =	shalt  }
0x74: {  	_ =	shalt  }
0x75: {  	_ =	shalt  }
0x76: {  	_ =	shalt  }
0x77: {  	_ =	shalt  }
0x78: {  	_ =	shalt  }
0x79: {  	_ =	shalt  }
0x7a: {  	_ =	shalt  }
0x7b: {  	_ =	shalt  }
0x7c: {  	_ =	shalt  }
0x7d: {  	_ =	shalt  }
0x7e: {  	_ =	shalt  }
0x7f: {  	_ =	shalt  }
0x80: {  	_ =	shalt  }
0x81: {  	_ =	shalt  }
0x82: {  	_ =	shalt  }
0x83: {  	_ =	shalt  }
0x84: {  	_ =	shalt  }
0x85: {  	_ =	shalt  }
0x86: {  	_ =	shalt  }
0x87: {  	_ =	shalt  }
.Lfunc_end0:
.L_simem_size_0:
called_computation.3_lowered:
.L_overlay_start_0:
0x88: {  	s2 =	sld [smem:$0x3FD9]  }
0x89: {  	s3 =	sld [smem:$0x3FFE];
	_ =	sdelay $0x1  }
0x8a: {  	s1 =	srdreg.scid  }
0x8b: {  	s0 =	sand.u32 $0x1, s1  }
0x8c: {  	s16 =	sshll.u32 s0, $0xA;
	s2 =	sadd.s32 s3, s2  }
0x8d: {  	s2 =	sadd.s32 s2, s16  }
0x8e: {  	[smem:$0x3FC0] =	sst s2  }
0x8f: {  	_ = 	snop  }
0x90: {  	(tm) =	ssettm $0x1  }
0x91: {  	s17 =	sld [smem:$0x3FFB];
	_ =	sdelay $0x3  }
0x92: {  	_ =	strace s17  }
0x93: {  	s2 =	sld [smem:$0x3FFC];
	_ =	sdelay $0x3  }
0x94: {  	_ =	strace s2  }
0x95: {  	s2 =	sld [smem:$0x3FFD];
	_ =	sdelay $0x3  }
0x96: {  	_ =	strace s2  }
0x97: {  	_ =	strace $0x8FFFFFFF  }
0x98: {  	s18 =	sld [smem:$0x3FDB];
	_ =	sdelay $0x1  }
0x99: {  	s19 =	simm.s32 $_scs_section_size  }
0x9a: {  	s4 =	simm.s32 $_size__tile_overlayer_lowered;
	s5 =	simm.s32 $_tile_overlayer_lowered  }
0x9b: {  	s22 =	simm.s32 $0x1BFF;
	s21 =	sshll.u32 s5, $0x1;
	s2 =	sadd.s32 s19, s18  }
0x9c: {  	s6 =	simm.s32 $0x0;
	s20 =	sshll.u32 s4, $0x1;
	s4 =	sadd.s32 s21, s2  }
0x9d: {  	[timem:s6], [sflag:s22] =	dma.local [hbm:s4], s20  }
0x9e: {  	_ =	swait.ge [sflag:s22], s20  }
0x9f: {  	s3 =	ssub.s32 $0x0, s20;
	[sflag:s22] =	ssyncset.done $0x0  }
0xa0: {  	[sflag:s22] =	ssyncadd.s32 s3;
	_ =	sdelay $0x1  }
0xa1: {  	s23 =	simm.s32 $0x1B8B  }
0xa2: {  	_ =	swait.ge [sflag:s23], $0x1  }
0xa3: {  	[sflag:s23] =	ssyncset.done $0x0  }
0xa4: {  	s25 =	simm.s32 $0x1B8E;
	s24 =	sld [smem:$0x3FFE];
	[sflag:s23] =	ssyncadd.s32 $0xFFFFFFFF  }
0xa5: {  	s26 =	simm.s32 $execute0_lowered;
	[smem:$0x3FD2] =	sst s25  }
0xa6: {  	s4 =	sshll.u32 s26, $0x1;
	_ =	strace $0x8000004F;
	[dreg:$0x1] =	wrdreg $0xFFFFFFFF  }
0xa7: {  	s28 =	simm.s32 $_size_execute0_lowered;
	s2 =	sadd.s32 s2, s4;
	[dreg:$0x0] =	wrdreg $0x0  }
0xa8: {  	s4 =	sshll.u32 s28, $0x1;
	[dreg:$0x2] =	wrdreg s2  }
0xa9: {  	[dreg:$0x3] =	wrdreg s4  }
0xaa: {  	[dreg:$0x4] =	wrdreg $0xC0  }
0xab: {  	_ =	task [dreg:s6], $0x5FFFF  }
0xac: {  	[dreg:$0x1] =	wrdreg $0xFFFFFFFF  }
0xad: {  	[dreg:$0x0] =	wrdreg $0x60  }
0xae: {  	[dreg:$0x2] =	wrdreg s24  }
0xaf: {  	[dreg:$0x3] =	wrdreg $0x116200  }
0xb0: {  	[dreg:$0x4] =	wrdreg $0x9  }
0xb1: {  	_ =	task.clear_ibuf [dreg:s6], $0x5FFFF;
	_ =	strace $0x9000004F  }
0xb2: {  	s29 =	simm.s32 $0x9;
	_ =	strace $0x80000051  }
0xb3: {  	_ =	swait.ge [sflag:s29], $0x1  }
0xb4: {  	[sflag:s29] =	ssyncadd.s32 $0xFFFFFFFF  }
0xb5: {  	_ =	strace $0x90000051  }
0xb6: {  	_ =	sfence  }
0xb7: {  	s30 =	sld [smem:$0x0];
	_ =	sdelay $0x2  }
0xb8: {  	s31 =	sshll.u32 s1, $0xD;
	s1 =	sshrl.u32 s1, $0x2  }
0xb9: {  	s3 =	sand.u32 $0x4000, s31;
	s1 =	sadd.s32 s1, s30  }
0xba: {  	s0 =	sor.u32 s3, s0;
	s1 =	sshll.u32 s1, $0x11  }
0xbb: {  	s0 =	sor.u32 s1, s0  }
0xbc: {  	s0 =	sadd.s32 $0x8F2B, s0  }
0xbd: {  	[sflag:s0] =	ssyncadd.remote.s32 $0x1  }
0xbe: {  	_ =	sfence.sel $0xFFFF  }
0xbf: {  	[dreg:$0x0] =	wrdreg $0xFFFFFFFF;
	(pc) =	sbr.abs _section_cstart, $3  }
0xc0: {  	[dreg:$0x1] =	wrdreg $0xFFFFFFFF  }
0xc1: {  	_ =	task.clear_ibuf [dreg:s6], $0x2FFFF;
	_ =	strace $0x9FFFFFFF  }
0xc2: {  	(tm) =	ssettm $0x7FFFFFFF  }
0xc3: {  	_ =	shalt  }
tec
execute0_lowered:
.L_overlay_start_1:
0x0: {  	(tag) =	ssettag $0x1  }
0x1: {  	s6 =	rddreg [dreg:$0x0]  }
0x2: {  	s0 =	srdreg.scid;
	s2 =	rddreg [dreg:$0x1]  }
0x3: {  	s3 =	simm.s32 $0x0;
	s14 =	simm.s32 $0x4E20;
	s15 =	simm.s32 $0x2710  }
0x4: {  	s16 =	simm.s32 $0x3;
	s17 =	simm.s32 $0x2;
	s18 =	simm.s32 $0xB220  }
0x5: {  	s19 =	simm.s32 $0xC8;
	s20 =	simm.s32 $0x8020;
	s21 =	simm.s32 $0xE420  }
0x6: {  	s22 =	simm.s32 $0x4C90;
	s5 =	sand.u32 $0x1, s0;
	s0 =	stileid.u32  }
0x7: {  	s23 =	simm.s32 $0x4D58;
	s25 =	simm.s32 $0x0;
	s7 =	smul.u32 $0xA000, s0  }
0x8: {  	[smem:$0x7FF] =	sst s3;
	s1 =	sshll.u32 s5, $0x4;
	s8 =	smul.u32 $0xA0000, s5  }
0x9: {  	s5 =	ssub.s32 $0x2, s5;
	s24 =	sshll.u32 s0, $0x6;
	s1 =	sor.u32 s0, s1  }
0xa: {  	s31 =	sshrl.u32 s5, $0x1;
	s4 =	smul.u32 $0x2710, s1;
	s1 =	rddreg [dreg:$0x2]  }
0xb: {  	_ =	strace $0x80000050;
	s8 =	sadd.s32 s7, s8;
	s10 =	sshrl.u32 s7, $0x3  }
0xc: {  	s12 =	ssub.s32 s5, s31;
	s13 =	sadd.s32 s7, s2;
	s8 =	sshrl.u32 s8, $0x3  }
0xd: {  	s10 =	sadd.s32 s10, s6;
	s9 =	sshrl.u32 s4, $0x3;
	s4 =	sadd.s32 $0x17200, s6  }
0xe: {  	s11 =	sadd.s32 s8, s6;
	s5 =	sadd.s32 $0x2B200, s10;
	s10 =	smax.u32 s12, $0x1  }
0xf: {  	s12 =	simm.s32 $0x1;
	s9 =	sadd.s32 s9, s6;
	s6 =	sor.u32 $0x1C02, s24  }
0x10: {  	s24 =	sor.u32 $0x1C03, s24;
	s7 =	sadd.s32 $0x3800, s9;
	s8 =	sadd.s32 $0xD440, s9  }
0x11: {  	s9 =	sadd.s32 $0x3F200, s11;
	s11 =	sshrl.u32 s13, $0x3;
	s13 =	simm.s32 $0x190  }
.LBB2_1:
0x12: {  	[spmem:s11], [sflag:s6] =	dma.local [hbm:s5], $0x1400  }
0x13: {  	[tilespmem:s3], [sflag:$0x1] =	stream.linear.gather [hbm4b:s7+s3], $0x2710, $0x38;
	[tilespmem:$0x1B620] =	vst v63  }
0x14: {  	_ =	swait.ge [sflag:s12], $0x2710  }
0x15: {  	[sflag:s12] =	ssyncset.done $0x0  }
0x16: {  	[sflag:s12] =	ssyncadd.s32 $0xFFFFD8F0  }
0x17: {  	[tilespmem:s14], [sflag:$0x1] =	stream.indirect.gather [hbm4b:s4+s13], $0x40, s3, s13, $0xb8;
	[tilespmem:$0x1B620] =	vst v63  }
0x18: {  	_ = 	snop  }
0x19: {  	[tilespmem:s15], [sflag:$0x3] =	stream.linear.gather [hbm4b:s8+s3], $0x2710, $0x38;
	[tilespmem:$0x1B620] =	vst v63  }
0x1a: {  	_ =	swait.ge [sflag:s16], $0x2710  }
0x1b: {  	[sflag:s16] =	ssyncset.done $0x0  }
0x1c: {  	[sflag:s16] =	ssyncadd.s32 $0xFFFFD8F0  }
0x1d: {  	_ =	swait.ge [sflag:s17], $0x1400  }
0x1e: {  	[sflag:s17] =	ssyncset.done $0x0  }
0x1f: {  	[sflag:s17] =	ssyncadd.s32 $0xFFFFEC00  }
0x20: {  	s26 =	simm.s32 $0x190;
	[bflag:$0x0] =	sbarrier.arrive $0xFFFF  }
0x21: {  	[tilespmem:s18], [sflag:$0x2] =	stream.indirect.gather [hbm4b:s4+s13], $0x40, s26, s13, $0xb8;
	[tilespmem:$0x1B620] =	vst v63  }
0x22: {  	_ =	swait.ge [sflag:s12], $0x6400  }
0x23: {  	[sflag:s12] =	ssyncset.done $0x0  }
0x24: {  	s30 =	simm.s32 $0x2710;
	[sflag:s12] =	ssyncadd.s32 $0xFFFF9C00  }
0x25: {  	[spmem:s2] =	stream.indirect.scatter.add.f32 [tilespmem:s14], [sflag:$0x3], $0x40, s30, s19, $0xb8;
	[tilespmem:$0x1B620] =	vst v63  }
0x26: {  	_ =	swait.ge [sflag:s16], $0x3200  }
0x27: {  	[sflag:s16] =	ssyncset.done $0x0  }
0x28: {  	s31 =	simm.s32 $0x27D8;
	[sflag:s16] =	ssyncadd.s32 $0xFFFFCE00  }
0x29: {  	[spmem:s2] =	stream.indirect.scatter.add.f32 [tilespmem:s20], [sflag:$0x3], $0x40, s31, s19, $0xb8;
	[tilespmem:$0x1B620] =	vst v63  }
0x2a: {  	_ =	swait.ge [sflag:s16], $0x3200  }
0x2b: {  	[sflag:s16] =	ssyncset.done $0x0  }
0x2c: {  	s29 =	simm.s32 $0x320;
	[sflag:s16] =	ssyncadd.s32 $0xFFFFCE00  }
0x2d: {  	[tilespmem:s14], [sflag:$0x1] =	stream.indirect.gather [hbm4b:s4+s13], $0x40, s29, s13, $0xb8;
	[tilespmem:$0x1B620] =	vst v63  }
0x2e: {  	_ =	swait.ge [sflag:s17], $0x6400  }
0x2f: {  	[sflag:s17] =	ssyncset.done $0x0  }
0x30: {  	s30 =	simm.s32 $0x28A0;
	[sflag:s17] =	ssyncadd.s32 $0xFFFF9C00  }
0x31: {  	[spmem:s2] =	stream.indirect.scatter.add.f32 [tilespmem:s18], [sflag:$0x3], $0x40, s30, s19, $0xb8;
	[tilespmem:$0x1B620] =	vst v63  }
0x32: {  	_ =	swait.ge [sflag:s16], $0x3200  }
0x33: {  	[sflag:s16] =	ssyncset.done $0x0  }
0x34: {  	s31 =	simm.s32 $0x2968;
	[sflag:s16] =	ssyncadd.s32 $0xFFFFCE00  }
0x35: {  	[spmem:s2] =	stream.indirect.scatter.add.f32 [tilespmem:s21], [sflag:$0x3], $0x40, s31, s19, $0xb8;
	[tilespmem:$0x1B620] =	vst v63  }
0x36: {  	_ =	swait.ge [sflag:s16], $0x3200  }
0x37: {  	s28 =	simm.s32 $0x1900;
	s26 =	simm.s32 $0x320;
	[sflag:s16] =	ssyncset.done $0x0  }
.LBB2_2:
0x38: {  	s29 =	sadd.s32 $0x190, s26  }
0x39: {  	[sflag:s16] =	ssyncadd.s32 $0xFFFFCE00;
	s30 =	smov.u32 s28;
	s31 =	sadd.s32 $0xC80, s28  }
0x3a: {  	[tilespmem:s18], [sflag:$0x2] =	stream.indirect.gather [hbm4b:s4+s13], $0x40, s29, s13, $0xb8;
	[tilespmem:$0x1B620] =	vst v63  }
0x3b: {  	p0 =	sne.s32 s28, $0x8980;
	_ =	swait.ge [sflag:s12], $0x6400  }
0x3c: {  	[sflag:s12] =	ssyncset.done $0x0  }
0x3d: {  	s28 =	sadd.s32 $0x2710, s26;
	[sflag:s12] =	ssyncadd.s32 $0xFFFF9C00  }
0x3e: {  	[spmem:s2] =	stream.indirect.scatter.add.f32 [tilespmem:s14], [sflag:$0x3], $0x40, s28, s19, $0xb8;
	[tilespmem:$0x1B620] =	vst v63  }
0x3f: {  	_ =	swait.ge [sflag:s16], $0x3200  }
0x40: {  	[sflag:s16] =	ssyncset.done $0x0  }
0x41: {  	s28 =	sadd.s32 $0x27D8, s26;
	[sflag:s16] =	ssyncadd.s32 $0xFFFFCE00  }
0x42: {  	[spmem:s2] =	stream.indirect.scatter.add.f32 [tilespmem:s20], [sflag:$0x3], $0x40, s28, s19, $0xb8;
	[tilespmem:$0x1B620] =	vst v63  }
0x43: {  	_ =	swait.ge [sflag:s16], $0x3200  }
0x44: {  	[sflag:s16] =	ssyncset.done $0x0  }
0x45: {  	s28 =	sadd.s32 $0x320, s26;
	[sflag:s16] =	ssyncadd.s32 $0xFFFFCE00  }
0x46: {  	[tilespmem:s14], [sflag:$0x1] =	stream.indirect.gather [hbm4b:s4+s13], $0x40, s28, s13, $0xb8;
	[tilespmem:$0x1B620] =	vst v63  }
0x47: {  	_ =	swait.ge [sflag:s17], $0x6400  }
0x48: {  	[sflag:s17] =	ssyncset.done $0x0  }
0x49: {  	s28 =	sadd.s32 $0x28A0, s26;
	[sflag:s17] =	ssyncadd.s32 $0xFFFF9C00  }
0x4a: {  	[spmem:s2] =	stream.indirect.scatter.add.f32 [tilespmem:s18], [sflag:$0x3], $0x40, s28, s19, $0xb8;
	[tilespmem:$0x1B620] =	vst v63  }
0x4b: {  	_ =	swait.ge [sflag:s16], $0x3200  }
.Ltmp0:
0x4c: {  	[sflag:s16] =	ssyncset.done $0x0;
	(pc) =	sbr.rel @p0 .LBB2_2-.Ltmp0, $4  }
0x4d: {  	s26 =	sadd.s32 $0x2968, s26;
	[sflag:s16] =	ssyncadd.s32 $0xFFFFCE00  }
0x4e: {  	[spmem:s2] =	stream.indirect.scatter.add.f32 [tilespmem:s21], [sflag:$0x3], $0x40, s26, s19, $0xb8;
	[tilespmem:$0x1B620] =	vst v63  }
0x4f: {  	_ =	swait.ge [sflag:s16], $0x3200  }
0x50: {  	s28 =	smov.u32 s31;
	s26 =	sshra.s32 s30, $0x2;
	[sflag:s16] =	ssyncset.done $0x0  }
0x51: {  	s28 =	sadd.s32 $0x190, s26;
	[sflag:s16] =	ssyncadd.s32 $0xFFFFCE00  }
0x52: {  	[tilespmem:s18], [sflag:$0x2] =	stream.indirect.gather [hbm4b:s4+s13], $0x40, s28, s13, $0xb8;
	[tilespmem:$0x1B620] =	vst v63  }
0x53: {  	_ =	swait.ge [sflag:s12], $0x6400  }
0x54: {  	[sflag:s12] =	ssyncset.done $0x0  }
0x55: {  	s30 =	sadd.s32 $0x2710, s26;
	[sflag:s12] =	ssyncadd.s32 $0xFFFF9C00  }
0x56: {  	[spmem:s2] =	stream.indirect.scatter.add.f32 [tilespmem:s14], [sflag:$0x3], $0x40, s30, s19, $0xb8;
	[tilespmem:$0x1B620] =	vst v63  }
0x57: {  	_ =	swait.ge [sflag:s16], $0x3200  }
0x58: {  	[sflag:s16] =	ssyncset.done $0x0  }
0x59: {  	s31 =	sadd.s32 $0x27D8, s26;
	[sflag:s16] =	ssyncadd.s32 $0xFFFFCE00  }
0x5a: {  	[spmem:s2] =	stream.indirect.scatter.add.f32 [tilespmem:s20], [sflag:$0x3], $0x40, s31, s19, $0xb8;
	[tilespmem:$0x1B620] =	vst v63  }
0x5b: {  	_ =	swait.ge [sflag:s16], $0x3200  }
0x5c: {  	[sflag:s16] =	ssyncset.done $0x0  }
0x5d: {  	s29 =	sadd.s32 $0x320, s26;
	[sflag:s16] =	ssyncadd.s32 $0xFFFFCE00  }
0x5e: {  	[tilespmem:s14], [sflag:$0x1] =	stream.indirect.gather [hbm4b:s4+s13], $0x40, s29, s13, $0xb8;
	[tilespmem:$0x1B620] =	vst v63  }
0x5f: {  	_ =	swait.ge [sflag:s17], $0x6400  }
0x60: {  	[sflag:s17] =	ssyncset.done $0x0  }
0x61: {  	s30 =	sadd.s32 $0x28A0, s26;
	[sflag:s17] =	ssyncadd.s32 $0xFFFF9C00  }
0x62: {  	[spmem:s2] =	stream.indirect.scatter.add.f32 [tilespmem:s18], [sflag:$0x3], $0x40, s30, s19, $0xb8;
	[tilespmem:$0x1B620] =	vst v63  }
0x63: {  	_ =	swait.ge [sflag:s16], $0x3200  }
0x64: {  	[sflag:s16] =	ssyncset.done $0x0  }
0x65: {  	s31 =	sadd.s32 $0x2968, s26;
	[sflag:s16] =	ssyncadd.s32 $0xFFFFCE00  }
0x66: {  	[spmem:s2] =	stream.indirect.scatter.add.f32 [tilespmem:s21], [sflag:$0x3], $0x40, s31, s19, $0xb8;
	[tilespmem:$0x1B620] =	vst v63  }
0x67: {  	_ =	swait.ge [sflag:s16], $0x3200  }
0x68: {  	[sflag:s16] =	ssyncset.done $0x0  }
0x69: {  	[sflag:s16] =	ssyncadd.s32 $0xFFFFCE00  }
0x6a: {  	_ =	swait.ge [sflag:s12], $0x6400  }
0x6b: {  	[sflag:s12] =	ssyncset.done $0x0  }
0x6c: {  	[sflag:s12] =	ssyncadd.s32 $0xFFFF9C00  }
0x6d: {  	[spmem:s2] =	stream.indirect.scatter.add.f32 [tilespmem:s14], [sflag:$0x3], $0x40, s22, s19, $0xb8;
	[tilespmem:$0x1B620] =	vst v63  }
0x6e: {  	_ =	swait.ge [sflag:s16], $0x3200  }
0x6f: {  	[sflag:s16] =	ssyncset.done $0x0  }
0x70: {  	[sflag:s16] =	ssyncadd.s32 $0xFFFFCE00  }
0x71: {  	[spmem:s2] =	stream.indirect.scatter.add.f32 [tilespmem:s20], [sflag:$0x3], $0x40, s23, s19, $0xb8;
	[tilespmem:$0x1B620] =	vst v63  }
0x72: {  	_ =	swait.ge [sflag:s16], $0x3200  }
0x73: {  	s25 =	sadd.s32 $0x1, s25;
	[sflag:s16] =	ssyncset.done $0x0  }
0x74: {  	p0 =	sne.s32 s25, s10;
	[sflag:s16] =	ssyncadd.s32 $0xFFFFCE00  }
.Ltmp1:
0x75: {  	[bflag:$0x0] =	sbarrier.arrive $0xFFFF;
	(pc) =	sbr.rel @p0 .LBB2_1-.Ltmp1, $4  }
0x76: {  	[hbm:s9], [sflag:s24] =	dma.local [spmem:s11], $0x1400  }
0x77: {  	_ =	swait.ge [sflag:s16], $0x1400  }
0x78: {  	[sflag:s16] =	ssyncset.done $0x0  }
0x79: {  	[sflag:s16] =	ssyncadd.s32 $0xFFFFEC00  }
0x7a: {  	_ =	sfence.sel $0x180000  }
0x7b: {  	[bflag:$0x0] =	sbarrier.arrive $0xFFFF  }
0x7c: {  	p0 =	sne.s32 s0, $0x0;
	_ =	strace $0x90000050  }
0x7d: {  	s0 =	sadd.s32 @!p0 $0x100000, s1;
	[bflag:$0x2] =	sbarrier.arrive $0xFFFF  }
0x7e: {  	[sflag:s0] =	ssyncadd.tile.s32 @!p0 $0x1;
	_ =	shalt  }
.Lfunc_end2:
_tile_overlayer_lowered:
.L_overlay_start_2:
0x7f: {  	(tag) =	ssettag $0x2  }
0x80: {  	s0 =	rddreg [dreg:$0x0];
	s2 =	stileid.u32  }
0x81: {  	s1 =	rddreg [dreg:$0x1];
	p0 =	sne.s32 s2, $0x0  }
0x82: {  	s3 =	rddreg [dreg:$0x2];
	[bflag:$0x3] =	sbarrier.arrive $0xFFFF;
	s2 =	simm.s32 @!p0 $0x1C03  }
0x83: {  	[timem:s3], [sflag:s2] =	dma.local @!p0 [hbm:s0], s1  }
0x84: {  	s0 =	simm.s32 @!p0 $0x3  }
0x85: {  	_ =	swait.ge @!p0 [sflag:s0], s1  }
0x86: {  	s1 =	ssub.s32 @!p0 $0x0, s1;
	[sflag:s0] =	ssyncset.done @!p0 $0x0  }
0x87: {  	[sflag:s0] =	ssyncadd.s32 @!p0 s1  }
0x88: {  	[bflag:$0x3] =	sbarrier.arrive $0xFFFF  }
0x89: {  	_ =	shalt  }

</sc_bundles>
